<compile_context>
chip_gen: v7x
topology: tpu7x:2x2x1
jax: 0.10.2.dev20260603
libtpu: 0.0.44.dev20260713+nightly
codegen_flags: <defaults>
</compile_context>

<pallas_src>
import functools

import jax
import jax.numpy as jnp
from jax import lax
from jax.experimental import pallas as pl
from jax.experimental.pallas import tpu as pltpu
from jax.experimental.pallas import tpu_sc as plsc

N = 10000
E = 320000
H = 64
HP = 128
B = 64
L = 7

NC = 2
NS = 16
NW = NC * NS
N_PAD = 10240
ROWS_PER_TILE = N_PAD // NS
EDGES_PER_WORKER = E // NW
CHUNK = 80
NCHUNK = EDGES_PER_WORKER // CHUNK


def _segsum_body(hp_hbm, src_hbm, dst_hbm, zero_hbm, out_hbm,
                 sidx, didx, rows, acc, sem):
    c = lax.axis_index("c")
    s = lax.axis_index("s")
    wid = c * NS + s
    r0 = s * ROWS_PER_TILE
    pltpu.sync_copy(zero_hbm.at[pl.ds(r0, ROWS_PER_TILE)],
                    acc.at[pl.ds(r0, ROWS_PER_TILE)])
    plsc.subcore_barrier()

    base = wid * EDGES_PER_WORKER

    def body(j, carry):
        off = base + j * CHUNK
        pltpu.sync_copy(src_hbm.at[pl.ds(off, CHUNK)], sidx)
        pltpu.sync_copy(dst_hbm.at[pl.ds(off, CHUNK)], didx)
        pltpu.async_copy(hp_hbm.at[sidx], rows, sem).wait()
        pltpu.sync_copy(rows, acc.at[didx], add=True)
        return carry

    lax.fori_loop(0, NCHUNK, body, 0)
    plsc.subcore_barrier()
    pltpu.sync_copy(acc.at[pl.ds(r0, ROWS_PER_TILE)],
                    out_hbm.at[c, pl.ds(r0, ROWS_PER_TILE)])


@functools.cache
def _build_segsum():
    return functools.partial(
        pl.kernel,
        out_type=jax.ShapeDtypeStruct((NC, N_PAD, HP), jnp.float32),
        mesh=plsc.VectorSubcoreMesh(core_axis_name="c", subcore_axis_name="s",
                                    num_cores=NC, num_subcores=NS),
        scratch_types=[
            pltpu.VMEM((CHUNK,), jnp.int32),
            pltpu.VMEM((CHUNK,), jnp.int32),
            pltpu.VMEM((CHUNK, HP), jnp.float32),
            pltpu.VMEM_SHARED((N_PAD, HP), jnp.float32),
            pltpu.SemaphoreType.DMA,
        ],
    )(_segsum_body)


def _segsum(hp, src, dst, zeros):
    return _build_segsum()(hp, src, dst, zeros)


def _inproj_body(h_ref, w_ref, out_ref):
    out_ref[...] = jnp.dot(h_ref[...], w_ref[...],
                           preferred_element_type=jnp.float32)


def _inproj(h_in, w1p):
    return pl.pallas_call(
        _inproj_body,
        out_shape=jax.ShapeDtypeStruct((N, HP), jnp.float32),
    )(h_in, w1p)


def _mlp_body(hp_ref, a0_ref, a1_ref, b1_ref, g_ref, bt_ref, w2_ref, b2_ref,
              wn_ref, out_ref, *, last):
    z = (hp_ref[:, :H] + a0_ref[:, :H] + a1_ref[:, :H]) + b1_ref[...]
    mu = jnp.mean(z, axis=0, keepdims=True)
    zc = z - mu
    var = jnp.mean(zc * zc, axis=0, keepdims=True)
    zn = zc * lax.rsqrt(var + 1e-5) * g_ref[...] + bt_ref[...]
    r = jnp.maximum(zn, 0.0)
    h = jnp.dot(r, w2_ref[...], preferred_element_type=jnp.float32) + b2_ref[...]
    if last:
        out_ref[...] = h
    else:
        h = jnp.maximum(h, 0.0)
        out_ref[...] = jnp.dot(h, wn_ref[...],
                               preferred_element_type=jnp.float32)


def _mlp(hp, a0, a1, b1, g, bt, w2, b2, wn, last):
    width = H if last else HP
    return pl.pallas_call(
        functools.partial(_mlp_body, last=last),
        out_shape=jax.ShapeDtypeStruct((N, width), jnp.float32),
    )(hp, a0, a1, b1, g, bt, w2, b2, wn)


def _pool_body(h_ref, batch_ref, w_ref, b_ref, out_ref):
    bvec = batch_ref[...]
    ids = lax.broadcasted_iota(jnp.int32, (B, N), 0)
    onehot = (bvec == ids).astype(jnp.float32)
    sums = jnp.dot(onehot, h_ref[...], preferred_element_type=jnp.float32)
    counts = jnp.sum(onehot, axis=1, keepdims=True)
    pooled = sums / jnp.maximum(counts, 1.0)
    out_ref[...] = jnp.dot(pooled, w_ref[...],
                           preferred_element_type=jnp.float32) + b_ref[...]


def _pool(h, batch2d, lin_w, lin_b):
    return pl.pallas_call(
        _pool_body,
        out_shape=jax.ShapeDtypeStruct((B, 1), jnp.float32),
    )(h, batch2d, lin_w, lin_b)


def kernel(x, pos, edge_index, batch, params):
    src = edge_index[0]
    dst = edge_index[1]
    zeros = jnp.zeros((N_PAD, HP), jnp.float32)
    h_in = jnp.concatenate([x, pos], axis=1)

    def padw(w):
        return jnp.pad(w, ((0, 0), (0, HP - H)))

    hp = _inproj(h_in, padw(params['layer0']['W1']))
    h_final = None
    for l in range(L):
        p = params[f'layer{l}']
        parts = _segsum(hp, src, dst, zeros)
        a0 = parts[0, :N]
        a1 = parts[1, :N]
        last = l == L - 1
        wn = padw(params[f'layer{l + 1}']['W1']) if not last else p['W2']
        out = _mlp(hp,
                   a0, a1,
                   p['b1'].reshape(1, H),
                   p['gamma'].reshape(1, H),
                   p['beta'].reshape(1, H),
                   p['W2'],
                   p['b2'].reshape(1, H),
                   wn,
                   last)
        if last:
            h_final = out
        else:
            hp = out

    return _pool(h_final, batch.reshape(1, N),
                 params['lin_W'], params['lin_b'].reshape(1, 1))

# --- scband reference (transcript-rebuilt; emitter-appended) ---
"""Pipeline reference for scband-gin-89945205112918 (READ-ONLY COPY).

The authoritative reference and input builder live on the scoring server;
editing this copy changes nothing except your own understanding.
"""

import jax, jax.numpy as jnp
import numpy as np

N = 10000
E = 320000
D_FEAT = 128
IN_CH = D_FEAT + 3
H = 64
L = 7
B = 64


def setup_inputs(seed: int = 0) -> dict:
    key = jax.random.key(seed)
    k = lambda i: jax.random.fold_in(key, i)
    x = jax.random.normal(k(0), (N, D_FEAT), dtype=jnp.float32)
    pos = jax.random.normal(k(1), (N, 3), dtype=jnp.float32)
    edge_index = jax.random.randint(k(2), (2, E), 0, N, dtype=jnp.int32)
    batch = jnp.sort(jax.random.randint(k(3), (N,), 0, B, dtype=jnp.int32))
    params = {}
    ki = 10
    in_dim = IN_CH
    for l in range(L):
        s1 = 1.0 / np.sqrt(in_dim)
        s2 = 1.0 / np.sqrt(H)
        params[f'layer{l}'] = {
            'W1': jax.random.uniform(k(ki + 0), (in_dim, H), jnp.float32, -s1, s1),
            'b1': jax.random.uniform(k(ki + 1), (H,), jnp.float32, -s1, s1),
            'gamma': jnp.ones((H,), jnp.float32),
            'beta': jnp.zeros((H,), jnp.float32),
            'W2': jax.random.uniform(k(ki + 2), (H, H), jnp.float32, -s2, s2),
            'b2': jax.random.uniform(k(ki + 3), (H,), jnp.float32, -s2, s2),
        }
        ki += 4
        in_dim = H
    sl = 1.0 / np.sqrt(H)
    params['lin_W'] = jax.random.uniform(k(ki + 0), (H, 1), jnp.float32, -sl, sl)
    params['lin_b'] = jax.random.uniform(k(ki + 1), (1,), jnp.float32, -sl, sl)
    return {'x': x, 'pos': pos, 'edge_index': edge_index, 'batch': batch, 'params': params}


def _gin_forward(x, pos, edge_index, batch, params):
    src = edge_index[0]
    dst = edge_index[1]
    h = jnp.concatenate([x, pos], axis=1)  # torch.hstack([data.x, data.pos])
    eps = 0.0
    for l in range(L):
        p = params[f'layer{l}']
        # GINConv: (1+eps) * x_i + sum_{j in N(i)} x_j, then MLP
        agg = jax.ops.segment_sum(h[src], dst, num_segments=N)
        z = (1.0 + eps) * h + agg
        # MLP([in, H, H]): Linear -> BatchNorm -> ReLU -> Linear
        z = z @ p['W1'] + p['b1']
        mu = jnp.mean(z, axis=0)
        var = jnp.var(z, axis=0)
        z = (z - mu) / jnp.sqrt(var + 1e-5) * p['gamma'] + p['beta']
        z = jax.nn.relu(z)
        z = z @ p['W2'] + p['b2']
        if l < L - 1:  # BasicGNN applies act between conv layers
            z = jax.nn.relu(z)
        h = z
    # global_mean_pool
    sums = jax.ops.segment_sum(h, batch, num_segments=B)
    counts = jax.ops.segment_sum(jnp.ones((N, 1), jnp.float32), batch, num_segments=B)
    pooled = sums / jnp.maximum(counts, 1.0)
    out = pooled @ params['lin_W'] + params['lin_b']
    return out


def reference(x, pos, edge_index, batch, params):
    return _gin_forward(x, pos, edge_index, batch, params)

if __name__ == "__main__":
    import jax
    _d = setup_inputs()
    print(jax.jit(kernel)(*tuple(_d.values())))

</pallas_src>

<mosaic_0001>
#map = affine_map<(d0, d1) -> (0, 0)>
#map1 = affine_map<(d0, d1) -> (0)>
#map2 = affine_map<(d0, d1) -> (0, 0, 0)>
module attributes {stable_mosaic.version = 14 : i64} {
  func.func @_segsum_body(%arg0: i32, %arg1: i32, %arg2: memref<10000x128xf32, #tpu.memory_space<hbm>>, %arg3: memref<320000xi32, #tpu.memory_space<hbm>>, %arg4: memref<320000xi32, #tpu.memory_space<hbm>>, %arg5: memref<10240x128xf32, #tpu.memory_space<hbm>>, %arg6: memref<2x10240x128xf32, #tpu.memory_space<hbm>>, %arg7: memref<80xi32, #tpu.memory_space<vmem>>, %arg8: memref<80xi32, #tpu.memory_space<vmem>>, %arg9: memref<80x128xf32, #tpu.memory_space<vmem>>, %arg10: memref<10240x128xf32, #tpu.memory_space<vmem_shared>>, %arg11: memref<!tpu.dma_semaphore, #tpu.memory_space<semaphore_mem>>) attributes {dimension_semantics = [#tpu.dimension_semantics<core_parallel>, #tpu.dimension_semantics<subcore_parallel>], iteration_bounds = array<i64: 2, 16>, scalar_prefetch = 0 : i64, scratch_operands = 5 : i64, tpu.core_type = #tpu.core_type<sc_vector_subcore>, window_params = [{transform_indices = #map}, {transform_indices = #map1}, {transform_indices = #map1}, {transform_indices = #map}, {transform_indices = #map2}]} {
    %mul3A = arith.constant 16 : i32
    %mul3A_0 = arith.muli %arg0, %mul3A : i32
    %add3A = arith.addi %mul3A_0, %arg1 : i32
    %mul3A_1 = arith.constant 640 : i32
    %mul3A_2 = arith.muli %arg1, %mul3A_1 : i32
    "tpu.region"() ({
      %run_scoped3A = tpu.sem_alloc : memref<!tpu.dma_semaphore, #tpu.memory_space<semaphore_mem>>
      %dma_start3A = arith.constant 0 : i32
      %dma_start3A_11 = tpu.memref_slice %arg10[%mul3A_2, %dma_start3A] : memref<10240x128xf32, #tpu.memory_space<vmem_shared>> -> memref<640x128xf32, #tpu.memory_space<vmem_shared>>
      %dma_start3A_12 = arith.constant 0 : i32
      %dma_start3A_13 = tpu.memref_slice %arg5[%mul3A_2, %dma_start3A_12] : memref<10240x128xf32, #tpu.memory_space<hbm>> -> memref<640x128xf32, #tpu.memory_space<hbm>>
      tpu.enqueue_dma source(%dma_start3A_13 : memref<640x128xf32, #tpu.memory_space<hbm>>) target(%dma_start3A_11 : memref<640x128xf32, #tpu.memory_space<vmem_shared>>) target_semaphore(%run_scoped3A : memref<!tpu.dma_semaphore, #tpu.memory_space<semaphore_mem>>)
      %dma_wait3A = arith.constant 0 : i32
      %dma_wait3A_14 = tpu.memref_slice %arg10[%mul3A_2, %dma_wait3A] : memref<10240x128xf32, #tpu.memory_space<vmem_shared>> -> memref<640x128xf32, #tpu.memory_space<vmem_shared>>
      %dma_wait3A_15 = arith.constant 0 : i32
      %dma_wait3A_16 = tpu.memref_slice %arg5[%mul3A_2, %dma_wait3A_15] : memref<10240x128xf32, #tpu.memory_space<hbm>> -> memref<640x128xf32, #tpu.memory_space<hbm>>
      tpu.wait_dma2 semaphore(%run_scoped3A : memref<!tpu.dma_semaphore, #tpu.memory_space<semaphore_mem>>) src(%dma_wait3A_16 : memref<640x128xf32, #tpu.memory_space<hbm>>) dst(%dma_wait3A_14 : memref<640x128xf32, #tpu.memory_space<vmem_shared>>)
      tpu.yield
    }) : () -> ()
    %barrier3A = arith.constant 0 : index
    tpu.barrier barrier_id(%barrier3A)
    %mul3A_3 = arith.constant 10000 : i32
    %mul3A_4 = arith.muli %add3A, %mul3A_3 : i32
    %scan3A = arith.constant 0 : i32
    %scan3A_5 = arith.constant 0 : i32
    %scan3A_6 = arith.constant 125 : i32
    %scan3A_7 = arith.addi %scan3A_5, %scan3A_6 : i32
    %scan3A_8 = arith.constant 1 : i32
    scf.for %scan3A_11 = %scan3A_5 to %scan3A_7 step %scan3A_8  : i32 {
      %mul3A_12 = arith.constant 80 : i32
      %mul3A_13 = arith.muli %scan3A_11, %mul3A_12 : i32
      %add3A_14 = arith.addi %mul3A_4, %mul3A_13 : i32
      "tpu.region"() ({
        %run_scoped3A = tpu.sem_alloc : memref<!tpu.dma_semaphore, #tpu.memory_space<semaphore_mem>>
        %dma_start3A_19 = tpu.memref_slice %arg3[%add3A_14] : memref<320000xi32, #tpu.memory_space<hbm>> -> memref<80xi32, #tpu.memory_space<hbm>>
        %dma_start3A_20 = tpu.memref_slice %arg3[%add3A_14] : memref<320000xi32, #tpu.memory_space<hbm>> -> memref<80xi32, #tpu.memory_space<hbm>>
        tpu.enqueue_dma source(%dma_start3A_20 : memref<80xi32, #tpu.memory_space<hbm>>) target(%arg7 : memref<80xi32, #tpu.memory_space<vmem>>) target_semaphore(%run_scoped3A : memref<!tpu.dma_semaphore, #tpu.memory_space<semaphore_mem>>)
        %dma_wait3A_21 = tpu.memref_slice %arg3[%add3A_14] : memref<320000xi32, #tpu.memory_space<hbm>> -> memref<80xi32, #tpu.memory_space<hbm>>
        %dma_wait3A_22 = tpu.memref_slice %arg3[%add3A_14] : memref<320000xi32, #tpu.memory_space<hbm>> -> memref<80xi32, #tpu.memory_space<hbm>>
        tpu.wait_dma2 semaphore(%run_scoped3A : memref<!tpu.dma_semaphore, #tpu.memory_space<semaphore_mem>>) src(%dma_wait3A_22 : memref<80xi32, #tpu.memory_space<hbm>>) dst(%arg7 : memref<80xi32, #tpu.memory_space<vmem>>)
        tpu.yield
      }) : () -> ()
      "tpu.region"() ({
        %run_scoped3A = tpu.sem_alloc : memref<!tpu.dma_semaphore, #tpu.memory_space<semaphore_mem>>
        %dma_start3A_19 = tpu.memref_slice %arg4[%add3A_14] : memref<320000xi32, #tpu.memory_space<hbm>> -> memref<80xi32, #tpu.memory_space<hbm>>
        %dma_start3A_20 = tpu.memref_slice %arg4[%add3A_14] : memref<320000xi32, #tpu.memory_space<hbm>> -> memref<80xi32, #tpu.memory_space<hbm>>
        tpu.enqueue_dma source(%dma_start3A_20 : memref<80xi32, #tpu.memory_space<hbm>>) target(%arg8 : memref<80xi32, #tpu.memory_space<vmem>>) target_semaphore(%run_scoped3A : memref<!tpu.dma_semaphore, #tpu.memory_space<semaphore_mem>>)
        %dma_wait3A_21 = tpu.memref_slice %arg4[%add3A_14] : memref<320000xi32, #tpu.memory_space<hbm>> -> memref<80xi32, #tpu.memory_space<hbm>>
        %dma_wait3A_22 = tpu.memref_slice %arg4[%add3A_14] : memref<320000xi32, #tpu.memory_space<hbm>> -> memref<80xi32, #tpu.memory_space<hbm>>
        tpu.wait_dma2 semaphore(%run_scoped3A : memref<!tpu.dma_semaphore, #tpu.memory_space<semaphore_mem>>) src(%dma_wait3A_22 : memref<80xi32, #tpu.memory_space<hbm>>) dst(%arg8 : memref<80xi32, #tpu.memory_space<vmem>>)
        tpu.yield
      }) : () -> ()
      %dma_start3A = arith.constant 0 : i32
      %dma_start3A_15 = arith.constant 0 : i32
      %dma_start3A_16 = tpu.memref_slice %arg2[%dma_start3A, %dma_start3A_15] : memref<10000x128xf32, #tpu.memory_space<hbm>> -> memref<10000x128xf32, #tpu.memory_space<hbm>>
      tpu.enqueue_indirect_dma source(%dma_start3A_16 : memref<10000x128xf32, #tpu.memory_space<hbm>>) target(%arg9 : memref<80x128xf32, #tpu.memory_space<vmem>>) offsets(%arg7 : memref<80xi32, #tpu.memory_space<vmem>>) semaphore(%arg11 : memref<!tpu.dma_semaphore, #tpu.memory_space<semaphore_mem>>)
      %dma_wait3A = arith.constant 0 : i32
      %dma_wait3A_17 = arith.constant 0 : i32
      %dma_wait3A_18 = tpu.memref_slice %arg2[%dma_wait3A, %dma_wait3A_17] : memref<10000x128xf32, #tpu.memory_space<hbm>> -> memref<10000x128xf32, #tpu.memory_space<hbm>>
      tpu.wait_indirect_dma semaphore(%arg11 : memref<!tpu.dma_semaphore, #tpu.memory_space<semaphore_mem>>) src(%dma_wait3A_18 : memref<10000x128xf32, #tpu.memory_space<hbm>>) dst(%arg9 : memref<80x128xf32, #tpu.memory_space<vmem>>)
      "tpu.region"() ({
        %run_scoped3A = tpu.sem_alloc : memref<!tpu.dma_semaphore, #tpu.memory_space<semaphore_mem>>
        %dma_start3A_19 = arith.constant 0 : i32
        %dma_start3A_20 = arith.constant 0 : i32
        %dma_start3A_21 = tpu.memref_slice %arg10[%dma_start3A_19, %dma_start3A_20] : memref<10240x128xf32, #tpu.memory_space<vmem_shared>> -> memref<10240x128xf32, #tpu.memory_space<vmem_shared>>
        tpu.enqueue_indirect_dma source(%arg9 : memref<80x128xf32, #tpu.memory_space<vmem>>) target(%dma_start3A_21 : memref<10240x128xf32, #tpu.memory_space<vmem_shared>>) offsets(%arg8 : memref<80xi32, #tpu.memory_space<vmem>>) semaphore(%run_scoped3A : memref<!tpu.dma_semaphore, #tpu.memory_space<semaphore_mem>>) {add = true}
        %dma_wait3A_22 = arith.constant 0 : i32
        %dma_wait3A_23 = arith.constant 0 : i32
        %dma_wait3A_24 = tpu.memref_slice %arg10[%dma_wait3A_22, %dma_wait3A_23] : memref<10240x128xf32, #tpu.memory_space<vmem_shared>> -> memref<10240x128xf32, #tpu.memory_space<vmem_shared>>
        tpu.wait_indirect_dma semaphore(%run_scoped3A : memref<!tpu.dma_semaphore, #tpu.memory_space<semaphore_mem>>) src(%arg9 : memref<80x128xf32, #tpu.memory_space<vmem>>) dst(%dma_wait3A_24 : memref<10240x128xf32, #tpu.memory_space<vmem_shared>>)
        tpu.yield
      }) : () -> ()
    }
    %scan3A_9 = arith.constant 125 : i32
    %barrier3A_10 = arith.constant 0 : index
    tpu.barrier barrier_id(%barrier3A_10)
    "tpu.region"() ({
      %run_scoped3A = tpu.sem_alloc : memref<!tpu.dma_semaphore, #tpu.memory_space<semaphore_mem>>
      %dma_start3A = arith.constant 0 : i32
      %dma_start3A_11 = tpu.memref_slice %arg6[%arg0, %mul3A_2, %dma_start3A] : memref<2x10240x128xf32, #tpu.memory_space<hbm>> -> memref<1x640x128xf32, #tpu.memory_space<hbm>>
      %dma_start3A_12 = tpu.memref_squeeze %dma_start3A_11 : memref<1x640x128xf32, #tpu.memory_space<hbm>> -> memref<640x128xf32, #tpu.memory_space<hbm>>
      %dma_start3A_13 = arith.constant 0 : i32
      %dma_start3A_14 = tpu.memref_slice %arg10[%mul3A_2, %dma_start3A_13] : memref<10240x128xf32, #tpu.memory_space<vmem_shared>> -> memref<640x128xf32, #tpu.memory_space<vmem_shared>>
      tpu.enqueue_dma source(%dma_start3A_14 : memref<640x128xf32, #tpu.memory_space<vmem_shared>>) target(%dma_start3A_12 : memref<640x128xf32, #tpu.memory_space<hbm>>) target_semaphore(%run_scoped3A : memref<!tpu.dma_semaphore, #tpu.memory_space<semaphore_mem>>)
      %dma_wait3A = arith.constant 0 : i32
      %dma_wait3A_15 = tpu.memref_slice %arg6[%arg0, %mul3A_2, %dma_wait3A] : memref<2x10240x128xf32, #tpu.memory_space<hbm>> -> memref<1x640x128xf32, #tpu.memory_space<hbm>>
      %dma_wait3A_16 = tpu.memref_squeeze %dma_wait3A_15 : memref<1x640x128xf32, #tpu.memory_space<hbm>> -> memref<640x128xf32, #tpu.memory_space<hbm>>
      %dma_wait3A_17 = arith.constant 0 : i32
      %dma_wait3A_18 = tpu.memref_slice %arg10[%mul3A_2, %dma_wait3A_17] : memref<10240x128xf32, #tpu.memory_space<vmem_shared>> -> memref<640x128xf32, #tpu.memory_space<vmem_shared>>
      tpu.wait_dma2 semaphore(%run_scoped3A : memref<!tpu.dma_semaphore, #tpu.memory_space<semaphore_mem>>) src(%dma_wait3A_18 : memref<640x128xf32, #tpu.memory_space<vmem_shared>>) dst(%dma_wait3A_16 : memref<640x128xf32, #tpu.memory_space<hbm>>)
      tpu.yield
    }) : () -> ()
    return
  }
}

#map = affine_map<(d0, d1) -> (0, 0)>
#map1 = affine_map<(d0, d1) -> (0)>
#map2 = affine_map<(d0, d1) -> (0, 0, 0)>
module attributes {stable_mosaic.version = 14 : i64} {
  func.func @_segsum_body(%arg0: i32, %arg1: i32, %arg2: memref<10000x128xf32, #tpu.memory_space<hbm>>, %arg3: memref<320000xi32, #tpu.memory_space<hbm>>, %arg4: memref<320000xi32, #tpu.memory_space<hbm>>, %arg5: memref<10240x128xf32, #tpu.memory_space<hbm>>, %arg6: memref<2x10240x128xf32, #tpu.memory_space<hbm>>, %arg7: memref<80xi32, #tpu.memory_space<vmem>>, %arg8: memref<80xi32, #tpu.memory_space<vmem>>, %arg9: memref<80x128xf32, #tpu.memory_space<vmem>>, %arg10: memref<10240x128xf32, #tpu.memory_space<vmem_shared>>, %arg11: memref<!tpu.dma_semaphore, #tpu.memory_space<semaphore_mem>>) attributes {dimension_semantics = [#tpu.dimension_semantics<core_parallel>, #tpu.dimension_semantics<subcore_parallel>], iteration_bounds = array<i64: 2, 16>, scalar_prefetch = 0 : i64, scratch_operands = 5 : i64, tpu.core_type = #tpu.core_type<sc_vector_subcore>, window_params = [{transform_indices = #map}, {transform_indices = #map1}, {transform_indices = #map1}, {transform_indices = #map}, {transform_indices = #map2}]} {
    %mul3A = arith.constant 16 : i32
    %mul3A_0 = arith.muli %arg0, %mul3A : i32
    %add3A = arith.addi %mul3A_0, %arg1 : i32
    %mul3A_1 = arith.constant 640 : i32
    %mul3A_2 = arith.muli %arg1, %mul3A_1 : i32
    "tpu.region"() ({
      %run_scoped3A = tpu.sem_alloc : memref<!tpu.dma_semaphore, #tpu.memory_space<semaphore_mem>>
      %dma_start3A = arith.constant 0 : i32
      %dma_start3A_11 = tpu.memref_slice %arg10[%mul3A_2, %dma_start3A] : memref<10240x128xf32, #tpu.memory_space<vmem_shared>> -> memref<640x128xf32, #tpu.memory_space<vmem_shared>>
      %dma_start3A_12 = arith.constant 0 : i32
      %dma_start3A_13 = tpu.memref_slice %arg5[%mul3A_2, %dma_start3A_12] : memref<10240x128xf32, #tpu.memory_space<hbm>> -> memref<640x128xf32, #tpu.memory_space<hbm>>
      tpu.enqueue_dma source(%dma_start3A_13 : memref<640x128xf32, #tpu.memory_space<hbm>>) target(%dma_start3A_11 : memref<640x128xf32, #tpu.memory_space<vmem_shared>>) target_semaphore(%run_scoped3A : memref<!tpu.dma_semaphore, #tpu.memory_space<semaphore_mem>>)
      %dma_wait3A = arith.constant 0 : i32
      %dma_wait3A_14 = tpu.memref_slice %arg10[%mul3A_2, %dma_wait3A] : memref<10240x128xf32, #tpu.memory_space<vmem_shared>> -> memref<640x128xf32, #tpu.memory_space<vmem_shared>>
      %dma_wait3A_15 = arith.constant 0 : i32
      %dma_wait3A_16 = tpu.memref_slice %arg5[%mul3A_2, %dma_wait3A_15] : memref<10240x128xf32, #tpu.memory_space<hbm>> -> memref<640x128xf32, #tpu.memory_space<hbm>>
      tpu.wait_dma2 semaphore(%run_scoped3A : memref<!tpu.dma_semaphore, #tpu.memory_space<semaphore_mem>>) src(%dma_wait3A_16 : memref<640x128xf32, #tpu.memory_space<hbm>>) dst(%dma_wait3A_14 : memref<640x128xf32, #tpu.memory_space<vmem_shared>>)
      tpu.yield
    }) : () -> ()
    %barrier3A = arith.constant 0 : index
    tpu.barrier barrier_id(%barrier3A)
    %mul3A_3 = arith.constant 10000 : i32
    %mul3A_4 = arith.muli %add3A, %mul3A_3 : i32
    %scan3A = arith.constant 0 : i32
    %scan3A_5 = arith.constant 0 : i32
    %scan3A_6 = arith.constant 125 : i32
    %scan3A_7 = arith.addi %scan3A_5, %scan3A_6 : i32
    %scan3A_8 = arith.constant 1 : i32
    scf.for %scan3A_11 = %scan3A_5 to %scan3A_7 step %scan3A_8  : i32 {
      %mul3A_12 = arith.constant 80 : i32
      %mul3A_13 = arith.muli %scan3A_11, %mul3A_12 : i32
      %add3A_14 = arith.addi %mul3A_4, %mul3A_13 : i32
      "tpu.region"() ({
        %run_scoped3A = tpu.sem_alloc : memref<!tpu.dma_semaphore, #tpu.memory_space<semaphore_mem>>
        %dma_start3A_19 = tpu.memref_slice %arg3[%add3A_14] : memref<320000xi32, #tpu.memory_space<hbm>> -> memref<80xi32, #tpu.memory_space<hbm>>
        %dma_start3A_20 = tpu.memref_slice %arg3[%add3A_14] : memref<320000xi32, #tpu.memory_space<hbm>> -> memref<80xi32, #tpu.memory_space<hbm>>
        tpu.enqueue_dma source(%dma_start3A_20 : memref<80xi32, #tpu.memory_space<hbm>>) target(%arg7 : memref<80xi32, #tpu.memory_space<vmem>>) target_semaphore(%run_scoped3A : memref<!tpu.dma_semaphore, #tpu.memory_space<semaphore_mem>>)
        %dma_wait3A_21 = tpu.memref_slice %arg3[%add3A_14] : memref<320000xi32, #tpu.memory_space<hbm>> -> memref<80xi32, #tpu.memory_space<hbm>>
        %dma_wait3A_22 = tpu.memref_slice %arg3[%add3A_14] : memref<320000xi32, #tpu.memory_space<hbm>> -> memref<80xi32, #tpu.memory_space<hbm>>
        tpu.wait_dma2 semaphore(%run_scoped3A : memref<!tpu.dma_semaphore, #tpu.memory_space<semaphore_mem>>) src(%dma_wait3A_22 : memref<80xi32, #tpu.memory_space<hbm>>) dst(%arg7 : memref<80xi32, #tpu.memory_space<vmem>>)
        tpu.yield
      }) : () -> ()
      "tpu.region"() ({
        %run_scoped3A = tpu.sem_alloc : memref<!tpu.dma_semaphore, #tpu.memory_space<semaphore_mem>>
        %dma_start3A_19 = tpu.memref_slice %arg4[%add3A_14] : memref<320000xi32, #tpu.memory_space<hbm>> -> memref<80xi32, #tpu.memory_space<hbm>>
        %dma_start3A_20 = tpu.memref_slice %arg4[%add3A_14] : memref<320000xi32, #tpu.memory_space<hbm>> -> memref<80xi32, #tpu.memory_space<hbm>>
        tpu.enqueue_dma source(%dma_start3A_20 : memref<80xi32, #tpu.memory_space<hbm>>) target(%arg8 : memref<80xi32, #tpu.memory_space<vmem>>) target_semaphore(%run_scoped3A : memref<!tpu.dma_semaphore, #tpu.memory_space<semaphore_mem>>)
        %dma_wait3A_21 = tpu.memref_slice %arg4[%add3A_14] : memref<320000xi32, #tpu.memory_space<hbm>> -> memref<80xi32, #tpu.memory_space<hbm>>
        %dma_wait3A_22 = tpu.memref_slice %arg4[%add3A_14] : memref<320000xi32, #tpu.memory_space<hbm>> -> memref<80xi32, #tpu.memory_space<hbm>>
        tpu.wait_dma2 semaphore(%run_scoped3A : memref<!tpu.dma_semaphore, #tpu.memory_space<semaphore_mem>>) src(%dma_wait3A_22 : memref<80xi32, #tpu.memory_space<hbm>>) dst(%arg8 : memref<80xi32, #tpu.memory_space<vmem>>)
        tpu.yield
      }) : () -> ()
      %dma_start3A = arith.constant 0 : i32
      %dma_start3A_15 = arith.constant 0 : i32
      %dma_start3A_16 = tpu.memref_slice %arg2[%dma_start3A, %dma_start3A_15] : memref<10000x128xf32, #tpu.memory_space<hbm>> -> memref<10000x128xf32, #tpu.memory_space<hbm>>
      tpu.enqueue_indirect_dma source(%dma_start3A_16 : memref<10000x128xf32, #tpu.memory_space<hbm>>) target(%arg9 : memref<80x128xf32, #tpu.memory_space<vmem>>) offsets(%arg7 : memref<80xi32, #tpu.memory_space<vmem>>) semaphore(%arg11 : memref<!tpu.dma_semaphore, #tpu.memory_space<semaphore_mem>>)
      %dma_wait3A = arith.constant 0 : i32
      %dma_wait3A_17 = arith.constant 0 : i32
      %dma_wait3A_18 = tpu.memref_slice %arg2[%dma_wait3A, %dma_wait3A_17] : memref<10000x128xf32, #tpu.memory_space<hbm>> -> memref<10000x128xf32, #tpu.memory_space<hbm>>
      tpu.wait_indirect_dma semaphore(%arg11 : memref<!tpu.dma_semaphore, #tpu.memory_space<semaphore_mem>>) src(%dma_wait3A_18 : memref<10000x128xf32, #tpu.memory_space<hbm>>) dst(%arg9 : memref<80x128xf32, #tpu.memory_space<vmem>>)
      "tpu.region"() ({
        %run_scoped3A = tpu.sem_alloc : memref<!tpu.dma_semaphore, #tpu.memory_space<semaphore_mem>>
        %dma_start3A_19 = arith.constant 0 : i32
        %dma_start3A_20 = arith.constant 0 : i32
        %dma_start3A_21 = tpu.memref_slice %arg10[%dma_start3A_19, %dma_start3A_20] : memref<10240x128xf32, #tpu.memory_space<vmem_shared>> -> memref<10240x128xf32, #tpu.memory_space<vmem_shared>>
        tpu.enqueue_indirect_dma source(%arg9 : memref<80x128xf32, #tpu.memory_space<vmem>>) target(%dma_start3A_21 : memref<10240x128xf32, #tpu.memory_space<vmem_shared>>) offsets(%arg8 : memref<80xi32, #tpu.memory_space<vmem>>) semaphore(%run_scoped3A : memref<!tpu.dma_semaphore, #tpu.memory_space<semaphore_mem>>) {add = true}
        %dma_wait3A_22 = arith.constant 0 : i32
        %dma_wait3A_23 = arith.constant 0 : i32
        %dma_wait3A_24 = tpu.memref_slice %arg10[%dma_wait3A_22, %dma_wait3A_23] : memref<10240x128xf32, #tpu.memory_space<vmem_shared>> -> memref<10240x128xf32, #tpu.memory_space<vmem_shared>>
        tpu.wait_indirect_dma semaphore(%run_scoped3A : memref<!tpu.dma_semaphore, #tpu.memory_space<semaphore_mem>>) src(%arg9 : memref<80x128xf32, #tpu.memory_space<vmem>>) dst(%dma_wait3A_24 : memref<10240x128xf32, #tpu.memory_space<vmem_shared>>)
        tpu.yield
      }) : () -> ()
    }
    %scan3A_9 = arith.constant 125 : i32
    %barrier3A_10 = arith.constant 0 : index
    tpu.barrier barrier_id(%barrier3A_10)
    "tpu.region"() ({
      %run_scoped3A = tpu.sem_alloc : memref<!tpu.dma_semaphore, #tpu.memory_space<semaphore_mem>>
      %dma_start3A = arith.constant 0 : i32
      %dma_start3A_11 = tpu.memref_slice %arg6[%arg0, %mul3A_2, %dma_start3A] : memref<2x10240x128xf32, #tpu.memory_space<hbm>> -> memref<1x640x128xf32, #tpu.memory_space<hbm>>
      %dma_start3A_12 = tpu.memref_squeeze %dma_start3A_11 : memref<1x640x128xf32, #tpu.memory_space<hbm>> -> memref<640x128xf32, #tpu.memory_space<hbm>>
      %dma_start3A_13 = arith.constant 0 : i32
      %dma_start3A_14 = tpu.memref_slice %arg10[%mul3A_2, %dma_start3A_13] : memref<10240x128xf32, #tpu.memory_space<vmem_shared>> -> memref<640x128xf32, #tpu.memory_space<vmem_shared>>
      tpu.enqueue_dma source(%dma_start3A_14 : memref<640x128xf32, #tpu.memory_space<vmem_shared>>) target(%dma_start3A_12 : memref<640x128xf32, #tpu.memory_space<hbm>>) target_semaphore(%run_scoped3A : memref<!tpu.dma_semaphore, #tpu.memory_space<semaphore_mem>>)
      %dma_wait3A = arith.constant 0 : i32
      %dma_wait3A_15 = tpu.memref_slice %arg6[%arg0, %mul3A_2, %dma_wait3A] : memref<2x10240x128xf32, #tpu.memory_space<hbm>> -> memref<1x640x128xf32, #tpu.memory_space<hbm>>
      %dma_wait3A_16 = tpu.memref_squeeze %dma_wait3A_15 : memref<1x640x128xf32, #tpu.memory_space<hbm>> -> memref<640x128xf32, #tpu.memory_space<hbm>>
      %dma_wait3A_17 = arith.constant 0 : i32
      %dma_wait3A_18 = tpu.memref_slice %arg10[%mul3A_2, %dma_wait3A_17] : memref<10240x128xf32, #tpu.memory_space<vmem_shared>> -> memref<640x128xf32, #tpu.memory_space<vmem_shared>>
      tpu.wait_dma2 semaphore(%run_scoped3A : memref<!tpu.dma_semaphore, #tpu.memory_space<semaphore_mem>>) src(%dma_wait3A_18 : memref<640x128xf32, #tpu.memory_space<vmem_shared>>) dst(%dma_wait3A_16 : memref<640x128xf32, #tpu.memory_space<hbm>>)
      tpu.yield
    }) : () -> ()
    return
  }
}

#map = affine_map<(d0, d1) -> (0, 0)>
#map1 = affine_map<(d0, d1) -> (0)>
#map2 = affine_map<(d0, d1) -> (0, 0, 0)>
module attributes {stable_mosaic.version = 14 : i64} {
  func.func @_segsum_body(%arg0: i32, %arg1: i32, %arg2: memref<10000x128xf32, #tpu.memory_space<hbm>>, %arg3: memref<320000xi32, #tpu.memory_space<hbm>>, %arg4: memref<320000xi32, #tpu.memory_space<hbm>>, %arg5: memref<10240x128xf32, #tpu.memory_space<hbm>>, %arg6: memref<2x10240x128xf32, #tpu.memory_space<hbm>>, %arg7: memref<80xi32, #tpu.memory_space<vmem>>, %arg8: memref<80xi32, #tpu.memory_space<vmem>>, %arg9: memref<80x128xf32, #tpu.memory_space<vmem>>, %arg10: memref<10240x128xf32, #tpu.memory_space<vmem_shared>>, %arg11: memref<!tpu.dma_semaphore, #tpu.memory_space<semaphore_mem>>) attributes {dimension_semantics = [#tpu.dimension_semantics<core_parallel>, #tpu.dimension_semantics<subcore_parallel>], iteration_bounds = array<i64: 2, 16>, scalar_prefetch = 0 : i64, scratch_operands = 5 : i64, tpu.core_type = #tpu.core_type<sc_vector_subcore>, window_params = [{transform_indices = #map}, {transform_indices = #map1}, {transform_indices = #map1}, {transform_indices = #map}, {transform_indices = #map2}]} {
    %mul3A = arith.constant 16 : i32
    %mul3A_0 = arith.muli %arg0, %mul3A : i32
    %add3A = arith.addi %mul3A_0, %arg1 : i32
    %mul3A_1 = arith.constant 640 : i32
    %mul3A_2 = arith.muli %arg1, %mul3A_1 : i32
    "tpu.region"() ({
      %run_scoped3A = tpu.sem_alloc : memref<!tpu.dma_semaphore, #tpu.memory_space<semaphore_mem>>
      %dma_start3A = arith.constant 0 : i32
      %dma_start3A_11 = tpu.memref_slice %arg10[%mul3A_2, %dma_start3A] : memref<10240x128xf32, #tpu.memory_space<vmem_shared>> -> memref<640x128xf32, #tpu.memory_space<vmem_shared>>
      %dma_start3A_12 = arith.constant 0 : i32
      %dma_start3A_13 = tpu.memref_slice %arg5[%mul3A_2, %dma_start3A_12] : memref<10240x128xf32, #tpu.memory_space<hbm>> -> memref<640x128xf32, #tpu.memory_space<hbm>>
      tpu.enqueue_dma source(%dma_start3A_13 : memref<640x128xf32, #tpu.memory_space<hbm>>) target(%dma_start3A_11 : memref<640x128xf32, #tpu.memory_space<vmem_shared>>) target_semaphore(%run_scoped3A : memref<!tpu.dma_semaphore, #tpu.memory_space<semaphore_mem>>)
      %dma_wait3A = arith.constant 0 : i32
      %dma_wait3A_14 = tpu.memref_slice %arg10[%mul3A_2, %dma_wait3A] : memref<10240x128xf32, #tpu.memory_space<vmem_shared>> -> memref<640x128xf32, #tpu.memory_space<vmem_shared>>
      %dma_wait3A_15 = arith.constant 0 : i32
      %dma_wait3A_16 = tpu.memref_slice %arg5[%mul3A_2, %dma_wait3A_15] : memref<10240x128xf32, #tpu.memory_space<hbm>> -> memref<640x128xf32, #tpu.memory_space<hbm>>
      tpu.wait_dma2 semaphore(%run_scoped3A : memref<!tpu.dma_semaphore, #tpu.memory_space<semaphore_mem>>) src(%dma_wait3A_16 : memref<640x128xf32, #tpu.memory_space<hbm>>) dst(%dma_wait3A_14 : memref<640x128xf32, #tpu.memory_space<vmem_shared>>)
      tpu.yield
    }) : () -> ()
    %barrier3A = arith.constant 0 : index
    tpu.barrier barrier_id(%barrier3A)
    %mul3A_3 = arith.constant 10000 : i32
    %mul3A_4 = arith.muli %add3A, %mul3A_3 : i32
    %scan3A = arith.constant 0 : i32
    %scan3A_5 = arith.constant 0 : i32
    %scan3A_6 = arith.constant 125 : i32
    %scan3A_7 = arith.addi %scan3A_5, %scan3A_6 : i32
    %scan3A_8 = arith.constant 1 : i32
    scf.for %scan3A_11 = %scan3A_5 to %scan3A_7 step %scan3A_8  : i32 {
      %mul3A_12 = arith.constant 80 : i32
      %mul3A_13 = arith.muli %scan3A_11, %mul3A_12 : i32
      %add3A_14 = arith.addi %mul3A_4, %mul3A_13 : i32
      "tpu.region"() ({
        %run_scoped3A = tpu.sem_alloc : memref<!tpu.dma_semaphore, #tpu.memory_space<semaphore_mem>>
        %dma_start3A_19 = tpu.memref_slice %arg3[%add3A_14] : memref<320000xi32, #tpu.memory_space<hbm>> -> memref<80xi32, #tpu.memory_space<hbm>>
        %dma_start3A_20 = tpu.memref_slice %arg3[%add3A_14] : memref<320000xi32, #tpu.memory_space<hbm>> -> memref<80xi32, #tpu.memory_space<hbm>>
        tpu.enqueue_dma source(%dma_start3A_20 : memref<80xi32, #tpu.memory_space<hbm>>) target(%arg7 : memref<80xi32, #tpu.memory_space<vmem>>) target_semaphore(%run_scoped3A : memref<!tpu.dma_semaphore, #tpu.memory_space<semaphore_mem>>)
        %dma_wait3A_21 = tpu.memref_slice %arg3[%add3A_14] : memref<320000xi32, #tpu.memory_space<hbm>> -> memref<80xi32, #tpu.memory_space<hbm>>
        %dma_wait3A_22 = tpu.memref_slice %arg3[%add3A_14] : memref<320000xi32, #tpu.memory_space<hbm>> -> memref<80xi32, #tpu.memory_space<hbm>>
        tpu.wait_dma2 semaphore(%run_scoped3A : memref<!tpu.dma_semaphore, #tpu.memory_space<semaphore_mem>>) src(%dma_wait3A_22 : memref<80xi32, #tpu.memory_space<hbm>>) dst(%arg7 : memref<80xi32, #tpu.memory_space<vmem>>)
        tpu.yield
      }) : () -> ()
      "tpu.region"() ({
        %run_scoped3A = tpu.sem_alloc : memref<!tpu.dma_semaphore, #tpu.memory_space<semaphore_mem>>
        %dma_start3A_19 = tpu.memref_slice %arg4[%add3A_14] : memref<320000xi32, #tpu.memory_space<hbm>> -> memref<80xi32, #tpu.memory_space<hbm>>
        %dma_start3A_20 = tpu.memref_slice %arg4[%add3A_14] : memref<320000xi32, #tpu.memory_space<hbm>> -> memref<80xi32, #tpu.memory_space<hbm>>
        tpu.enqueue_dma source(%dma_start3A_20 : memref<80xi32, #tpu.memory_space<hbm>>) target(%arg8 : memref<80xi32, #tpu.memory_space<vmem>>) target_semaphore(%run_scoped3A : memref<!tpu.dma_semaphore, #tpu.memory_space<semaphore_mem>>)
        %dma_wait3A_21 = tpu.memref_slice %arg4[%add3A_14] : memref<320000xi32, #tpu.memory_space<hbm>> -> memref<80xi32, #tpu.memory_space<hbm>>
        %dma_wait3A_22 = tpu.memref_slice %arg4[%add3A_14] : memref<320000xi32, #tpu.memory_space<hbm>> -> memref<80xi32, #tpu.memory_space<hbm>>
        tpu.wait_dma2 semaphore(%run_scoped3A : memref<!tpu.dma_semaphore, #tpu.memory_space<semaphore_mem>>) src(%dma_wait3A_22 : memref<80xi32, #tpu.memory_space<hbm>>) dst(%arg8 : memref<80xi32, #tpu.memory_space<vmem>>)
        tpu.yield
      }) : () -> ()
      %dma_start3A = arith.constant 0 : i32
      %dma_start3A_15 = arith.constant 0 : i32
      %dma_start3A_16 = tpu.memref_slice %arg2[%dma_start3A, %dma_start3A_15] : memref<10000x128xf32, #tpu.memory_space<hbm>> -> memref<10000x128xf32, #tpu.memory_space<hbm>>
      tpu.enqueue_indirect_dma source(%dma_start3A_16 : memref<10000x128xf32, #tpu.memory_space<hbm>>) target(%arg9 : memref<80x128xf32, #tpu.memory_space<vmem>>) offsets(%arg7 : memref<80xi32, #tpu.memory_space<vmem>>) semaphore(%arg11 : memref<!tpu.dma_semaphore, #tpu.memory_space<semaphore_mem>>)
      %dma_wait3A = arith.constant 0 : i32
      %dma_wait3A_17 = arith.constant 0 : i32
      %dma_wait3A_18 = tpu.memref_slice %arg2[%dma_wait3A, %dma_wait3A_17] : memref<10000x128xf32, #tpu.memory_space<hbm>> -> memref<10000x128xf32, #tpu.memory_space<hbm>>
      tpu.wait_indirect_dma semaphore(%arg11 : memref<!tpu.dma_semaphore, #tpu.memory_space<semaphore_mem>>) src(%dma_wait3A_18 : memref<10000x128xf32, #tpu.memory_space<hbm>>) dst(%arg9 : memref<80x128xf32, #tpu.memory_space<vmem>>)
      "tpu.region"() ({
        %run_scoped3A = tpu.sem_alloc : memref<!tpu.dma_semaphore, #tpu.memory_space<semaphore_mem>>
        %dma_start3A_19 = arith.constant 0 : i32
        %dma_start3A_20 = arith.constant 0 : i32
        %dma_start3A_21 = tpu.memref_slice %arg10[%dma_start3A_19, %dma_start3A_20] : memref<10240x128xf32, #tpu.memory_space<vmem_shared>> -> memref<10240x128xf32, #tpu.memory_space<vmem_shared>>
        tpu.enqueue_indirect_dma source(%arg9 : memref<80x128xf32, #tpu.memory_space<vmem>>) target(%dma_start3A_21 : memref<10240x128xf32, #tpu.memory_space<vmem_shared>>) offsets(%arg8 : memref<80xi32, #tpu.memory_space<vmem>>) semaphore(%run_scoped3A : memref<!tpu.dma_semaphore, #tpu.memory_space<semaphore_mem>>) {add = true}
        %dma_wait3A_22 = arith.constant 0 : i32
        %dma_wait3A_23 = arith.constant 0 : i32
        %dma_wait3A_24 = tpu.memref_slice %arg10[%dma_wait3A_22, %dma_wait3A_23] : memref<10240x128xf32, #tpu.memory_space<vmem_shared>> -> memref<10240x128xf32, #tpu.memory_space<vmem_shared>>
        tpu.wait_indirect_dma semaphore(%run_scoped3A : memref<!tpu.dma_semaphore, #tpu.memory_space<semaphore_mem>>) src(%arg9 : memref<80x128xf32, #tpu.memory_space<vmem>>) dst(%dma_wait3A_24 : memref<10240x128xf32, #tpu.memory_space<vmem_shared>>)
        tpu.yield
      }) : () -> ()
    }
    %scan3A_9 = arith.constant 125 : i32
    %barrier3A_10 = arith.constant 0 : index
    tpu.barrier barrier_id(%barrier3A_10)
    "tpu.region"() ({
      %run_scoped3A = tpu.sem_alloc : memref<!tpu.dma_semaphore, #tpu.memory_space<semaphore_mem>>
      %dma_start3A = arith.constant 0 : i32
      %dma_start3A_11 = tpu.memref_slice %arg6[%arg0, %mul3A_2, %dma_start3A] : memref<2x10240x128xf32, #tpu.memory_space<hbm>> -> memref<1x640x128xf32, #tpu.memory_space<hbm>>
      %dma_start3A_12 = tpu.memref_squeeze %dma_start3A_11 : memref<1x640x128xf32, #tpu.memory_space<hbm>> -> memref<640x128xf32, #tpu.memory_space<hbm>>
      %dma_start3A_13 = arith.constant 0 : i32
      %dma_start3A_14 = tpu.memref_slice %arg10[%mul3A_2, %dma_start3A_13] : memref<10240x128xf32, #tpu.memory_space<vmem_shared>> -> memref<640x128xf32, #tpu.memory_space<vmem_shared>>
      tpu.enqueue_dma source(%dma_start3A_14 : memref<640x128xf32, #tpu.memory_space<vmem_shared>>) target(%dma_start3A_12 : memref<640x128xf32, #tpu.memory_space<hbm>>) target_semaphore(%run_scoped3A : memref<!tpu.dma_semaphore, #tpu.memory_space<semaphore_mem>>)
      %dma_wait3A = arith.constant 0 : i32
      %dma_wait3A_15 = tpu.memref_slice %arg6[%arg0, %mul3A_2, %dma_wait3A] : memref<2x10240x128xf32, #tpu.memory_space<hbm>> -> memref<1x640x128xf32, #tpu.memory_space<hbm>>
      %dma_wait3A_16 = tpu.memref_squeeze %dma_wait3A_15 : memref<1x640x128xf32, #tpu.memory_space<hbm>> -> memref<640x128xf32, #tpu.memory_space<hbm>>
      %dma_wait3A_17 = arith.constant 0 : i32
      %dma_wait3A_18 = tpu.memref_slice %arg10[%mul3A_2, %dma_wait3A_17] : memref<10240x128xf32, #tpu.memory_space<vmem_shared>> -> memref<640x128xf32, #tpu.memory_space<vmem_shared>>
      tpu.wait_dma2 semaphore(%run_scoped3A : memref<!tpu.dma_semaphore, #tpu.memory_space<semaphore_mem>>) src(%dma_wait3A_18 : memref<640x128xf32, #tpu.memory_space<vmem_shared>>) dst(%dma_wait3A_16 : memref<640x128xf32, #tpu.memory_space<hbm>>)
      tpu.yield
    }) : () -> ()
    return
  }
}

#map = affine_map<(d0, d1) -> (0, 0)>
#map1 = affine_map<(d0, d1) -> (0)>
#map2 = affine_map<(d0, d1) -> (0, 0, 0)>
module attributes {stable_mosaic.version = 14 : i64} {
  func.func @_segsum_body(%arg0: i32, %arg1: i32, %arg2: memref<10000x128xf32, #tpu.memory_space<hbm>>, %arg3: memref<320000xi32, #tpu.memory_space<hbm>>, %arg4: memref<320000xi32, #tpu.memory_space<hbm>>, %arg5: memref<10240x128xf32, #tpu.memory_space<hbm>>, %arg6: memref<2x10240x128xf32, #tpu.memory_space<hbm>>, %arg7: memref<80xi32, #tpu.memory_space<vmem>>, %arg8: memref<80xi32, #tpu.memory_space<vmem>>, %arg9: memref<80x128xf32, #tpu.memory_space<vmem>>, %arg10: memref<10240x128xf32, #tpu.memory_space<vmem_shared>>, %arg11: memref<!tpu.dma_semaphore, #tpu.memory_space<semaphore_mem>>) attributes {dimension_semantics = [#tpu.dimension_semantics<core_parallel>, #tpu.dimension_semantics<subcore_parallel>], iteration_bounds = array<i64: 2, 16>, scalar_prefetch = 0 : i64, scratch_operands = 5 : i64, tpu.core_type = #tpu.core_type<sc_vector_subcore>, window_params = [{transform_indices = #map}, {transform_indices = #map1}, {transform_indices = #map1}, {transform_indices = #map}, {transform_indices = #map2}]} {
    %mul3A = arith.constant 16 : i32
    %mul3A_0 = arith.muli %arg0, %mul3A : i32
    %add3A = arith.addi %mul3A_0, %arg1 : i32
    %mul3A_1 = arith.constant 640 : i32
    %mul3A_2 = arith.muli %arg1, %mul3A_1 : i32
    "tpu.region"() ({
      %run_scoped3A = tpu.sem_alloc : memref<!tpu.dma_semaphore, #tpu.memory_space<semaphore_mem>>
      %dma_start3A = arith.constant 0 : i32
      %dma_start3A_11 = tpu.memref_slice %arg10[%mul3A_2, %dma_start3A] : memref<10240x128xf32, #tpu.memory_space<vmem_shared>> -> memref<640x128xf32, #tpu.memory_space<vmem_shared>>
      %dma_start3A_12 = arith.constant 0 : i32
      %dma_start3A_13 = tpu.memref_slice %arg5[%mul3A_2, %dma_start3A_12] : memref<10240x128xf32, #tpu.memory_space<hbm>> -> memref<640x128xf32, #tpu.memory_space<hbm>>
      tpu.enqueue_dma source(%dma_start3A_13 : memref<640x128xf32, #tpu.memory_space<hbm>>) target(%dma_start3A_11 : memref<640x128xf32, #tpu.memory_space<vmem_shared>>) target_semaphore(%run_scoped3A : memref<!tpu.dma_semaphore, #tpu.memory_space<semaphore_mem>>)
      %dma_wait3A = arith.constant 0 : i32
      %dma_wait3A_14 = tpu.memref_slice %arg10[%mul3A_2, %dma_wait3A] : memref<10240x128xf32, #tpu.memory_space<vmem_shared>> -> memref<640x128xf32, #tpu.memory_space<vmem_shared>>
      %dma_wait3A_15 = arith.constant 0 : i32
      %dma_wait3A_16 = tpu.memref_slice %arg5[%mul3A_2, %dma_wait3A_15] : memref<10240x128xf32, #tpu.memory_space<hbm>> -> memref<640x128xf32, #tpu.memory_space<hbm>>
      tpu.wait_dma2 semaphore(%run_scoped3A : memref<!tpu.dma_semaphore, #tpu.memory_space<semaphore_mem>>) src(%dma_wait3A_16 : memref<640x128xf32, #tpu.memory_space<hbm>>) dst(%dma_wait3A_14 : memref<640x128xf32, #tpu.memory_space<vmem_shared>>)
      tpu.yield
    }) : () -> ()
    %barrier3A = arith.constant 0 : index
    tpu.barrier barrier_id(%barrier3A)
    %mul3A_3 = arith.constant 10000 : i32
    %mul3A_4 = arith.muli %add3A, %mul3A_3 : i32
    %scan3A = arith.constant 0 : i32
    %scan3A_5 = arith.constant 0 : i32
    %scan3A_6 = arith.constant 125 : i32
    %scan3A_7 = arith.addi %scan3A_5, %scan3A_6 : i32
    %scan3A_8 = arith.constant 1 : i32
    scf.for %scan3A_11 = %scan3A_5 to %scan3A_7 step %scan3A_8  : i32 {
      %mul3A_12 = arith.constant 80 : i32
      %mul3A_13 = arith.muli %scan3A_11, %mul3A_12 : i32
      %add3A_14 = arith.addi %mul3A_4, %mul3A_13 : i32
      "tpu.region"() ({
        %run_scoped3A = tpu.sem_alloc : memref<!tpu.dma_semaphore, #tpu.memory_space<semaphore_mem>>
        %dma_start3A_19 = tpu.memref_slice %arg3[%add3A_14] : memref<320000xi32, #tpu.memory_space<hbm>> -> memref<80xi32, #tpu.memory_space<hbm>>
        %dma_start3A_20 = tpu.memref_slice %arg3[%add3A_14] : memref<320000xi32, #tpu.memory_space<hbm>> -> memref<80xi32, #tpu.memory_space<hbm>>
        tpu.enqueue_dma source(%dma_start3A_20 : memref<80xi32, #tpu.memory_space<hbm>>) target(%arg7 : memref<80xi32, #tpu.memory_space<vmem>>) target_semaphore(%run_scoped3A : memref<!tpu.dma_semaphore, #tpu.memory_space<semaphore_mem>>)
        %dma_wait3A_21 = tpu.memref_slice %arg3[%add3A_14] : memref<320000xi32, #tpu.memory_space<hbm>> -> memref<80xi32, #tpu.memory_space<hbm>>
        %dma_wait3A_22 = tpu.memref_slice %arg3[%add3A_14] : memref<320000xi32, #tpu.memory_space<hbm>> -> memref<80xi32, #tpu.memory_space<hbm>>
        tpu.wait_dma2 semaphore(%run_scoped3A : memref<!tpu.dma_semaphore, #tpu.memory_space<semaphore_mem>>) src(%dma_wait3A_22 : memref<80xi32, #tpu.memory_space<hbm>>) dst(%arg7 : memref<80xi32, #tpu.memory_space<vmem>>)
        tpu.yield
      }) : () -> ()
      "tpu.region"() ({
        %run_scoped3A = tpu.sem_alloc : memref<!tpu.dma_semaphore, #tpu.memory_space<semaphore_mem>>
        %dma_start3A_19 = tpu.memref_slice %arg4[%add3A_14] : memref<320000xi32, #tpu.memory_space<hbm>> -> memref<80xi32, #tpu.memory_space<hbm>>
        %dma_start3A_20 = tpu.memref_slice %arg4[%add3A_14] : memref<320000xi32, #tpu.memory_space<hbm>> -> memref<80xi32, #tpu.memory_space<hbm>>
        tpu.enqueue_dma source(%dma_start3A_20 : memref<80xi32, #tpu.memory_space<hbm>>) target(%arg8 : memref<80xi32, #tpu.memory_space<vmem>>) target_semaphore(%run_scoped3A : memref<!tpu.dma_semaphore, #tpu.memory_space<semaphore_mem>>)
        %dma_wait3A_21 = tpu.memref_slice %arg4[%add3A_14] : memref<320000xi32, #tpu.memory_space<hbm>> -> memref<80xi32, #tpu.memory_space<hbm>>
        %dma_wait3A_22 = tpu.memref_slice %arg4[%add3A_14] : memref<320000xi32, #tpu.memory_space<hbm>> -> memref<80xi32, #tpu.memory_space<hbm>>
        tpu.wait_dma2 semaphore(%run_scoped3A : memref<!tpu.dma_semaphore, #tpu.memory_space<semaphore_mem>>) src(%dma_wait3A_22 : memref<80xi32, #tpu.memory_space<hbm>>) dst(%arg8 : memref<80xi32, #tpu.memory_space<vmem>>)
        tpu.yield
      }) : () -> ()
      %dma_start3A = arith.constant 0 : i32
      %dma_start3A_15 = arith.constant 0 : i32
      %dma_start3A_16 = tpu.memref_slice %arg2[%dma_start3A, %dma_start3A_15] : memref<10000x128xf32, #tpu.memory_space<hbm>> -> memref<10000x128xf32, #tpu.memory_space<hbm>>
      tpu.enqueue_indirect_dma source(%dma_start3A_16 : memref<10000x128xf32, #tpu.memory_space<hbm>>) target(%arg9 : memref<80x128xf32, #tpu.memory_space<vmem>>) offsets(%arg7 : memref<80xi32, #tpu.memory_space<vmem>>) semaphore(%arg11 : memref<!tpu.dma_semaphore, #tpu.memory_space<semaphore_mem>>)
      %dma_wait3A = arith.constant 0 : i32
      %dma_wait3A_17 = arith.constant 0 : i32
      %dma_wait3A_18 = tpu.memref_slice %arg2[%dma_wait3A, %dma_wait3A_17] : memref<10000x128xf32, #tpu.memory_space<hbm>> -> memref<10000x128xf32, #tpu.memory_space<hbm>>
      tpu.wait_indirect_dma semaphore(%arg11 : memref<!tpu.dma_semaphore, #tpu.memory_space<semaphore_mem>>) src(%dma_wait3A_18 : memref<10000x128xf32, #tpu.memory_space<hbm>>) dst(%arg9 : memref<80x128xf32, #tpu.memory_space<vmem>>)
      "tpu.region"() ({
        %run_scoped3A = tpu.sem_alloc : memref<!tpu.dma_semaphore, #tpu.memory_space<semaphore_mem>>
        %dma_start3A_19 = arith.constant 0 : i32
        %dma_start3A_20 = arith.constant 0 : i32
        %dma_start3A_21 = tpu.memref_slice %arg10[%dma_start3A_19, %dma_start3A_20] : memref<10240x128xf32, #tpu.memory_space<vmem_shared>> -> memref<10240x128xf32, #tpu.memory_space<vmem_shared>>
        tpu.enqueue_indirect_dma source(%arg9 : memref<80x128xf32, #tpu.memory_space<vmem>>) target(%dma_start3A_21 : memref<10240x128xf32, #tpu.memory_space<vmem_shared>>) offsets(%arg8 : memref<80xi32, #tpu.memory_space<vmem>>) semaphore(%run_scoped3A : memref<!tpu.dma_semaphore, #tpu.memory_space<semaphore_mem>>) {add = true}
        %dma_wait3A_22 = arith.constant 0 : i32
        %dma_wait3A_23 = arith.constant 0 : i32
        %dma_wait3A_24 = tpu.memref_slice %arg10[%dma_wait3A_22, %dma_wait3A_23] : memref<10240x128xf32, #tpu.memory_space<vmem_shared>> -> memref<10240x128xf32, #tpu.memory_space<vmem_shared>>
        tpu.wait_indirect_dma semaphore(%run_scoped3A : memref<!tpu.dma_semaphore, #tpu.memory_space<semaphore_mem>>) src(%arg9 : memref<80x128xf32, #tpu.memory_space<vmem>>) dst(%dma_wait3A_24 : memref<10240x128xf32, #tpu.memory_space<vmem_shared>>)
        tpu.yield
      }) : () -> ()
    }
    %scan3A_9 = arith.constant 125 : i32
    %barrier3A_10 = arith.constant 0 : index
    tpu.barrier barrier_id(%barrier3A_10)
    "tpu.region"() ({
      %run_scoped3A = tpu.sem_alloc : memref<!tpu.dma_semaphore, #tpu.memory_space<semaphore_mem>>
      %dma_start3A = arith.constant 0 : i32
      %dma_start3A_11 = tpu.memref_slice %arg6[%arg0, %mul3A_2, %dma_start3A] : memref<2x10240x128xf32, #tpu.memory_space<hbm>> -> memref<1x640x128xf32, #tpu.memory_space<hbm>>
      %dma_start3A_12 = tpu.memref_squeeze %dma_start3A_11 : memref<1x640x128xf32, #tpu.memory_space<hbm>> -> memref<640x128xf32, #tpu.memory_space<hbm>>
      %dma_start3A_13 = arith.constant 0 : i32
      %dma_start3A_14 = tpu.memref_slice %arg10[%mul3A_2, %dma_start3A_13] : memref<10240x128xf32, #tpu.memory_space<vmem_shared>> -> memref<640x128xf32, #tpu.memory_space<vmem_shared>>
      tpu.enqueue_dma source(%dma_start3A_14 : memref<640x128xf32, #tpu.memory_space<vmem_shared>>) target(%dma_start3A_12 : memref<640x128xf32, #tpu.memory_space<hbm>>) target_semaphore(%run_scoped3A : memref<!tpu.dma_semaphore, #tpu.memory_space<semaphore_mem>>)
      %dma_wait3A = arith.constant 0 : i32
      %dma_wait3A_15 = tpu.memref_slice %arg6[%arg0, %mul3A_2, %dma_wait3A] : memref<2x10240x128xf32, #tpu.memory_space<hbm>> -> memref<1x640x128xf32, #tpu.memory_space<hbm>>
      %dma_wait3A_16 = tpu.memref_squeeze %dma_wait3A_15 : memref<1x640x128xf32, #tpu.memory_space<hbm>> -> memref<640x128xf32, #tpu.memory_space<hbm>>
      %dma_wait3A_17 = arith.constant 0 : i32
      %dma_wait3A_18 = tpu.memref_slice %arg10[%mul3A_2, %dma_wait3A_17] : memref<10240x128xf32, #tpu.memory_space<vmem_shared>> -> memref<640x128xf32, #tpu.memory_space<vmem_shared>>
      tpu.wait_dma2 semaphore(%run_scoped3A : memref<!tpu.dma_semaphore, #tpu.memory_space<semaphore_mem>>) src(%dma_wait3A_18 : memref<640x128xf32, #tpu.memory_space<vmem_shared>>) dst(%dma_wait3A_16 : memref<640x128xf32, #tpu.memory_space<hbm>>)
      tpu.yield
    }) : () -> ()
    return
  }
}

#map = affine_map<(d0, d1) -> (0, 0)>
#map1 = affine_map<(d0, d1) -> (0)>
#map2 = affine_map<(d0, d1) -> (0, 0, 0)>
module attributes {stable_mosaic.version = 14 : i64} {
  func.func @_segsum_body(%arg0: i32, %arg1: i32, %arg2: memref<10000x128xf32, #tpu.memory_space<hbm>>, %arg3: memref<320000xi32, #tpu.memory_space<hbm>>, %arg4: memref<320000xi32, #tpu.memory_space<hbm>>, %arg5: memref<10240x128xf32, #tpu.memory_space<hbm>>, %arg6: memref<2x10240x128xf32, #tpu.memory_space<hbm>>, %arg7: memref<80xi32, #tpu.memory_space<vmem>>, %arg8: memref<80xi32, #tpu.memory_space<vmem>>, %arg9: memref<80x128xf32, #tpu.memory_space<vmem>>, %arg10: memref<10240x128xf32, #tpu.memory_space<vmem_shared>>, %arg11: memref<!tpu.dma_semaphore, #tpu.memory_space<semaphore_mem>>) attributes {dimension_semantics = [#tpu.dimension_semantics<core_parallel>, #tpu.dimension_semantics<subcore_parallel>], iteration_bounds = array<i64: 2, 16>, scalar_prefetch = 0 : i64, scratch_operands = 5 : i64, tpu.core_type = #tpu.core_type<sc_vector_subcore>, window_params = [{transform_indices = #map}, {transform_indices = #map1}, {transform_indices = #map1}, {transform_indices = #map}, {transform_indices = #map2}]} {
    %mul3A = arith.constant 16 : i32
    %mul3A_0 = arith.muli %arg0, %mul3A : i32
    %add3A = arith.addi %mul3A_0, %arg1 : i32
    %mul3A_1 = arith.constant 640 : i32
    %mul3A_2 = arith.muli %arg1, %mul3A_1 : i32
    "tpu.region"() ({
      %run_scoped3A = tpu.sem_alloc : memref<!tpu.dma_semaphore, #tpu.memory_space<semaphore_mem>>
      %dma_start3A = arith.constant 0 : i32
      %dma_start3A_11 = tpu.memref_slice %arg10[%mul3A_2, %dma_start3A] : memref<10240x128xf32, #tpu.memory_space<vmem_shared>> -> memref<640x128xf32, #tpu.memory_space<vmem_shared>>
      %dma_start3A_12 = arith.constant 0 : i32
      %dma_start3A_13 = tpu.memref_slice %arg5[%mul3A_2, %dma_start3A_12] : memref<10240x128xf32, #tpu.memory_space<hbm>> -> memref<640x128xf32, #tpu.memory_space<hbm>>
      tpu.enqueue_dma source(%dma_start3A_13 : memref<640x128xf32, #tpu.memory_space<hbm>>) target(%dma_start3A_11 : memref<640x128xf32, #tpu.memory_space<vmem_shared>>) target_semaphore(%run_scoped3A : memref<!tpu.dma_semaphore, #tpu.memory_space<semaphore_mem>>)
      %dma_wait3A = arith.constant 0 : i32
      %dma_wait3A_14 = tpu.memref_slice %arg10[%mul3A_2, %dma_wait3A] : memref<10240x128xf32, #tpu.memory_space<vmem_shared>> -> memref<640x128xf32, #tpu.memory_space<vmem_shared>>
      %dma_wait3A_15 = arith.constant 0 : i32
      %dma_wait3A_16 = tpu.memref_slice %arg5[%mul3A_2, %dma_wait3A_15] : memref<10240x128xf32, #tpu.memory_space<hbm>> -> memref<640x128xf32, #tpu.memory_space<hbm>>
      tpu.wait_dma2 semaphore(%run_scoped3A : memref<!tpu.dma_semaphore, #tpu.memory_space<semaphore_mem>>) src(%dma_wait3A_16 : memref<640x128xf32, #tpu.memory_space<hbm>>) dst(%dma_wait3A_14 : memref<640x128xf32, #tpu.memory_space<vmem_shared>>)
      tpu.yield
    }) : () -> ()
    %barrier3A = arith.constant 0 : index
    tpu.barrier barrier_id(%barrier3A)
    %mul3A_3 = arith.constant 10000 : i32
    %mul3A_4 = arith.muli %add3A, %mul3A_3 : i32
    %scan3A = arith.constant 0 : i32
    %scan3A_5 = arith.constant 0 : i32
    %scan3A_6 = arith.constant 125 : i32
    %scan3A_7 = arith.addi %scan3A_5, %scan3A_6 : i32
    %scan3A_8 = arith.constant 1 : i32
    scf.for %scan3A_11 = %scan3A_5 to %scan3A_7 step %scan3A_8  : i32 {
      %mul3A_12 = arith.constant 80 : i32
      %mul3A_13 = arith.muli %scan3A_11, %mul3A_12 : i32
      %add3A_14 = arith.addi %mul3A_4, %mul3A_13 : i32
      "tpu.region"() ({
        %run_scoped3A = tpu.sem_alloc : memref<!tpu.dma_semaphore, #tpu.memory_space<semaphore_mem>>
        %dma_start3A_19 = tpu.memref_slice %arg3[%add3A_14] : memref<320000xi32, #tpu.memory_space<hbm>> -> memref<80xi32, #tpu.memory_space<hbm>>
        %dma_start3A_20 = tpu.memref_slice %arg3[%add3A_14] : memref<320000xi32, #tpu.memory_space<hbm>> -> memref<80xi32, #tpu.memory_space<hbm>>
        tpu.enqueue_dma source(%dma_start3A_20 : memref<80xi32, #tpu.memory_space<hbm>>) target(%arg7 : memref<80xi32, #tpu.memory_space<vmem>>) target_semaphore(%run_scoped3A : memref<!tpu.dma_semaphore, #tpu.memory_space<semaphore_mem>>)
        %dma_wait3A_21 = tpu.memref_slice %arg3[%add3A_14] : memref<320000xi32, #tpu.memory_space<hbm>> -> memref<80xi32, #tpu.memory_space<hbm>>
        %dma_wait3A_22 = tpu.memref_slice %arg3[%add3A_14] : memref<320000xi32, #tpu.memory_space<hbm>> -> memref<80xi32, #tpu.memory_space<hbm>>
        tpu.wait_dma2 semaphore(%run_scoped3A : memref<!tpu.dma_semaphore, #tpu.memory_space<semaphore_mem>>) src(%dma_wait3A_22 : memref<80xi32, #tpu.memory_space<hbm>>) dst(%arg7 : memref<80xi32, #tpu.memory_space<vmem>>)
        tpu.yield
      }) : () -> ()
      "tpu.region"() ({
        %run_scoped3A = tpu.sem_alloc : memref<!tpu.dma_semaphore, #tpu.memory_space<semaphore_mem>>
        %dma_start3A_19 = tpu.memref_slice %arg4[%add3A_14] : memref<320000xi32, #tpu.memory_space<hbm>> -> memref<80xi32, #tpu.memory_space<hbm>>
        %dma_start3A_20 = tpu.memref_slice %arg4[%add3A_14] : memref<320000xi32, #tpu.memory_space<hbm>> -> memref<80xi32, #tpu.memory_space<hbm>>
        tpu.enqueue_dma source(%dma_start3A_20 : memref<80xi32, #tpu.memory_space<hbm>>) target(%arg8 : memref<80xi32, #tpu.memory_space<vmem>>) target_semaphore(%run_scoped3A : memref<!tpu.dma_semaphore, #tpu.memory_space<semaphore_mem>>)
        %dma_wait3A_21 = tpu.memref_slice %arg4[%add3A_14] : memref<320000xi32, #tpu.memory_space<hbm>> -> memref<80xi32, #tpu.memory_space<hbm>>
        %dma_wait3A_22 = tpu.memref_slice %arg4[%add3A_14] : memref<320000xi32, #tpu.memory_space<hbm>> -> memref<80xi32, #tpu.memory_space<hbm>>
        tpu.wait_dma2 semaphore(%run_scoped3A : memref<!tpu.dma_semaphore, #tpu.memory_space<semaphore_mem>>) src(%dma_wait3A_22 : memref<80xi32, #tpu.memory_space<hbm>>) dst(%arg8 : memref<80xi32, #tpu.memory_space<vmem>>)
        tpu.yield
      }) : () -> ()
      %dma_start3A = arith.constant 0 : i32
      %dma_start3A_15 = arith.constant 0 : i32
      %dma_start3A_16 = tpu.memref_slice %arg2[%dma_start3A, %dma_start3A_15] : memref<10000x128xf32, #tpu.memory_space<hbm>> -> memref<10000x128xf32, #tpu.memory_space<hbm>>
      tpu.enqueue_indirect_dma source(%dma_start3A_16 : memref<10000x128xf32, #tpu.memory_space<hbm>>) target(%arg9 : memref<80x128xf32, #tpu.memory_space<vmem>>) offsets(%arg7 : memref<80xi32, #tpu.memory_space<vmem>>) semaphore(%arg11 : memref<!tpu.dma_semaphore, #tpu.memory_space<semaphore_mem>>)
      %dma_wait3A = arith.constant 0 : i32
      %dma_wait3A_17 = arith.constant 0 : i32
      %dma_wait3A_18 = tpu.memref_slice %arg2[%dma_wait3A, %dma_wait3A_17] : memref<10000x128xf32, #tpu.memory_space<hbm>> -> memref<10000x128xf32, #tpu.memory_space<hbm>>
      tpu.wait_indirect_dma semaphore(%arg11 : memref<!tpu.dma_semaphore, #tpu.memory_space<semaphore_mem>>) src(%dma_wait3A_18 : memref<10000x128xf32, #tpu.memory_space<hbm>>) dst(%arg9 : memref<80x128xf32, #tpu.memory_space<vmem>>)
      "tpu.region"() ({
        %run_scoped3A = tpu.sem_alloc : memref<!tpu.dma_semaphore, #tpu.memory_space<semaphore_mem>>
        %dma_start3A_19 = arith.constant 0 : i32
        %dma_start3A_20 = arith.constant 0 : i32
        %dma_start3A_21 = tpu.memref_slice %arg10[%dma_start3A_19, %dma_start3A_20] : memref<10240x128xf32, #tpu.memory_space<vmem_shared>> -> memref<10240x128xf32, #tpu.memory_space<vmem_shared>>
        tpu.enqueue_indirect_dma source(%arg9 : memref<80x128xf32, #tpu.memory_space<vmem>>) target(%dma_start3A_21 : memref<10240x128xf32, #tpu.memory_space<vmem_shared>>) offsets(%arg8 : memref<80xi32, #tpu.memory_space<vmem>>) semaphore(%run_scoped3A : memref<!tpu.dma_semaphore, #tpu.memory_space<semaphore_mem>>) {add = true}
        %dma_wait3A_22 = arith.constant 0 : i32
        %dma_wait3A_23 = arith.constant 0 : i32
        %dma_wait3A_24 = tpu.memref_slice %arg10[%dma_wait3A_22, %dma_wait3A_23] : memref<10240x128xf32, #tpu.memory_space<vmem_shared>> -> memref<10240x128xf32, #tpu.memory_space<vmem_shared>>
        tpu.wait_indirect_dma semaphore(%run_scoped3A : memref<!tpu.dma_semaphore, #tpu.memory_space<semaphore_mem>>) src(%arg9 : memref<80x128xf32, #tpu.memory_space<vmem>>) dst(%dma_wait3A_24 : memref<10240x128xf32, #tpu.memory_space<vmem_shared>>)
        tpu.yield
      }) : () -> ()
    }
    %scan3A_9 = arith.constant 125 : i32
    %barrier3A_10 = arith.constant 0 : index
    tpu.barrier barrier_id(%barrier3A_10)
    "tpu.region"() ({
      %run_scoped3A = tpu.sem_alloc : memref<!tpu.dma_semaphore, #tpu.memory_space<semaphore_mem>>
      %dma_start3A = arith.constant 0 : i32
      %dma_start3A_11 = tpu.memref_slice %arg6[%arg0, %mul3A_2, %dma_start3A] : memref<2x10240x128xf32, #tpu.memory_space<hbm>> -> memref<1x640x128xf32, #tpu.memory_space<hbm>>
      %dma_start3A_12 = tpu.memref_squeeze %dma_start3A_11 : memref<1x640x128xf32, #tpu.memory_space<hbm>> -> memref<640x128xf32, #tpu.memory_space<hbm>>
      %dma_start3A_13 = arith.constant 0 : i32
      %dma_start3A_14 = tpu.memref_slice %arg10[%mul3A_2, %dma_start3A_13] : memref<10240x128xf32, #tpu.memory_space<vmem_shared>> -> memref<640x128xf32, #tpu.memory_space<vmem_shared>>
      tpu.enqueue_dma source(%dma_start3A_14 : memref<640x128xf32, #tpu.memory_space<vmem_shared>>) target(%dma_start3A_12 : memref<640x128xf32, #tpu.memory_space<hbm>>) target_semaphore(%run_scoped3A : memref<!tpu.dma_semaphore, #tpu.memory_space<semaphore_mem>>)
      %dma_wait3A = arith.constant 0 : i32
      %dma_wait3A_15 = tpu.memref_slice %arg6[%arg0, %mul3A_2, %dma_wait3A] : memref<2x10240x128xf32, #tpu.memory_space<hbm>> -> memref<1x640x128xf32, #tpu.memory_space<hbm>>
      %dma_wait3A_16 = tpu.memref_squeeze %dma_wait3A_15 : memref<1x640x128xf32, #tpu.memory_space<hbm>> -> memref<640x128xf32, #tpu.memory_space<hbm>>
      %dma_wait3A_17 = arith.constant 0 : i32
      %dma_wait3A_18 = tpu.memref_slice %arg10[%mul3A_2, %dma_wait3A_17] : memref<10240x128xf32, #tpu.memory_space<vmem_shared>> -> memref<640x128xf32, #tpu.memory_space<vmem_shared>>
      tpu.wait_dma2 semaphore(%run_scoped3A : memref<!tpu.dma_semaphore, #tpu.memory_space<semaphore_mem>>) src(%dma_wait3A_18 : memref<640x128xf32, #tpu.memory_space<vmem_shared>>) dst(%dma_wait3A_16 : memref<640x128xf32, #tpu.memory_space<hbm>>)
      tpu.yield
    }) : () -> ()
    return
  }
}

#map = affine_map<(d0, d1) -> (0, 0)>
#map1 = affine_map<(d0, d1) -> (0)>
#map2 = affine_map<(d0, d1) -> (0, 0, 0)>
module attributes {stable_mosaic.version = 14 : i64} {
  func.func @_segsum_body(%arg0: i32, %arg1: i32, %arg2: memref<10000x128xf32, #tpu.memory_space<hbm>>, %arg3: memref<320000xi32, #tpu.memory_space<hbm>>, %arg4: memref<320000xi32, #tpu.memory_space<hbm>>, %arg5: memref<10240x128xf32, #tpu.memory_space<hbm>>, %arg6: memref<2x10240x128xf32, #tpu.memory_space<hbm>>, %arg7: memref<80xi32, #tpu.memory_space<vmem>>, %arg8: memref<80xi32, #tpu.memory_space<vmem>>, %arg9: memref<80x128xf32, #tpu.memory_space<vmem>>, %arg10: memref<10240x128xf32, #tpu.memory_space<vmem_shared>>, %arg11: memref<!tpu.dma_semaphore, #tpu.memory_space<semaphore_mem>>) attributes {dimension_semantics = [#tpu.dimension_semantics<core_parallel>, #tpu.dimension_semantics<subcore_parallel>], iteration_bounds = array<i64: 2, 16>, scalar_prefetch = 0 : i64, scratch_operands = 5 : i64, tpu.core_type = #tpu.core_type<sc_vector_subcore>, window_params = [{transform_indices = #map}, {transform_indices = #map1}, {transform_indices = #map1}, {transform_indices = #map}, {transform_indices = #map2}]} {
    %mul3A = arith.constant 16 : i32
    %mul3A_0 = arith.muli %arg0, %mul3A : i32
    %add3A = arith.addi %mul3A_0, %arg1 : i32
    %mul3A_1 = arith.constant 640 : i32
    %mul3A_2 = arith.muli %arg1, %mul3A_1 : i32
    "tpu.region"() ({
      %run_scoped3A = tpu.sem_alloc : memref<!tpu.dma_semaphore, #tpu.memory_space<semaphore_mem>>
      %dma_start3A = arith.constant 0 : i32
      %dma_start3A_11 = tpu.memref_slice %arg10[%mul3A_2, %dma_start3A] : memref<10240x128xf32, #tpu.memory_space<vmem_shared>> -> memref<640x128xf32, #tpu.memory_space<vmem_shared>>
      %dma_start3A_12 = arith.constant 0 : i32
      %dma_start3A_13 = tpu.memref_slice %arg5[%mul3A_2, %dma_start3A_12] : memref<10240x128xf32, #tpu.memory_space<hbm>> -> memref<640x128xf32, #tpu.memory_space<hbm>>
      tpu.enqueue_dma source(%dma_start3A_13 : memref<640x128xf32, #tpu.memory_space<hbm>>) target(%dma_start3A_11 : memref<640x128xf32, #tpu.memory_space<vmem_shared>>) target_semaphore(%run_scoped3A : memref<!tpu.dma_semaphore, #tpu.memory_space<semaphore_mem>>)
      %dma_wait3A = arith.constant 0 : i32
      %dma_wait3A_14 = tpu.memref_slice %arg10[%mul3A_2, %dma_wait3A] : memref<10240x128xf32, #tpu.memory_space<vmem_shared>> -> memref<640x128xf32, #tpu.memory_space<vmem_shared>>
      %dma_wait3A_15 = arith.constant 0 : i32
      %dma_wait3A_16 = tpu.memref_slice %arg5[%mul3A_2, %dma_wait3A_15] : memref<10240x128xf32, #tpu.memory_space<hbm>> -> memref<640x128xf32, #tpu.memory_space<hbm>>
      tpu.wait_dma2 semaphore(%run_scoped3A : memref<!tpu.dma_semaphore, #tpu.memory_space<semaphore_mem>>) src(%dma_wait3A_16 : memref<640x128xf32, #tpu.memory_space<hbm>>) dst(%dma_wait3A_14 : memref<640x128xf32, #tpu.memory_space<vmem_shared>>)
      tpu.yield
    }) : () -> ()
    %barrier3A = arith.constant 0 : index
    tpu.barrier barrier_id(%barrier3A)
    %mul3A_3 = arith.constant 10000 : i32
    %mul3A_4 = arith.muli %add3A, %mul3A_3 : i32
    %scan3A = arith.constant 0 : i32
    %scan3A_5 = arith.constant 0 : i32
    %scan3A_6 = arith.constant 125 : i32
    %scan3A_7 = arith.addi %scan3A_5, %scan3A_6 : i32
    %scan3A_8 = arith.constant 1 : i32
    scf.for %scan3A_11 = %scan3A_5 to %scan3A_7 step %scan3A_8  : i32 {
      %mul3A_12 = arith.constant 80 : i32
      %mul3A_13 = arith.muli %scan3A_11, %mul3A_12 : i32
      %add3A_14 = arith.addi %mul3A_4, %mul3A_13 : i32
      "tpu.region"() ({
        %run_scoped3A = tpu.sem_alloc : memref<!tpu.dma_semaphore, #tpu.memory_space<semaphore_mem>>
        %dma_start3A_19 = tpu.memref_slice %arg3[%add3A_14] : memref<320000xi32, #tpu.memory_space<hbm>> -> memref<80xi32, #tpu.memory_space<hbm>>
        %dma_start3A_20 = tpu.memref_slice %arg3[%add3A_14] : memref<320000xi32, #tpu.memory_space<hbm>> -> memref<80xi32, #tpu.memory_space<hbm>>
        tpu.enqueue_dma source(%dma_start3A_20 : memref<80xi32, #tpu.memory_space<hbm>>) target(%arg7 : memref<80xi32, #tpu.memory_space<vmem>>) target_semaphore(%run_scoped3A : memref<!tpu.dma_semaphore, #tpu.memory_space<semaphore_mem>>)
        %dma_wait3A_21 = tpu.memref_slice %arg3[%add3A_14] : memref<320000xi32, #tpu.memory_space<hbm>> -> memref<80xi32, #tpu.memory_space<hbm>>
        %dma_wait3A_22 = tpu.memref_slice %arg3[%add3A_14] : memref<320000xi32, #tpu.memory_space<hbm>> -> memref<80xi32, #tpu.memory_space<hbm>>
        tpu.wait_dma2 semaphore(%run_scoped3A : memref<!tpu.dma_semaphore, #tpu.memory_space<semaphore_mem>>) src(%dma_wait3A_22 : memref<80xi32, #tpu.memory_space<hbm>>) dst(%arg7 : memref<80xi32, #tpu.memory_space<vmem>>)
        tpu.yield
      }) : () -> ()
      "tpu.region"() ({
        %run_scoped3A = tpu.sem_alloc : memref<!tpu.dma_semaphore, #tpu.memory_space<semaphore_mem>>
        %dma_start3A_19 = tpu.memref_slice %arg4[%add3A_14] : memref<320000xi32, #tpu.memory_space<hbm>> -> memref<80xi32, #tpu.memory_space<hbm>>
        %dma_start3A_20 = tpu.memref_slice %arg4[%add3A_14] : memref<320000xi32, #tpu.memory_space<hbm>> -> memref<80xi32, #tpu.memory_space<hbm>>
        tpu.enqueue_dma source(%dma_start3A_20 : memref<80xi32, #tpu.memory_space<hbm>>) target(%arg8 : memref<80xi32, #tpu.memory_space<vmem>>) target_semaphore(%run_scoped3A : memref<!tpu.dma_semaphore, #tpu.memory_space<semaphore_mem>>)
        %dma_wait3A_21 = tpu.memref_slice %arg4[%add3A_14] : memref<320000xi32, #tpu.memory_space<hbm>> -> memref<80xi32, #tpu.memory_space<hbm>>
        %dma_wait3A_22 = tpu.memref_slice %arg4[%add3A_14] : memref<320000xi32, #tpu.memory_space<hbm>> -> memref<80xi32, #tpu.memory_space<hbm>>
        tpu.wait_dma2 semaphore(%run_scoped3A : memref<!tpu.dma_semaphore, #tpu.memory_space<semaphore_mem>>) src(%dma_wait3A_22 : memref<80xi32, #tpu.memory_space<hbm>>) dst(%arg8 : memref<80xi32, #tpu.memory_space<vmem>>)
        tpu.yield
      }) : () -> ()
      %dma_start3A = arith.constant 0 : i32
      %dma_start3A_15 = arith.constant 0 : i32
      %dma_start3A_16 = tpu.memref_slice %arg2[%dma_start3A, %dma_start3A_15] : memref<10000x128xf32, #tpu.memory_space<hbm>> -> memref<10000x128xf32, #tpu.memory_space<hbm>>
      tpu.enqueue_indirect_dma source(%dma_start3A_16 : memref<10000x128xf32, #tpu.memory_space<hbm>>) target(%arg9 : memref<80x128xf32, #tpu.memory_space<vmem>>) offsets(%arg7 : memref<80xi32, #tpu.memory_space<vmem>>) semaphore(%arg11 : memref<!tpu.dma_semaphore, #tpu.memory_space<semaphore_mem>>)
      %dma_wait3A = arith.constant 0 : i32
      %dma_wait3A_17 = arith.constant 0 : i32
      %dma_wait3A_18 = tpu.memref_slice %arg2[%dma_wait3A, %dma_wait3A_17] : memref<10000x128xf32, #tpu.memory_space<hbm>> -> memref<10000x128xf32, #tpu.memory_space<hbm>>
      tpu.wait_indirect_dma semaphore(%arg11 : memref<!tpu.dma_semaphore, #tpu.memory_space<semaphore_mem>>) src(%dma_wait3A_18 : memref<10000x128xf32, #tpu.memory_space<hbm>>) dst(%arg9 : memref<80x128xf32, #tpu.memory_space<vmem>>)
      "tpu.region"() ({
        %run_scoped3A = tpu.sem_alloc : memref<!tpu.dma_semaphore, #tpu.memory_space<semaphore_mem>>
        %dma_start3A_19 = arith.constant 0 : i32
        %dma_start3A_20 = arith.constant 0 : i32
        %dma_start3A_21 = tpu.memref_slice %arg10[%dma_start3A_19, %dma_start3A_20] : memref<10240x128xf32, #tpu.memory_space<vmem_shared>> -> memref<10240x128xf32, #tpu.memory_space<vmem_shared>>
        tpu.enqueue_indirect_dma source(%arg9 : memref<80x128xf32, #tpu.memory_space<vmem>>) target(%dma_start3A_21 : memref<10240x128xf32, #tpu.memory_space<vmem_shared>>) offsets(%arg8 : memref<80xi32, #tpu.memory_space<vmem>>) semaphore(%run_scoped3A : memref<!tpu.dma_semaphore, #tpu.memory_space<semaphore_mem>>) {add = true}
        %dma_wait3A_22 = arith.constant 0 : i32
        %dma_wait3A_23 = arith.constant 0 : i32
        %dma_wait3A_24 = tpu.memref_slice %arg10[%dma_wait3A_22, %dma_wait3A_23] : memref<10240x128xf32, #tpu.memory_space<vmem_shared>> -> memref<10240x128xf32, #tpu.memory_space<vmem_shared>>
        tpu.wait_indirect_dma semaphore(%run_scoped3A : memref<!tpu.dma_semaphore, #tpu.memory_space<semaphore_mem>>) src(%arg9 : memref<80x128xf32, #tpu.memory_space<vmem>>) dst(%dma_wait3A_24 : memref<10240x128xf32, #tpu.memory_space<vmem_shared>>)
        tpu.yield
      }) : () -> ()
    }
    %scan3A_9 = arith.constant 125 : i32
    %barrier3A_10 = arith.constant 0 : index
    tpu.barrier barrier_id(%barrier3A_10)
    "tpu.region"() ({
      %run_scoped3A = tpu.sem_alloc : memref<!tpu.dma_semaphore, #tpu.memory_space<semaphore_mem>>
      %dma_start3A = arith.constant 0 : i32
      %dma_start3A_11 = tpu.memref_slice %arg6[%arg0, %mul3A_2, %dma_start3A] : memref<2x10240x128xf32, #tpu.memory_space<hbm>> -> memref<1x640x128xf32, #tpu.memory_space<hbm>>
      %dma_start3A_12 = tpu.memref_squeeze %dma_start3A_11 : memref<1x640x128xf32, #tpu.memory_space<hbm>> -> memref<640x128xf32, #tpu.memory_space<hbm>>
      %dma_start3A_13 = arith.constant 0 : i32
      %dma_start3A_14 = tpu.memref_slice %arg10[%mul3A_2, %dma_start3A_13] : memref<10240x128xf32, #tpu.memory_space<vmem_shared>> -> memref<640x128xf32, #tpu.memory_space<vmem_shared>>
      tpu.enqueue_dma source(%dma_start3A_14 : memref<640x128xf32, #tpu.memory_space<vmem_shared>>) target(%dma_start3A_12 : memref<640x128xf32, #tpu.memory_space<hbm>>) target_semaphore(%run_scoped3A : memref<!tpu.dma_semaphore, #tpu.memory_space<semaphore_mem>>)
      %dma_wait3A = arith.constant 0 : i32
      %dma_wait3A_15 = tpu.memref_slice %arg6[%arg0, %mul3A_2, %dma_wait3A] : memref<2x10240x128xf32, #tpu.memory_space<hbm>> -> memref<1x640x128xf32, #tpu.memory_space<hbm>>
      %dma_wait3A_16 = tpu.memref_squeeze %dma_wait3A_15 : memref<1x640x128xf32, #tpu.memory_space<hbm>> -> memref<640x128xf32, #tpu.memory_space<hbm>>
      %dma_wait3A_17 = arith.constant 0 : i32
      %dma_wait3A_18 = tpu.memref_slice %arg10[%mul3A_2, %dma_wait3A_17] : memref<10240x128xf32, #tpu.memory_space<vmem_shared>> -> memref<640x128xf32, #tpu.memory_space<vmem_shared>>
      tpu.wait_dma2 semaphore(%run_scoped3A : memref<!tpu.dma_semaphore, #tpu.memory_space<semaphore_mem>>) src(%dma_wait3A_18 : memref<640x128xf32, #tpu.memory_space<vmem_shared>>) dst(%dma_wait3A_16 : memref<640x128xf32, #tpu.memory_space<hbm>>)
      tpu.yield
    }) : () -> ()
    return
  }
}

#map = affine_map<(d0, d1) -> (0, 0)>
#map1 = affine_map<(d0, d1) -> (0)>
#map2 = affine_map<(d0, d1) -> (0, 0, 0)>
module attributes {stable_mosaic.version = 14 : i64} {
  func.func @_segsum_body(%arg0: i32, %arg1: i32, %arg2: memref<10000x128xf32, #tpu.memory_space<hbm>>, %arg3: memref<320000xi32, #tpu.memory_space<hbm>>, %arg4: memref<320000xi32, #tpu.memory_space<hbm>>, %arg5: memref<10240x128xf32, #tpu.memory_space<hbm>>, %arg6: memref<2x10240x128xf32, #tpu.memory_space<hbm>>, %arg7: memref<80xi32, #tpu.memory_space<vmem>>, %arg8: memref<80xi32, #tpu.memory_space<vmem>>, %arg9: memref<80x128xf32, #tpu.memory_space<vmem>>, %arg10: memref<10240x128xf32, #tpu.memory_space<vmem_shared>>, %arg11: memref<!tpu.dma_semaphore, #tpu.memory_space<semaphore_mem>>) attributes {dimension_semantics = [#tpu.dimension_semantics<core_parallel>, #tpu.dimension_semantics<subcore_parallel>], iteration_bounds = array<i64: 2, 16>, scalar_prefetch = 0 : i64, scratch_operands = 5 : i64, tpu.core_type = #tpu.core_type<sc_vector_subcore>, window_params = [{transform_indices = #map}, {transform_indices = #map1}, {transform_indices = #map1}, {transform_indices = #map}, {transform_indices = #map2}]} {
    %mul3A = arith.constant 16 : i32
    %mul3A_0 = arith.muli %arg0, %mul3A : i32
    %add3A = arith.addi %mul3A_0, %arg1 : i32
    %mul3A_1 = arith.constant 640 : i32
    %mul3A_2 = arith.muli %arg1, %mul3A_1 : i32
    "tpu.region"() ({
      %run_scoped3A = tpu.sem_alloc : memref<!tpu.dma_semaphore, #tpu.memory_space<semaphore_mem>>
      %dma_start3A = arith.constant 0 : i32
      %dma_start3A_11 = tpu.memref_slice %arg10[%mul3A_2, %dma_start3A] : memref<10240x128xf32, #tpu.memory_space<vmem_shared>> -> memref<640x128xf32, #tpu.memory_space<vmem_shared>>
      %dma_start3A_12 = arith.constant 0 : i32
      %dma_start3A_13 = tpu.memref_slice %arg5[%mul3A_2, %dma_start3A_12] : memref<10240x128xf32, #tpu.memory_space<hbm>> -> memref<640x128xf32, #tpu.memory_space<hbm>>
      tpu.enqueue_dma source(%dma_start3A_13 : memref<640x128xf32, #tpu.memory_space<hbm>>) target(%dma_start3A_11 : memref<640x128xf32, #tpu.memory_space<vmem_shared>>) target_semaphore(%run_scoped3A : memref<!tpu.dma_semaphore, #tpu.memory_space<semaphore_mem>>)
      %dma_wait3A = arith.constant 0 : i32
      %dma_wait3A_14 = tpu.memref_slice %arg10[%mul3A_2, %dma_wait3A] : memref<10240x128xf32, #tpu.memory_space<vmem_shared>> -> memref<640x128xf32, #tpu.memory_space<vmem_shared>>
      %dma_wait3A_15 = arith.constant 0 : i32
      %dma_wait3A_16 = tpu.memref_slice %arg5[%mul3A_2, %dma_wait3A_15] : memref<10240x128xf32, #tpu.memory_space<hbm>> -> memref<640x128xf32, #tpu.memory_space<hbm>>
      tpu.wait_dma2 semaphore(%run_scoped3A : memref<!tpu.dma_semaphore, #tpu.memory_space<semaphore_mem>>) src(%dma_wait3A_16 : memref<640x128xf32, #tpu.memory_space<hbm>>) dst(%dma_wait3A_14 : memref<640x128xf32, #tpu.memory_space<vmem_shared>>)
      tpu.yield
    }) : () -> ()
    %barrier3A = arith.constant 0 : index
    tpu.barrier barrier_id(%barrier3A)
    %mul3A_3 = arith.constant 10000 : i32
    %mul3A_4 = arith.muli %add3A, %mul3A_3 : i32
    %scan3A = arith.constant 0 : i32
    %scan3A_5 = arith.constant 0 : i32
    %scan3A_6 = arith.constant 125 : i32
    %scan3A_7 = arith.addi %scan3A_5, %scan3A_6 : i32
    %scan3A_8 = arith.constant 1 : i32
    scf.for %scan3A_11 = %scan3A_5 to %scan3A_7 step %scan3A_8  : i32 {
      %mul3A_12 = arith.constant 80 : i32
      %mul3A_13 = arith.muli %scan3A_11, %mul3A_12 : i32
      %add3A_14 = arith.addi %mul3A_4, %mul3A_13 : i32
      "tpu.region"() ({
        %run_scoped3A = tpu.sem_alloc : memref<!tpu.dma_semaphore, #tpu.memory_space<semaphore_mem>>
        %dma_start3A_19 = tpu.memref_slice %arg3[%add3A_14] : memref<320000xi32, #tpu.memory_space<hbm>> -> memref<80xi32, #tpu.memory_space<hbm>>
        %dma_start3A_20 = tpu.memref_slice %arg3[%add3A_14] : memref<320000xi32, #tpu.memory_space<hbm>> -> memref<80xi32, #tpu.memory_space<hbm>>
        tpu.enqueue_dma source(%dma_start3A_20 : memref<80xi32, #tpu.memory_space<hbm>>) target(%arg7 : memref<80xi32, #tpu.memory_space<vmem>>) target_semaphore(%run_scoped3A : memref<!tpu.dma_semaphore, #tpu.memory_space<semaphore_mem>>)
        %dma_wait3A_21 = tpu.memref_slice %arg3[%add3A_14] : memref<320000xi32, #tpu.memory_space<hbm>> -> memref<80xi32, #tpu.memory_space<hbm>>
        %dma_wait3A_22 = tpu.memref_slice %arg3[%add3A_14] : memref<320000xi32, #tpu.memory_space<hbm>> -> memref<80xi32, #tpu.memory_space<hbm>>
        tpu.wait_dma2 semaphore(%run_scoped3A : memref<!tpu.dma_semaphore, #tpu.memory_space<semaphore_mem>>) src(%dma_wait3A_22 : memref<80xi32, #tpu.memory_space<hbm>>) dst(%arg7 : memref<80xi32, #tpu.memory_space<vmem>>)
        tpu.yield
      }) : () -> ()
      "tpu.region"() ({
        %run_scoped3A = tpu.sem_alloc : memref<!tpu.dma_semaphore, #tpu.memory_space<semaphore_mem>>
        %dma_start3A_19 = tpu.memref_slice %arg4[%add3A_14] : memref<320000xi32, #tpu.memory_space<hbm>> -> memref<80xi32, #tpu.memory_space<hbm>>
        %dma_start3A_20 = tpu.memref_slice %arg4[%add3A_14] : memref<320000xi32, #tpu.memory_space<hbm>> -> memref<80xi32, #tpu.memory_space<hbm>>
        tpu.enqueue_dma source(%dma_start3A_20 : memref<80xi32, #tpu.memory_space<hbm>>) target(%arg8 : memref<80xi32, #tpu.memory_space<vmem>>) target_semaphore(%run_scoped3A : memref<!tpu.dma_semaphore, #tpu.memory_space<semaphore_mem>>)
        %dma_wait3A_21 = tpu.memref_slice %arg4[%add3A_14] : memref<320000xi32, #tpu.memory_space<hbm>> -> memref<80xi32, #tpu.memory_space<hbm>>
        %dma_wait3A_22 = tpu.memref_slice %arg4[%add3A_14] : memref<320000xi32, #tpu.memory_space<hbm>> -> memref<80xi32, #tpu.memory_space<hbm>>
        tpu.wait_dma2 semaphore(%run_scoped3A : memref<!tpu.dma_semaphore, #tpu.memory_space<semaphore_mem>>) src(%dma_wait3A_22 : memref<80xi32, #tpu.memory_space<hbm>>) dst(%arg8 : memref<80xi32, #tpu.memory_space<vmem>>)
        tpu.yield
      }) : () -> ()
      %dma_start3A = arith.constant 0 : i32
      %dma_start3A_15 = arith.constant 0 : i32
      %dma_start3A_16 = tpu.memref_slice %arg2[%dma_start3A, %dma_start3A_15] : memref<10000x128xf32, #tpu.memory_space<hbm>> -> memref<10000x128xf32, #tpu.memory_space<hbm>>
      tpu.enqueue_indirect_dma source(%dma_start3A_16 : memref<10000x128xf32, #tpu.memory_space<hbm>>) target(%arg9 : memref<80x128xf32, #tpu.memory_space<vmem>>) offsets(%arg7 : memref<80xi32, #tpu.memory_space<vmem>>) semaphore(%arg11 : memref<!tpu.dma_semaphore, #tpu.memory_space<semaphore_mem>>)
      %dma_wait3A = arith.constant 0 : i32
      %dma_wait3A_17 = arith.constant 0 : i32
      %dma_wait3A_18 = tpu.memref_slice %arg2[%dma_wait3A, %dma_wait3A_17] : memref<10000x128xf32, #tpu.memory_space<hbm>> -> memref<10000x128xf32, #tpu.memory_space<hbm>>
      tpu.wait_indirect_dma semaphore(%arg11 : memref<!tpu.dma_semaphore, #tpu.memory_space<semaphore_mem>>) src(%dma_wait3A_18 : memref<10000x128xf32, #tpu.memory_space<hbm>>) dst(%arg9 : memref<80x128xf32, #tpu.memory_space<vmem>>)
      "tpu.region"() ({
        %run_scoped3A = tpu.sem_alloc : memref<!tpu.dma_semaphore, #tpu.memory_space<semaphore_mem>>
        %dma_start3A_19 = arith.constant 0 : i32
        %dma_start3A_20 = arith.constant 0 : i32
        %dma_start3A_21 = tpu.memref_slice %arg10[%dma_start3A_19, %dma_start3A_20] : memref<10240x128xf32, #tpu.memory_space<vmem_shared>> -> memref<10240x128xf32, #tpu.memory_space<vmem_shared>>
        tpu.enqueue_indirect_dma source(%arg9 : memref<80x128xf32, #tpu.memory_space<vmem>>) target(%dma_start3A_21 : memref<10240x128xf32, #tpu.memory_space<vmem_shared>>) offsets(%arg8 : memref<80xi32, #tpu.memory_space<vmem>>) semaphore(%run_scoped3A : memref<!tpu.dma_semaphore, #tpu.memory_space<semaphore_mem>>) {add = true}
        %dma_wait3A_22 = arith.constant 0 : i32
        %dma_wait3A_23 = arith.constant 0 : i32
        %dma_wait3A_24 = tpu.memref_slice %arg10[%dma_wait3A_22, %dma_wait3A_23] : memref<10240x128xf32, #tpu.memory_space<vmem_shared>> -> memref<10240x128xf32, #tpu.memory_space<vmem_shared>>
        tpu.wait_indirect_dma semaphore(%run_scoped3A : memref<!tpu.dma_semaphore, #tpu.memory_space<semaphore_mem>>) src(%arg9 : memref<80x128xf32, #tpu.memory_space<vmem>>) dst(%dma_wait3A_24 : memref<10240x128xf32, #tpu.memory_space<vmem_shared>>)
        tpu.yield
      }) : () -> ()
    }
    %scan3A_9 = arith.constant 125 : i32
    %barrier3A_10 = arith.constant 0 : index
    tpu.barrier barrier_id(%barrier3A_10)
    "tpu.region"() ({
      %run_scoped3A = tpu.sem_alloc : memref<!tpu.dma_semaphore, #tpu.memory_space<semaphore_mem>>
      %dma_start3A = arith.constant 0 : i32
      %dma_start3A_11 = tpu.memref_slice %arg6[%arg0, %mul3A_2, %dma_start3A] : memref<2x10240x128xf32, #tpu.memory_space<hbm>> -> memref<1x640x128xf32, #tpu.memory_space<hbm>>
      %dma_start3A_12 = tpu.memref_squeeze %dma_start3A_11 : memref<1x640x128xf32, #tpu.memory_space<hbm>> -> memref<640x128xf32, #tpu.memory_space<hbm>>
      %dma_start3A_13 = arith.constant 0 : i32
      %dma_start3A_14 = tpu.memref_slice %arg10[%mul3A_2, %dma_start3A_13] : memref<10240x128xf32, #tpu.memory_space<vmem_shared>> -> memref<640x128xf32, #tpu.memory_space<vmem_shared>>
      tpu.enqueue_dma source(%dma_start3A_14 : memref<640x128xf32, #tpu.memory_space<vmem_shared>>) target(%dma_start3A_12 : memref<640x128xf32, #tpu.memory_space<hbm>>) target_semaphore(%run_scoped3A : memref<!tpu.dma_semaphore, #tpu.memory_space<semaphore_mem>>)
      %dma_wait3A = arith.constant 0 : i32
      %dma_wait3A_15 = tpu.memref_slice %arg6[%arg0, %mul3A_2, %dma_wait3A] : memref<2x10240x128xf32, #tpu.memory_space<hbm>> -> memref<1x640x128xf32, #tpu.memory_space<hbm>>
      %dma_wait3A_16 = tpu.memref_squeeze %dma_wait3A_15 : memref<1x640x128xf32, #tpu.memory_space<hbm>> -> memref<640x128xf32, #tpu.memory_space<hbm>>
      %dma_wait3A_17 = arith.constant 0 : i32
      %dma_wait3A_18 = tpu.memref_slice %arg10[%mul3A_2, %dma_wait3A_17] : memref<10240x128xf32, #tpu.memory_space<vmem_shared>> -> memref<640x128xf32, #tpu.memory_space<vmem_shared>>
      tpu.wait_dma2 semaphore(%run_scoped3A : memref<!tpu.dma_semaphore, #tpu.memory_space<semaphore_mem>>) src(%dma_wait3A_18 : memref<640x128xf32, #tpu.memory_space<vmem_shared>>) dst(%dma_wait3A_16 : memref<640x128xf32, #tpu.memory_space<hbm>>)
      tpu.yield
    }) : () -> ()
    return
  }
}

module attributes {stable_mosaic.version = 14 : i64} {
  func.func @_inproj_body(%arg0: memref<10000x131xf32, #tpu.memory_space<vmem>>, %arg1: memref<131x128xf32, #tpu.memory_space<vmem>>, %arg2: memref<10000x128xf32, #tpu.memory_space<vmem>>) attributes {dimension_semantics = [], scalar_prefetch = 0 : i64, scratch_operands = 0 : i64, tpu.core_type = #tpu.core_type<tc>} {
    %get3A = arith.constant 0 : index
    %get3A_0 = arith.constant 0 : index
    %get3A_1 = vector.load %arg0[%get3A, %get3A_0] : memref<10000x131xf32, #tpu.memory_space<vmem>>, vector<10000x131xf32>
    %get3A_2 = arith.constant 0 : index
    %get3A_3 = arith.constant 0 : index
    %get3A_4 = vector.load %arg1[%get3A_2, %get3A_3] : memref<131x128xf32, #tpu.memory_space<vmem>>, vector<131x128xf32>
    %dot_general3A = arith.constant dense<0.000000e+00> : vector<10000x128xf32>
    %dot_general3A_5 = tpu.matmul %get3A_1, %get3A_4, %dot_general3A {dimension_numbers = #tpu.dot_dimension_numbers<[1], [0], [0], [1], [0, 0, 1, 1], [], []>, transpose_lhs_hint = false} : vector<10000x131xf32>, vector<131x128xf32>, vector<10000x128xf32> -> vector<10000x128xf32>
    %swap3A = arith.constant 0 : index
    %swap3A_6 = arith.constant 0 : index
    %swap3A_7 = vector.load %arg2[%swap3A, %swap3A_6] : memref<10000x128xf32, #tpu.memory_space<vmem>>, vector<10000x128xf32>
    tpu.vector_store %arg2[%swap3A, %swap3A_6], %dot_general3A_5 {strides = array<i32>} : memref<10000x128xf32, #tpu.memory_space<vmem>>, vector<10000x128xf32>,
    return
  }
}

module attributes {stable_mosaic.version = 14 : i64} {
  func.func @_mlp_body(%arg0: memref<10000x128xf32, #tpu.memory_space<vmem>>, %arg1: memref<10000x128xf32, #tpu.memory_space<vmem>>, %arg2: memref<10000x128xf32, #tpu.memory_space<vmem>>, %arg3: memref<1x64xf32, #tpu.memory_space<vmem>>, %arg4: memref<1x64xf32, #tpu.memory_space<vmem>>, %arg5: memref<1x64xf32, #tpu.memory_space<vmem>>, %arg6: memref<64x64xf32, #tpu.memory_space<vmem>>, %arg7: memref<1x64xf32, #tpu.memory_space<vmem>>, %arg8: memref<64x128xf32, #tpu.memory_space<vmem>>, %arg9: memref<10000x128xf32, #tpu.memory_space<vmem>>) attributes {dimension_semantics = [], scalar_prefetch = 0 : i64, scratch_operands = 0 : i64, tpu.core_type = #tpu.core_type<tc>} {
    %get3A = arith.constant 0 : index
    %get3A_0 = arith.constant 0 : index
    %get3A_1 = vector.load %arg0[%get3A, %get3A_0] : memref<10000x128xf32, #tpu.memory_space<vmem>>, vector<10000x64xf32>
    %get3A_2 = arith.constant 0 : index
    %get3A_3 = arith.constant 0 : index
    %get3A_4 = vector.load %arg1[%get3A_2, %get3A_3] : memref<10000x128xf32, #tpu.memory_space<vmem>>, vector<10000x64xf32>
    %add3A = arith.addf %get3A_1, %get3A_4 : vector<10000x64xf32>
    %get3A_5 = arith.constant 0 : index
    %get3A_6 = arith.constant 0 : index
    %get3A_7 = vector.load %arg2[%get3A_5, %get3A_6] : memref<10000x128xf32, #tpu.memory_space<vmem>>, vector<10000x64xf32>
    %add3A_8 = arith.addf %add3A, %get3A_7 : vector<10000x64xf32>
    %get3A_9 = arith.constant 0 : index
    %get3A_10 = arith.constant 0 : index
    %get3A_11 = vector.load %arg3[%get3A_9, %get3A_10] : memref<1x64xf32, #tpu.memory_space<vmem>>, vector<1x64xf32>
    %add3A_12 = vector.broadcast %get3A_11 : vector<1x64xf32> to vector<10000x64xf32>
    %add3A_13 = arith.addf %add3A_8, %add3A_12 : vector<10000x64xf32>
    %reduce_sum3A = arith.constant dense<0.000000e+00> : vector<64xf32>
    %reduce_sum3A_14 = vector.multi_reduction <add>, %add3A_13, %reduce_sum3A [0] : vector<10000x64xf32> to vector<64xf32>
    %broadcast_in_dim3A = vector.shape_cast %reduce_sum3A_14 : vector<64xf32> to vector<1x64xf32>
    %div3A = arith.constant 1.000000e+04 : f32
    %div3A_15 = vector.broadcast %div3A : f32 to vector<1x64xf32>
    %div3A_16 = arith.divf %broadcast_in_dim3A, %div3A_15 : vector<1x64xf32>
    %sub3A = vector.broadcast %div3A_16 : vector<1x64xf32> to vector<10000x64xf32>
    %sub3A_17 = arith.subf %add3A_13, %sub3A : vector<10000x64xf32>
    %mul3A = arith.mulf %sub3A_17, %sub3A_17 : vector<10000x64xf32>
    %reduce_sum3A_18 = arith.constant dense<0.000000e+00> : vector<64xf32>
    %reduce_sum3A_19 = vector.multi_reduction <add>, %mul3A, %reduce_sum3A_18 [0] : vector<10000x64xf32> to vector<64xf32>
    %broadcast_in_dim3A_20 = vector.shape_cast %reduce_sum3A_19 : vector<64xf32> to vector<1x64xf32>
    %div3A_21 = arith.constant 1.000000e+04 : f32
    %div3A_22 = vector.broadcast %div3A_21 : f32 to vector<1x64xf32>
    %div3A_23 = arith.divf %broadcast_in_dim3A_20, %div3A_22 : vector<1x64xf32>
    %add3A_24 = arith.constant 9.99999974E-6 : f32
    %add3A_25 = vector.broadcast %add3A_24 : f32 to vector<1x64xf32>
    %add3A_26 = arith.addf %div3A_23, %add3A_25 : vector<1x64xf32>
    %rsqrt3A = math.rsqrt %add3A_26 : vector<1x64xf32>
    %mul3A_27 = vector.broadcast %rsqrt3A : vector<1x64xf32> to vector<10000x64xf32>
    %mul3A_28 = arith.mulf %sub3A_17, %mul3A_27 : vector<10000x64xf32>
    %get3A_29 = arith.constant 0 : index
    %get3A_30 = arith.constant 0 : index
    %get3A_31 = vector.load %arg4[%get3A_29, %get3A_30] : memref<1x64xf32, #tpu.memory_space<vmem>>, vector<1x64xf32>
    %mul3A_32 = vector.broadcast %get3A_31 : vector<1x64xf32> to vector<10000x64xf32>
    %mul3A_33 = arith.mulf %mul3A_28, %mul3A_32 : vector<10000x64xf32>
    %get3A_34 = arith.constant 0 : index
    %get3A_35 = arith.constant 0 : index
    %get3A_36 = vector.load %arg5[%get3A_34, %get3A_35] : memref<1x64xf32, #tpu.memory_space<vmem>>, vector<1x64xf32>
    %add3A_37 = vector.broadcast %get3A_36 : vector<1x64xf32> to vector<10000x64xf32>
    %add3A_38 = arith.addf %mul3A_33, %add3A_37 : vector<10000x64xf32>
    %max3A = arith.constant 0.000000e+00 : f32
    %max3A_39 = vector.broadcast %max3A : f32 to vector<10000x64xf32>
    %max3A_40 = arith.maximumf %add3A_38, %max3A_39 : vector<10000x64xf32>
    %get3A_41 = arith.constant 0 : index
    %get3A_42 = arith.constant 0 : index
    %get3A_43 = vector.load %arg6[%get3A_41, %get3A_42] : memref<64x64xf32, #tpu.memory_space<vmem>>, vector<64x64xf32>
    %dot_general3A = arith.constant dense<0.000000e+00> : vector<10000x64xf32>
    %dot_general3A_44 = tpu.matmul %max3A_40, %get3A_43, %dot_general3A {dimension_numbers = #tpu.dot_dimension_numbers<[1], [0], [0], [1], [0, 0, 1, 1], [], []>, transpose_lhs_hint = false} : vector<10000x64xf32>, vector<64x64xf32>, vector<10000x64xf32> -> vector<10000x64xf32>
    %get3A_45 = arith.constant 0 : index
    %get3A_46 = arith.constant 0 : index
    %get3A_47 = vector.load %arg7[%get3A_45, %get3A_46] : memref<1x64xf32, #tpu.memory_space<vmem>>, vector<1x64xf32>
    %add3A_48 = vector.broadcast %get3A_47 : vector<1x64xf32> to vector<10000x64xf32>
    %add3A_49 = arith.addf %dot_general3A_44, %add3A_48 : vector<10000x64xf32>
    %max3A_50 = arith.constant 0.000000e+00 : f32
    %max3A_51 = vector.broadcast %max3A_50 : f32 to vector<10000x64xf32>
    %max3A_52 = arith.maximumf %add3A_49, %max3A_51 : vector<10000x64xf32>
    %get3A_53 = arith.constant 0 : index
    %get3A_54 = arith.constant 0 : index
    %get3A_55 = vector.load %arg8[%get3A_53, %get3A_54] : memref<64x128xf32, #tpu.memory_space<vmem>>, vector<64x128xf32>
    %dot_general3A_56 = arith.constant dense<0.000000e+00> : vector<10000x128xf32>
    %dot_general3A_57 = tpu.matmul %max3A_52, %get3A_55, %dot_general3A_56 {dimension_numbers = #tpu.dot_dimension_numbers<[1], [0], [0], [1], [0, 0, 1, 1], [], []>, transpose_lhs_hint = false} : vector<10000x64xf32>, vector<64x128xf32>, vector<10000x128xf32> -> vector<10000x128xf32>
    %swap3A = arith.constant 0 : index
    %swap3A_58 = arith.constant 0 : index
    %swap3A_59 = vector.load %arg9[%swap3A, %swap3A_58] : memref<10000x128xf32, #tpu.memory_space<vmem>>, vector<10000x128xf32>
    tpu.vector_store %arg9[%swap3A, %swap3A_58], %dot_general3A_57 {strides = array<i32>} : memref<10000x128xf32, #tpu.memory_space<vmem>>, vector<10000x128xf32>,
    return
  }
}

module attributes {stable_mosaic.version = 14 : i64} {
  func.func @_mlp_body(%arg0: memref<10000x128xf32, #tpu.memory_space<vmem>>, %arg1: memref<10000x128xf32, #tpu.memory_space<vmem>>, %arg2: memref<10000x128xf32, #tpu.memory_space<vmem>>, %arg3: memref<1x64xf32, #tpu.memory_space<vmem>>, %arg4: memref<1x64xf32, #tpu.memory_space<vmem>>, %arg5: memref<1x64xf32, #tpu.memory_space<vmem>>, %arg6: memref<64x64xf32, #tpu.memory_space<vmem>>, %arg7: memref<1x64xf32, #tpu.memory_space<vmem>>, %arg8: memref<64x64xf32, #tpu.memory_space<vmem>>, %arg9: memref<10000x64xf32, #tpu.memory_space<vmem>>) attributes {dimension_semantics = [], scalar_prefetch = 0 : i64, scratch_operands = 0 : i64, tpu.core_type = #tpu.core_type<tc>} {
    %get3A = arith.constant 0 : index
    %get3A_0 = arith.constant 0 : index
    %get3A_1 = vector.load %arg0[%get3A, %get3A_0] : memref<10000x128xf32, #tpu.memory_space<vmem>>, vector<10000x64xf32>
    %get3A_2 = arith.constant 0 : index
    %get3A_3 = arith.constant 0 : index
    %get3A_4 = vector.load %arg1[%get3A_2, %get3A_3] : memref<10000x128xf32, #tpu.memory_space<vmem>>, vector<10000x64xf32>
    %add3A = arith.addf %get3A_1, %get3A_4 : vector<10000x64xf32>
    %get3A_5 = arith.constant 0 : index
    %get3A_6 = arith.constant 0 : index
    %get3A_7 = vector.load %arg2[%get3A_5, %get3A_6] : memref<10000x128xf32, #tpu.memory_space<vmem>>, vector<10000x64xf32>
    %add3A_8 = arith.addf %add3A, %get3A_7 : vector<10000x64xf32>
    %get3A_9 = arith.constant 0 : index
    %get3A_10 = arith.constant 0 : index
    %get3A_11 = vector.load %arg3[%get3A_9, %get3A_10] : memref<1x64xf32, #tpu.memory_space<vmem>>, vector<1x64xf32>
    %add3A_12 = vector.broadcast %get3A_11 : vector<1x64xf32> to vector<10000x64xf32>
    %add3A_13 = arith.addf %add3A_8, %add3A_12 : vector<10000x64xf32>
    %reduce_sum3A = arith.constant dense<0.000000e+00> : vector<64xf32>
    %reduce_sum3A_14 = vector.multi_reduction <add>, %add3A_13, %reduce_sum3A [0] : vector<10000x64xf32> to vector<64xf32>
    %broadcast_in_dim3A = vector.shape_cast %reduce_sum3A_14 : vector<64xf32> to vector<1x64xf32>
    %div3A = arith.constant 1.000000e+04 : f32
    %div3A_15 = vector.broadcast %div3A : f32 to vector<1x64xf32>
    %div3A_16 = arith.divf %broadcast_in_dim3A, %div3A_15 : vector<1x64xf32>
    %sub3A = vector.broadcast %div3A_16 : vector<1x64xf32> to vector<10000x64xf32>
    %sub3A_17 = arith.subf %add3A_13, %sub3A : vector<10000x64xf32>
    %mul3A = arith.mulf %sub3A_17, %sub3A_17 : vector<10000x64xf32>
    %reduce_sum3A_18 = arith.constant dense<0.000000e+00> : vector<64xf32>
    %reduce_sum3A_19 = vector.multi_reduction <add>, %mul3A, %reduce_sum3A_18 [0] : vector<10000x64xf32> to vector<64xf32>
    %broadcast_in_dim3A_20 = vector.shape_cast %reduce_sum3A_19 : vector<64xf32> to vector<1x64xf32>
    %div3A_21 = arith.constant 1.000000e+04 : f32
    %div3A_22 = vector.broadcast %div3A_21 : f32 to vector<1x64xf32>
    %div3A_23 = arith.divf %broadcast_in_dim3A_20, %div3A_22 : vector<1x64xf32>
    %add3A_24 = arith.constant 9.99999974E-6 : f32
    %add3A_25 = vector.broadcast %add3A_24 : f32 to vector<1x64xf32>
    %add3A_26 = arith.addf %div3A_23, %add3A_25 : vector<1x64xf32>
    %rsqrt3A = math.rsqrt %add3A_26 : vector<1x64xf32>
    %mul3A_27 = vector.broadcast %rsqrt3A : vector<1x64xf32> to vector<10000x64xf32>
    %mul3A_28 = arith.mulf %sub3A_17, %mul3A_27 : vector<10000x64xf32>
    %get3A_29 = arith.constant 0 : index
    %get3A_30 = arith.constant 0 : index
    %get3A_31 = vector.load %arg4[%get3A_29, %get3A_30] : memref<1x64xf32, #tpu.memory_space<vmem>>, vector<1x64xf32>
    %mul3A_32 = vector.broadcast %get3A_31 : vector<1x64xf32> to vector<10000x64xf32>
    %mul3A_33 = arith.mulf %mul3A_28, %mul3A_32 : vector<10000x64xf32>
    %get3A_34 = arith.constant 0 : index
    %get3A_35 = arith.constant 0 : index
    %get3A_36 = vector.load %arg5[%get3A_34, %get3A_35] : memref<1x64xf32, #tpu.memory_space<vmem>>, vector<1x64xf32>
    %add3A_37 = vector.broadcast %get3A_36 : vector<1x64xf32> to vector<10000x64xf32>
    %add3A_38 = arith.addf %mul3A_33, %add3A_37 : vector<10000x64xf32>
    %max3A = arith.constant 0.000000e+00 : f32
    %max3A_39 = vector.broadcast %max3A : f32 to vector<10000x64xf32>
    %max3A_40 = arith.maximumf %add3A_38, %max3A_39 : vector<10000x64xf32>
    %get3A_41 = arith.constant 0 : index
    %get3A_42 = arith.constant 0 : index
    %get3A_43 = vector.load %arg6[%get3A_41, %get3A_42] : memref<64x64xf32, #tpu.memory_space<vmem>>, vector<64x64xf32>
    %dot_general3A = arith.constant dense<0.000000e+00> : vector<10000x64xf32>
    %dot_general3A_44 = tpu.matmul %max3A_40, %get3A_43, %dot_general3A {dimension_numbers = #tpu.dot_dimension_numbers<[1], [0], [0], [1], [0, 0, 1, 1], [], []>, transpose_lhs_hint = false} : vector<10000x64xf32>, vector<64x64xf32>, vector<10000x64xf32> -> vector<10000x64xf32>
    %get3A_45 = arith.constant 0 : index
    %get3A_46 = arith.constant 0 : index
    %get3A_47 = vector.load %arg7[%get3A_45, %get3A_46] : memref<1x64xf32, #tpu.memory_space<vmem>>, vector<1x64xf32>
    %add3A_48 = vector.broadcast %get3A_47 : vector<1x64xf32> to vector<10000x64xf32>
    %add3A_49 = arith.addf %dot_general3A_44, %add3A_48 : vector<10000x64xf32>
    %swap3A = arith.constant 0 : index
    %swap3A_50 = arith.constant 0 : index
    %swap3A_51 = vector.load %arg9[%swap3A, %swap3A_50] : memref<10000x64xf32, #tpu.memory_space<vmem>>, vector<10000x64xf32>
    tpu.vector_store %arg9[%swap3A, %swap3A_50], %add3A_49 {strides = array<i32>} : memref<10000x64xf32, #tpu.memory_space<vmem>>, vector<10000x64xf32>,
    return
  }
}

module attributes {stable_mosaic.version = 14 : i64} {
  func.func @_pool_body(%arg0: memref<10000x64xf32, #tpu.memory_space<vmem>>, %arg1: memref<1x10000xi32, #tpu.memory_space<vmem>>, %arg2: memref<64x1xf32, #tpu.memory_space<vmem>>, %arg3: memref<1x1xf32, #tpu.memory_space<vmem>>, %arg4: memref<64x1xf32, #tpu.memory_space<vmem>>) attributes {dimension_semantics = [], scalar_prefetch = 0 : i64, scratch_operands = 0 : i64, tpu.core_type = #tpu.core_type<tc>} {
    %get3A = arith.constant 0 : index
    %get3A_0 = arith.constant 0 : index
    %get3A_1 = vector.load %arg1[%get3A, %get3A_0] : memref<1x10000xi32, #tpu.memory_space<vmem>>, vector<1x10000xi32>
    %iota3A = tpu.iota {dimensions = array<i32: 0>} : vector<64x10000xi32>
    %eq3A = vector.broadcast %get3A_1 : vector<1x10000xi32> to vector<64x10000xi32>
    %eq3A_2 = arith.cmpi eq, %eq3A, %iota3A : vector<64x10000xi32>
    %convert_element_type3A = arith.extui %eq3A_2 : vector<64x10000xi1> to vector<64x10000xi32>
    %convert_element_type3A_3 = arith.sitofp %convert_element_type3A : vector<64x10000xi32> to vector<64x10000xf32>
    %get3A_4 = arith.constant 0 : index
    %get3A_5 = arith.constant 0 : index
    %get3A_6 = vector.load %arg0[%get3A_4, %get3A_5] : memref<10000x64xf32, #tpu.memory_space<vmem>>, vector<10000x64xf32>
    %dot_general3A = arith.constant dense<0.000000e+00> : vector<64x64xf32>
    %dot_general3A_7 = tpu.matmul %convert_element_type3A_3, %get3A_6, %dot_general3A {dimension_numbers = #tpu.dot_dimension_numbers<[1], [0], [0], [1], [0, 0, 1, 1], [], []>, transpose_lhs_hint = false} : vector<64x10000xf32>, vector<10000x64xf32>, vector<64x64xf32> -> vector<64x64xf32>
    %reduce_sum3A = arith.constant dense<0.000000e+00> : vector<64xf32>
    %reduce_sum3A_8 = vector.multi_reduction <add>, %convert_element_type3A_3, %reduce_sum3A [1] : vector<64x10000xf32> to vector<64xf32>
    %broadcast_in_dim3A = vector.shape_cast %reduce_sum3A_8 : vector<64xf32> to vector<64x1xf32>
    %max3A = arith.constant 1.000000e+00 : f32
    %max3A_9 = vector.broadcast %max3A : f32 to vector<64x1xf32>
    %max3A_10 = arith.maximumf %broadcast_in_dim3A, %max3A_9 : vector<64x1xf32>
    %div3A = vector.broadcast %max3A_10 : vector<64x1xf32> to vector<64x64xf32>
    %div3A_11 = arith.divf %dot_general3A_7, %div3A : vector<64x64xf32>
    %get3A_12 = arith.constant 0 : index
    %get3A_13 = arith.constant 0 : index
    %get3A_14 = vector.load %arg2[%get3A_12, %get3A_13] : memref<64x1xf32, #tpu.memory_space<vmem>>, vector<64x1xf32>
    %dot_general3A_15 = arith.constant dense<0.000000e+00> : vector<64x1xf32>
    %dot_general3A_16 = tpu.matmul %div3A_11, %get3A_14, %dot_general3A_15 {dimension_numbers = #tpu.dot_dimension_numbers<[1], [0], [0], [1], [0, 0, 1, 1], [], []>, transpose_lhs_hint = false} : vector<64x64xf32>, vector<64x1xf32>, vector<64x1xf32> -> vector<64x1xf32>
    %get3A_17 = arith.constant 0 : index
    %get3A_18 = arith.constant 0 : index
    %get3A_19 = vector.load %arg3[%get3A_17, %get3A_18] : memref<1x1xf32, #tpu.memory_space<vmem>>, vector<1x1xf32>
    %add3A = vector.broadcast %get3A_19 : vector<1x1xf32> to vector<64x1xf32>
    %add3A_20 = arith.addf %dot_general3A_16, %add3A : vector<64x1xf32>
    %swap3A = arith.constant 0 : index
    %swap3A_21 = arith.constant 0 : index
    %swap3A_22 = vector.load %arg4[%swap3A, %swap3A_21] : memref<64x1xf32, #tpu.memory_space<vmem>>, vector<64x1xf32>
    tpu.vector_store %arg4[%swap3A, %swap3A_21], %add3A_20 {strides = array<i32>} : memref<64x1xf32, #tpu.memory_space<vmem>>, vector<64x1xf32>,
    return
  }
}

</mosaic_0001>

<sc_bundles>
// kernel: kernel.18.cloned.1.call-start
scs
__scs_entry_jumppad:
0x0: {  	(pc) =	sbr.rel $0x88, $3  }
0x1: {  	(tag) =	ssettag $0x0;
	lr =	simm.s32 $0x1  }
0x2: {  	[smem:$0x3F71] =	sst lr;
	_ =	strace $0xD0000000  }
0x3: {  	_ = 	snop  }
0x4: {  	_ = 	snop  }
0x5: {  	_ = 	snop  }
0x6: {  	_ = 	snop  }
0x7: {  	_ = 	snop  }
__scs_overlays_trampoline_lowered:
0x8: {  	[smem:$0x3F80] =	sst s0  }
0x9: {  	[smem:$0x3F81] =	sst s1  }
0xa: {  	[smem:$0x3F82] =	sst s2  }
0xb: {  	[smem:$0x3F83] =	sst s3  }
0xc: {  	[smem:$0x3F84] =	sst s4  }
0xd: {  	[smem:$0x3F85] =	sst s5  }
0xe: {  	[smem:$0x3F86] =	sst s6  }
0xf: {  	[smem:$0x3F87] =	sst s7  }
0x10: {  	[smem:$0x3F88] =	sst s8  }
0x11: {  	[smem:$0x3F89] =	sst s9;
	s0 =	simm.s32 @!p0 $0x0  }
0x12: {  	s1 =	sld [smem:$0x3F6F];
	s0 =	simm.s32 @p0 $0x1  }
0x13: {  	[smem:$0x3F8A] =	sst s0;
	s0 =	simm.s32 @!p1 $0x0  }
0x14: {  	s2 =	sld [smem:$0x3F6E];
	s0 =	simm.s32 @p1 $0x1  }
0x15: {  	[smem:$0x3F8B] =	sst s0;
	s0 =	simm.s32 @!p2 $0x0  }
0x16: {  	s3 =	sld [smem:$0x3FDB];
	s0 =	simm.s32 @p2 $0x1  }
0x17: {  	s4 =	simm.s32 $0x1BF5;
	[smem:$0x3F8D] =	sst s0  }
0x18: {  	s0 =	sld [smem:$0x3F70];
	_ =	swait.ge [sflag:s4], $0x0  }
0x19: {  	s7 =	sld [smem:$0x3F71]  }
0x1a: {  	s8 =	sadd.s32 $0xFFFFE003, lr  }
0x1b: {  	s9 =	sadd.s32 $0xFFFFFEF7, lr;
	s5 =	simm.s32 $0xFFFFFFFF;
	p2 =	slt.u32 s8, $0xFFFFF086  }
0x1c: {  	p1 =	slt.u32 s9, $0xF7A;
	s5 =	simm.s32 @!p2 $0x0  }
0x1d: {  	s5 =	simm.s32 @p1 $0x1;
	p0 =	seq.s32 s7, s2  }
0x1e: {  	s7 =	smul.u32 @!p0 $0xF7A, s2;
	p2 =	seq.s32 @!p0 s5, $0x0  }
0x1f: {  	s9 =	smul.u32 $0xF7A, s1;
	s8 =	simm.s32 @!p0 $0x1BF5;
	p2 =	por !p2, p0  }
0x20: {  	[sflag:s8] =	ssyncset.s32 @!p0 $0xFFFFF086;
	s6 =	sadd.s32 @!p0 s3, s7;
	s7 =	simm.s32 @!p0 $0x108  }
0x21: {  	s3 =	sadd.s32 s3, s9;
	s6 =	sadd.s32 @!p0 $0x88, s6;
	s7 =	simm.s32 @p2 $0x1082  }
0x22: {  	[simem:s7], [sflag:s8] =	dma.local @!p0 [hbm:s6], $0xF7A  }
0x23: {  	s9 =	sor.u32 $0xD0000000, s2;
	s6 =	simm.s32 $0x108;
	_ =	swait.ge @!p0 [sflag:s8], $0x0  }
0x24: {  	s3 =	sadd.s32 $0x88, s3;
	s6 =	simm.s32 @!p1 $0x1082;
	[sflag:s4] =	ssyncset.s32 $0xFFFFF086  }
0x25: {  	[simem:s6], [sflag:s4] =	dma.local [hbm:s3], $0xF7A  }
0x26: {  	[smem:$0x3F71] =	sst s1;
	(tag) =	ssettag s2;
	_ =	strace s9  }
0x27: {  	s1 =	sld [smem:$0x3F81]  }
0x28: {  	s2 =	sld [smem:$0x3F82]  }
0x29: {  	s4 =	sld [smem:$0x3F84]  }
0x2a: {  	p0 =	seq.s32 s5, $0x0;
	s5 =	sld [smem:$0x3F85]  }
0x2b: {  	s6 =	sld [smem:$0x3F86]  }
0x2c: {  	s7 =	sld [smem:$0x3F87]  }
0x2d: {  	s3 =	simm.s32 $0x108;
	s8 =	sld [smem:$0x3F88]  }
0x2e: {  	s3 =	simm.s32 @!p0 $0x1082;
	s9 =	sld [smem:$0x3F89]  }
0x2f: {  	lr =	sadd.s32 s0, s3;
	s0 =	sld [smem:$0x3F80]  }
0x30: {  	s3 =	sld [smem:$0x3F83]  }
0x31: {  	[smem:$0x3F8C] =	sst s10  }
0x32: {  	s10 =	sld [smem:$0x3F8A];
	_ =	sdelay $0x3  }
0x33: {  	p0 =	seq.s32 s10, $0x1;
	s10 =	sld [smem:$0x3F8C];
	_ =	sdelay $0x3  }
0x34: {  	[smem:$0x3F8C] =	sst s10  }
0x35: {  	s10 =	sld [smem:$0x3F8B];
	_ =	sdelay $0x3  }
0x36: {  	p1 =	seq.s32 s10, $0x1;
	s10 =	sld [smem:$0x3F8C];
	_ =	sdelay $0x3  }
0x37: {  	[smem:$0x3F8C] =	sst s10  }
0x38: {  	s10 =	sld [smem:$0x3F8D]  }
0x39: {  	_ = 	snop;
	(pc) =	sbr.ind lr, $3  }
0x3a: {  	_ = 	snop  }
0x3b: {  	_ = 	snop  }
0x3c: {  	p2 =	seq.s32 s10, $0x1;
	s10 =	sld [smem:$0x3F8C]  }
0x3d: {  	_ =	shalt  }
0x3e: {  	_ =	shalt  }
0x3f: {  	_ =	shalt  }
0x40: {  	_ =	shalt  }
0x41: {  	_ =	shalt  }
0x42: {  	_ =	shalt  }
0x43: {  	_ =	shalt  }
0x44: {  	_ =	shalt  }
0x45: {  	_ =	shalt  }
0x46: {  	_ =	shalt  }
0x47: {  	_ =	shalt  }
0x48: {  	_ =	shalt  }
0x49: {  	_ =	shalt  }
0x4a: {  	_ =	shalt  }
0x4b: {  	_ =	shalt  }
0x4c: {  	_ =	shalt  }
0x4d: {  	_ =	shalt  }
0x4e: {  	_ =	shalt  }
0x4f: {  	_ =	shalt  }
0x50: {  	_ =	shalt  }
0x51: {  	_ =	shalt  }
0x52: {  	_ =	shalt  }
0x53: {  	_ =	shalt  }
0x54: {  	_ =	shalt  }
0x55: {  	_ =	shalt  }
0x56: {  	_ =	shalt  }
0x57: {  	_ =	shalt  }
0x58: {  	_ =	shalt  }
0x59: {  	_ =	shalt  }
0x5a: {  	_ =	shalt  }
0x5b: {  	_ =	shalt  }
0x5c: {  	_ =	shalt  }
0x5d: {  	_ =	shalt  }
0x5e: {  	_ =	shalt  }
0x5f: {  	_ =	shalt  }
0x60: {  	_ =	shalt  }
0x61: {  	_ =	shalt  }
0x62: {  	_ =	shalt  }
0x63: {  	_ =	shalt  }
0x64: {  	_ =	shalt  }
0x65: {  	_ =	shalt  }
0x66: {  	_ =	shalt  }
0x67: {  	_ =	shalt  }
0x68: {  	_ =	shalt  }
0x69: {  	_ =	shalt  }
0x6a: {  	_ =	shalt  }
0x6b: {  	_ =	shalt  }
0x6c: {  	_ =	shalt  }
0x6d: {  	_ =	shalt  }
0x6e: {  	_ =	shalt  }
0x6f: {  	_ =	shalt  }
0x70: {  	_ =	shalt  }
0x71: {  	_ =	shalt  }
0x72: {  	_ =	shalt  }
0x73: {  	_ =	shalt  }
0x74: {  	_ =	shalt  }
0x75: {  	_ =	shalt  }
0x76: {  	_ =	shalt  }
0x77: {  	_ =	shalt  }
0x78: {  	_ =	shalt  }
0x79: {  	_ =	shalt  }
0x7a: {  	_ =	shalt  }
0x7b: {  	_ =	shalt  }
0x7c: {  	_ =	shalt  }
0x7d: {  	_ =	shalt  }
0x7e: {  	_ =	shalt  }
0x7f: {  	_ =	shalt  }
0x80: {  	_ =	shalt  }
0x81: {  	_ =	shalt  }
0x82: {  	_ =	shalt  }
0x83: {  	_ =	shalt  }
0x84: {  	_ =	shalt  }
0x85: {  	_ =	shalt  }
0x86: {  	_ =	shalt  }
0x87: {  	_ =	shalt  }
.Lfunc_end0:
.L_simem_size_0:
called_computation_lowered:
.L_overlay_start_0:
0x88: {  	s2 =	sld [smem:$0x3FD9]  }
0x89: {  	s3 =	sld [smem:$0x3FFE];
	_ =	sdelay $0x1  }
0x8a: {  	s1 =	srdreg.scid  }
0x8b: {  	s0 =	sand.u32 $0x1, s1  }
0x8c: {  	s16 =	sshll.u32 s0, $0xA;
	s2 =	sadd.s32 s3, s2  }
0x8d: {  	s2 =	sadd.s32 s2, s16  }
0x8e: {  	[smem:$0x3F98] =	sst s2  }
0x8f: {  	_ = 	snop  }
0x90: {  	(tm) =	ssettm $0x1  }
0x91: {  	s17 =	sld [smem:$0x3FFB];
	_ =	sdelay $0x3  }
0x92: {  	_ =	strace s17  }
0x93: {  	s2 =	sld [smem:$0x3FFC];
	_ =	sdelay $0x3  }
0x94: {  	_ =	strace s2  }
0x95: {  	s2 =	sld [smem:$0x3FFD];
	_ =	sdelay $0x3  }
0x96: {  	_ =	strace s2  }
0x97: {  	_ =	strace $0x8FFFFFFF  }
0x98: {  	s18 =	sld [smem:$0x3FDB];
	_ =	sdelay $0x1  }
0x99: {  	s19 =	simm.s32 $_scs_section_size  }
0x9a: {  	s4 =	simm.s32 $_size__tile_overlayer_lowered;
	s5 =	simm.s32 $_tile_overlayer_lowered  }
0x9b: {  	s22 =	simm.s32 $0x1BFF;
	s21 =	sshll.u32 s5, $0x1;
	s2 =	sadd.s32 s19, s18  }
0x9c: {  	s6 =	simm.s32 $0x0;
	s20 =	sshll.u32 s4, $0x1;
	s4 =	sadd.s32 s21, s2  }
0x9d: {  	[timem:s6], [sflag:s22] =	dma.local [hbm:s4], s20  }
0x9e: {  	_ =	swait.ge [sflag:s22], s20  }
0x9f: {  	s3 =	ssub.s32 $0x0, s20;
	[sflag:s22] =	ssyncset.done $0x0  }
0xa0: {  	[sflag:s22] =	ssyncadd.s32 s3;
	_ =	sdelay $0x1  }
0xa1: {  	s23 =	simm.s32 $0x1B8B  }
0xa2: {  	_ =	swait.ge [sflag:s23], $0x1  }
0xa3: {  	[sflag:s23] =	ssyncset.done $0x0  }
0xa4: {  	s25 =	simm.s32 $0x1B8E;
	s24 =	sld [smem:$0x3FFE];
	[sflag:s23] =	ssyncadd.s32 $0xFFFFFFFF  }
0xa5: {  	s26 =	simm.s32 $execute0_lowered;
	[smem:$0x3FD2] =	sst s25  }
0xa6: {  	s4 =	sshll.u32 s26, $0x1;
	_ =	strace $0x80000046;
	[dreg:$0x1] =	wrdreg $0xFFFFFFFF  }
0xa7: {  	s28 =	simm.s32 $_size_execute0_lowered;
	s2 =	sadd.s32 s2, s4;
	[dreg:$0x0] =	wrdreg $0x0  }
0xa8: {  	s4 =	sshll.u32 s28, $0x1;
	[dreg:$0x2] =	wrdreg s2  }
0xa9: {  	[dreg:$0x3] =	wrdreg s4  }
0xaa: {  	[dreg:$0x4] =	wrdreg $0xC0  }
0xab: {  	_ =	task [dreg:s6], $0x5FFFF  }
0xac: {  	[dreg:$0x1] =	wrdreg $0xFFFFFFFF  }
0xad: {  	[dreg:$0x0] =	wrdreg $0x60  }
0xae: {  	[dreg:$0x2] =	wrdreg s24  }
0xaf: {  	[dreg:$0x3] =	wrdreg $0x29000  }
0xb0: {  	[dreg:$0x4] =	wrdreg $0x9  }
0xb1: {  	_ =	task.clear_ibuf [dreg:s6], $0x5FFFF;
	_ =	strace $0x90000046  }
0xb2: {  	s29 =	simm.s32 $0x9;
	_ =	strace $0x80000048  }
0xb3: {  	_ =	swait.ge [sflag:s29], $0x1  }
0xb4: {  	[sflag:s29] =	ssyncadd.s32 $0xFFFFFFFF  }
0xb5: {  	_ =	strace $0x90000048  }
0xb6: {  	_ =	sfence  }
0xb7: {  	s30 =	sld [smem:$0x0];
	_ =	sdelay $0x2  }
0xb8: {  	s31 =	sshll.u32 s1, $0xD;
	s1 =	sshrl.u32 s1, $0x2  }
0xb9: {  	s3 =	sand.u32 $0x4000, s31;
	s1 =	sadd.s32 s1, s30  }
0xba: {  	s0 =	sor.u32 s3, s0;
	s1 =	sshll.u32 s1, $0x11  }
0xbb: {  	s0 =	sor.u32 s1, s0  }
0xbc: {  	s0 =	sadd.s32 $0x8F2B, s0  }
0xbd: {  	[sflag:s0] =	ssyncadd.remote.s32 $0x1  }
0xbe: {  	_ =	sfence.sel $0xFFFF  }
0xbf: {  	[dreg:$0x0] =	wrdreg $0xFFFFFFFF;
	(pc) =	sbr.abs _section_cstart, $3  }
0xc0: {  	[dreg:$0x1] =	wrdreg $0xFFFFFFFF  }
0xc1: {  	_ =	task.clear_ibuf [dreg:s6], $0x2FFFF;
	_ =	strace $0x9FFFFFFF  }
0xc2: {  	(tm) =	ssettm $0x7FFFFFFF  }
0xc3: {  	_ =	shalt  }
tec
execute0_lowered:
.L_overlay_start_1:
0x0: {  	(tag) =	ssettag $0x1  }
0x1: {  	s5 =	rddreg [dreg:$0x0]  }
0x2: {  	s0 =	srdreg.scid;
	s2 =	rddreg [dreg:$0x1]  }
0x3: {  	s1 =	rddreg [dreg:$0x2];
	s3 =	simm.s32 $0x0;
	s6 =	sand.u32 $0x1, s0  }
0x4: {  	s13 =	simm.s32 $0x80;
	s0 =	stileid.u32;
	s4 =	smul.u32 $0x27100, s6  }
0x5: {  	s14 =	simm.s32 $0x50;
	s15 =	simm.s32 $0x100;
	s7 =	smul.u32 $0x2710, s0  }
0x6: {  	s16 =	simm.s32 $0x1;
	[smem:$0x7FF] =	sst s3;
	s26 =	smul.u32 $0x14000, s0  }
0x7: {  	s17 =	simm.s32 $0x0;
	_ =	strace $0x80000047;
	s9 =	smul.u32 $0x140000, s6  }
0x8: {  	s6 =	ssub.s32 $0x2, s6;
	s29 =	smul.u32 $0x50000, s0;
	s31 =	sshll.u32 s0, $0x6  }
0x9: {  	s11 =	sshrl.u32 s6, $0x1;
	s4 =	sadd.s32 s7, s4;
	s28 =	sshrl.u32 s26, $0x3  }
0xa: {  	s7 =	sadd.s32 s26, s9;
	s11 =	ssub.s32 s6, s11;
	s30 =	sshrl.u32 s29, $0x2  }
0xb: {  	s6 =	sor.u32 $0x1C02, s31;
	s8 =	sshrl.u32 s4, $0x3;
	s4 =	sadd.s32 $0x20000, s5  }
0xc: {  	s7 =	sshrl.u32 s7, $0x3;
	s10 =	sadd.s32 s8, s5;
	s8 =	sadd.s32 s28, s5  }
0xd: {  	s12 =	sadd.s32 s30, s2;
	s7 =	sadd.s32 s7, s5;
	s5 =	sadd.s32 $0x47200, s8  }
0xe: {  	s7 =	sadd.s32 $0x6F200, s7;
	s8 =	smax.u32 s11, $0x1;
	s9 =	sadd.s32 $0xC400, s10  }
0xf: {  	s10 =	sadd.s32 $0x16200, s10;
	s11 =	sshrl.u32 s12, $0x3;
	s12 =	simm.s32 $0x2  }
.LBB2_1:
0x10: {  	[spmem:s11], [sflag:s6] =	dma.local [hbm:s5], $0x2800  }
0x11: {  	_ =	swait.ge [sflag:s12], $0x2800  }
0x12: {  	[sflag:s12] =	ssyncset.done $0x0  }
0x13: {  	[sflag:s12] =	ssyncadd.s32 $0xFFFFD800  }
0x14: {  	s18 =	sadd.s32 $0x0, s10;
	[bflag:$0x0] =	sbarrier.arrive $0xFFFF  }
0x15: {  	[tilespmem:s3], [sflag:$0x2] =	stream.linear.gather [hbm4b:s18+s3], $0x50, $0x38;
	[tilespmem:$0x16900] =	vst v63  }
0x16: {  	_ =	swait.ge [sflag:s12], $0x50  }
0x17: {  	[sflag:s12] =	ssyncset.done $0x0  }
0x18: {  	s31 =	sadd.s32 $0x0, s9;
	[sflag:s12] =	ssyncadd.s32 $0xFFFFFFB0  }
0x19: {  	[tilespmem:s13], [sflag:$0x2] =	stream.linear.gather [hbm4b:s31+s3], $0x50, $0x38;
	[tilespmem:$0x16900] =	vst v63  }
0x1a: {  	_ =	swait.ge [sflag:s12], $0x50  }
0x1b: {  	[sflag:s12] =	ssyncset.done $0x0  }
0x1c: {  	[sflag:s12] =	ssyncadd.s32 $0xFFFFFFB0  }
0x1d: {  	[tilespmem:s15], [sflag:$0x1] =	stream.indirect.gather [hbm4b:s4+s14], $0x80, s3, s14, $0xb8;
	[tilespmem:$0x16900] =	vst v63  }
0x1e: {  	_ =	swait.ge [sflag:s16], $0x2800  }
0x1f: {  	[sflag:s16] =	ssyncset.done $0x0  }
0x20: {  	[sflag:s16] =	ssyncadd.s32 $0xFFFFD800  }
0x21: {  	[spmem:s2] =	stream.indirect.scatter.add.f32 [tilespmem:s15], [sflag:$0x2], $0x80, s13, s14, $0xb8;
	[tilespmem:$0x16900] =	vst v63  }
0x22: {  	_ =	swait.ge [sflag:s12], $0x2800  }
0x23: {  	s19 =	simm.s32 $0x14;
	s18 =	simm.s32 $0xA;
	[sflag:s12] =	ssyncset.done $0x0  }
.LBB2_2:
0x24: {  	s20 =	sadd.s32 s18, s10  }
0x25: {  	[sflag:s12] =	ssyncadd.s32 $0xFFFFD800;
	s21 =	smov.u32 s19;
	s22 =	sadd.s32 $0xA, s19  }
0x26: {  	[tilespmem:s3], [sflag:$0x2] =	stream.linear.gather [hbm4b:s20+s3], $0x50, $0x38;
	[tilespmem:$0x16900] =	vst v63  }
0x27: {  	p0 =	sne.s32 s19, $0x4D8;
	_ =	swait.ge [sflag:s12], $0x50  }
0x28: {  	[sflag:s12] =	ssyncset.done $0x0  }
0x29: {  	s19 =	sadd.s32 s18, s9;
	s18 =	smov.u32 s21;
	[sflag:s12] =	ssyncadd.s32 $0xFFFFFFB0  }
0x2a: {  	[tilespmem:s13], [sflag:$0x2] =	stream.linear.gather [hbm4b:s19+s3], $0x50, $0x38;
	[tilespmem:$0x16900] =	vst v63  }
0x2b: {  	_ =	swait.ge [sflag:s12], $0x50  }
0x2c: {  	[sflag:s12] =	ssyncset.done $0x0  }
0x2d: {  	[sflag:s12] =	ssyncadd.s32 $0xFFFFFFB0  }
0x2e: {  	[tilespmem:s15], [sflag:$0x1] =	stream.indirect.gather [hbm4b:s4+s14], $0x80, s3, s14, $0xb8;
	[tilespmem:$0x16900] =	vst v63  }
0x2f: {  	_ =	swait.ge [sflag:s16], $0x2800  }
.Ltmp0:
0x30: {  	[sflag:s16] =	ssyncset.done $0x0;
	(pc) =	sbr.rel @p0 .LBB2_2-.Ltmp0, $4  }
0x31: {  	[sflag:s16] =	ssyncadd.s32 $0xFFFFD800  }
0x32: {  	[spmem:s2] =	stream.indirect.scatter.add.f32 [tilespmem:s15], [sflag:$0x2], $0x80, s13, s14, $0xb8;
	[tilespmem:$0x16900] =	vst v63  }
0x33: {  	_ =	swait.ge [sflag:s12], $0x2800  }
0x34: {  	s19 =	smov.u32 s22;
	[sflag:s12] =	ssyncset.done $0x0  }
0x35: {  	s19 =	sadd.s32 s18, s10;
	[sflag:s12] =	ssyncadd.s32 $0xFFFFD800  }
0x36: {  	[tilespmem:s3], [sflag:$0x2] =	stream.linear.gather [hbm4b:s19+s3], $0x50, $0x38;
	[tilespmem:$0x16900] =	vst v63  }
0x37: {  	_ =	swait.ge [sflag:s12], $0x50  }
0x38: {  	[sflag:s12] =	ssyncset.done $0x0  }
0x39: {  	s31 =	sadd.s32 s18, s9;
	[sflag:s12] =	ssyncadd.s32 $0xFFFFFFB0  }
0x3a: {  	[tilespmem:s13], [sflag:$0x2] =	stream.linear.gather [hbm4b:s31+s3], $0x50, $0x38;
	[tilespmem:$0x16900] =	vst v63  }
0x3b: {  	_ =	swait.ge [sflag:s12], $0x50  }
0x3c: {  	[sflag:s12] =	ssyncset.done $0x0  }
0x3d: {  	[sflag:s12] =	ssyncadd.s32 $0xFFFFFFB0  }
0x3e: {  	[tilespmem:s15], [sflag:$0x1] =	stream.indirect.gather [hbm4b:s4+s14], $0x80, s3, s14, $0xb8;
	[tilespmem:$0x16900] =	vst v63  }
0x3f: {  	_ =	swait.ge [sflag:s16], $0x2800  }
0x40: {  	[sflag:s16] =	ssyncset.done $0x0  }
0x41: {  	[sflag:s16] =	ssyncadd.s32 $0xFFFFD800  }
0x42: {  	[spmem:s2] =	stream.indirect.scatter.add.f32 [tilespmem:s15], [sflag:$0x2], $0x80, s13, s14, $0xb8;
	[tilespmem:$0x16900] =	vst v63  }
0x43: {  	_ =	swait.ge [sflag:s12], $0x2800  }
0x44: {  	s17 =	sadd.s32 $0x1, s17;
	[sflag:s12] =	ssyncset.done $0x0  }
0x45: {  	p0 =	sne.s32 s17, s8;
	[sflag:s12] =	ssyncadd.s32 $0xFFFFD800  }
.Ltmp1:
0x46: {  	[bflag:$0x0] =	sbarrier.arrive $0xFFFF;
	(pc) =	sbr.rel @p0 .LBB2_1-.Ltmp1, $4  }
0x47: {  	[hbm:s7], [sflag:s6] =	dma.local [spmem:s11], $0x2800  }
0x48: {  	_ =	swait.ge [sflag:s12], $0x2800  }
0x49: {  	[sflag:s12] =	ssyncset.done $0x0  }
0x4a: {  	[sflag:s12] =	ssyncadd.s32 $0xFFFFD800  }
0x4b: {  	_ =	sfence.sel $0x180000  }
0x4c: {  	[bflag:$0x0] =	sbarrier.arrive $0xFFFF  }
0x4d: {  	p0 =	sne.s32 s0, $0x0;
	_ =	strace $0x90000047  }
0x4e: {  	s0 =	sadd.s32 @!p0 $0x100000, s1;
	[bflag:$0x2] =	sbarrier.arrive $0xFFFF  }
0x4f: {  	[sflag:s0] =	ssyncadd.tile.s32 @!p0 $0x1;
	_ =	shalt  }
.Lfunc_end2:
_tile_overlayer_lowered:
.L_overlay_start_2:
0x50: {  	(tag) =	ssettag $0x2  }
0x51: {  	s0 =	rddreg [dreg:$0x0];
	s2 =	stileid.u32  }
0x52: {  	s1 =	rddreg [dreg:$0x1];
	p0 =	sne.s32 s2, $0x0  }
0x53: {  	s3 =	rddreg [dreg:$0x2];
	[bflag:$0x3] =	sbarrier.arrive $0xFFFF;
	s2 =	simm.s32 @!p0 $0x1C02  }
0x54: {  	[timem:s3], [sflag:s2] =	dma.local @!p0 [hbm:s0], s1  }
0x55: {  	s0 =	simm.s32 @!p0 $0x2  }
0x56: {  	_ =	swait.ge @!p0 [sflag:s0], s1  }
0x57: {  	s1 =	ssub.s32 @!p0 $0x0, s1;
	[sflag:s0] =	ssyncset.done @!p0 $0x0  }
0x58: {  	[sflag:s0] =	ssyncadd.s32 @!p0 s1  }
0x59: {  	[bflag:$0x3] =	sbarrier.arrive $0xFFFF  }
0x5a: {  	_ =	shalt  }

// kernel: kernel.21.cloned.1.call-start
scs
__scs_entry_jumppad:
0x0: {  	(pc) =	sbr.rel $0x88, $3  }
0x1: {  	(tag) =	ssettag $0x0;
	lr =	simm.s32 $0x1  }
0x2: {  	[smem:$0x3F71] =	sst lr;
	_ =	strace $0xD0000000  }
0x3: {  	_ = 	snop  }
0x4: {  	_ = 	snop  }
0x5: {  	_ = 	snop  }
0x6: {  	_ = 	snop  }
0x7: {  	_ = 	snop  }
__scs_overlays_trampoline_lowered:
0x8: {  	[smem:$0x3F80] =	sst s0  }
0x9: {  	[smem:$0x3F81] =	sst s1  }
0xa: {  	[smem:$0x3F82] =	sst s2  }
0xb: {  	[smem:$0x3F83] =	sst s3  }
0xc: {  	[smem:$0x3F84] =	sst s4  }
0xd: {  	[smem:$0x3F85] =	sst s5  }
0xe: {  	[smem:$0x3F86] =	sst s6  }
0xf: {  	[smem:$0x3F87] =	sst s7  }
0x10: {  	[smem:$0x3F88] =	sst s8  }
0x11: {  	[smem:$0x3F89] =	sst s9;
	s0 =	simm.s32 @!p0 $0x0  }
0x12: {  	s1 =	sld [smem:$0x3F6F];
	s0 =	simm.s32 @p0 $0x1  }
0x13: {  	[smem:$0x3F8A] =	sst s0;
	s0 =	simm.s32 @!p1 $0x0  }
0x14: {  	s2 =	sld [smem:$0x3F6E];
	s0 =	simm.s32 @p1 $0x1  }
0x15: {  	[smem:$0x3F8B] =	sst s0;
	s0 =	simm.s32 @!p2 $0x0  }
0x16: {  	s3 =	sld [smem:$0x3FDB];
	s0 =	simm.s32 @p2 $0x1  }
0x17: {  	s4 =	simm.s32 $0x1BF5;
	[smem:$0x3F8D] =	sst s0  }
0x18: {  	s0 =	sld [smem:$0x3F70];
	_ =	swait.ge [sflag:s4], $0x0  }
0x19: {  	s7 =	sld [smem:$0x3F71]  }
0x1a: {  	s8 =	sadd.s32 $0xFFFFE003, lr  }
0x1b: {  	s9 =	sadd.s32 $0xFFFFFEF7, lr;
	s5 =	simm.s32 $0xFFFFFFFF;
	p2 =	slt.u32 s8, $0xFFFFF086  }
0x1c: {  	p1 =	slt.u32 s9, $0xF7A;
	s5 =	simm.s32 @!p2 $0x0  }
0x1d: {  	s5 =	simm.s32 @p1 $0x1;
	p0 =	seq.s32 s7, s2  }
0x1e: {  	s7 =	smul.u32 @!p0 $0xF7A, s2;
	p2 =	seq.s32 @!p0 s5, $0x0  }
0x1f: {  	s9 =	smul.u32 $0xF7A, s1;
	s8 =	simm.s32 @!p0 $0x1BF5;
	p2 =	por !p2, p0  }
0x20: {  	[sflag:s8] =	ssyncset.s32 @!p0 $0xFFFFF086;
	s6 =	sadd.s32 @!p0 s3, s7;
	s7 =	simm.s32 @!p0 $0x108  }
0x21: {  	s3 =	sadd.s32 s3, s9;
	s6 =	sadd.s32 @!p0 $0x88, s6;
	s7 =	simm.s32 @p2 $0x1082  }
0x22: {  	[simem:s7], [sflag:s8] =	dma.local @!p0 [hbm:s6], $0xF7A  }
0x23: {  	s9 =	sor.u32 $0xD0000000, s2;
	s6 =	simm.s32 $0x108;
	_ =	swait.ge @!p0 [sflag:s8], $0x0  }
0x24: {  	s3 =	sadd.s32 $0x88, s3;
	s6 =	simm.s32 @!p1 $0x1082;
	[sflag:s4] =	ssyncset.s32 $0xFFFFF086  }
0x25: {  	[simem:s6], [sflag:s4] =	dma.local [hbm:s3], $0xF7A  }
0x26: {  	[smem:$0x3F71] =	sst s1;
	(tag) =	ssettag s2;
	_ =	strace s9  }
0x27: {  	s1 =	sld [smem:$0x3F81]  }
0x28: {  	s2 =	sld [smem:$0x3F82]  }
0x29: {  	s4 =	sld [smem:$0x3F84]  }
0x2a: {  	p0 =	seq.s32 s5, $0x0;
	s5 =	sld [smem:$0x3F85]  }
0x2b: {  	s6 =	sld [smem:$0x3F86]  }
0x2c: {  	s7 =	sld [smem:$0x3F87]  }
0x2d: {  	s3 =	simm.s32 $0x108;
	s8 =	sld [smem:$0x3F88]  }
0x2e: {  	s3 =	simm.s32 @!p0 $0x1082;
	s9 =	sld [smem:$0x3F89]  }
0x2f: {  	lr =	sadd.s32 s0, s3;
	s0 =	sld [smem:$0x3F80]  }
0x30: {  	s3 =	sld [smem:$0x3F83]  }
0x31: {  	[smem:$0x3F8C] =	sst s10  }
0x32: {  	s10 =	sld [smem:$0x3F8A];
	_ =	sdelay $0x3  }
0x33: {  	p0 =	seq.s32 s10, $0x1;
	s10 =	sld [smem:$0x3F8C];
	_ =	sdelay $0x3  }
0x34: {  	[smem:$0x3F8C] =	sst s10  }
0x35: {  	s10 =	sld [smem:$0x3F8B];
	_ =	sdelay $0x3  }
0x36: {  	p1 =	seq.s32 s10, $0x1;
	s10 =	sld [smem:$0x3F8C];
	_ =	sdelay $0x3  }
0x37: {  	[smem:$0x3F8C] =	sst s10  }
0x38: {  	s10 =	sld [smem:$0x3F8D]  }
0x39: {  	_ = 	snop;
	(pc) =	sbr.ind lr, $3  }
0x3a: {  	_ = 	snop  }
0x3b: {  	_ = 	snop  }
0x3c: {  	p2 =	seq.s32 s10, $0x1;
	s10 =	sld [smem:$0x3F8C]  }
0x3d: {  	_ =	shalt  }
0x3e: {  	_ =	shalt  }
0x3f: {  	_ =	shalt  }
0x40: {  	_ =	shalt  }
0x41: {  	_ =	shalt  }
0x42: {  	_ =	shalt  }
0x43: {  	_ =	shalt  }
0x44: {  	_ =	shalt  }
0x45: {  	_ =	shalt  }
0x46: {  	_ =	shalt  }
0x47: {  	_ =	shalt  }
0x48: {  	_ =	shalt  }
0x49: {  	_ =	shalt  }
0x4a: {  	_ =	shalt  }
0x4b: {  	_ =	shalt  }
0x4c: {  	_ =	shalt  }
0x4d: {  	_ =	shalt  }
0x4e: {  	_ =	shalt  }
0x4f: {  	_ =	shalt  }
0x50: {  	_ =	shalt  }
0x51: {  	_ =	shalt  }
0x52: {  	_ =	shalt  }
0x53: {  	_ =	shalt  }
0x54: {  	_ =	shalt  }
0x55: {  	_ =	shalt  }
0x56: {  	_ =	shalt  }
0x57: {  	_ =	shalt  }
0x58: {  	_ =	shalt  }
0x59: {  	_ =	shalt  }
0x5a: {  	_ =	shalt  }
0x5b: {  	_ =	shalt  }
0x5c: {  	_ =	shalt  }
0x5d: {  	_ =	shalt  }
0x5e: {  	_ =	shalt  }
0x5f: {  	_ =	shalt  }
0x60: {  	_ =	shalt  }
0x61: {  	_ =	shalt  }
0x62: {  	_ =	shalt  }
0x63: {  	_ =	shalt  }
0x64: {  	_ =	shalt  }
0x65: {  	_ =	shalt  }
0x66: {  	_ =	shalt  }
0x67: {  	_ =	shalt  }
0x68: {  	_ =	shalt  }
0x69: {  	_ =	shalt  }
0x6a: {  	_ =	shalt  }
0x6b: {  	_ =	shalt  }
0x6c: {  	_ =	shalt  }
0x6d: {  	_ =	shalt  }
0x6e: {  	_ =	shalt  }
0x6f: {  	_ =	shalt  }
0x70: {  	_ =	shalt  }
0x71: {  	_ =	shalt  }
0x72: {  	_ =	shalt  }
0x73: {  	_ =	shalt  }
0x74: {  	_ =	shalt  }
0x75: {  	_ =	shalt  }
0x76: {  	_ =	shalt  }
0x77: {  	_ =	shalt  }
0x78: {  	_ =	shalt  }
0x79: {  	_ =	shalt  }
0x7a: {  	_ =	shalt  }
0x7b: {  	_ =	shalt  }
0x7c: {  	_ =	shalt  }
0x7d: {  	_ =	shalt  }
0x7e: {  	_ =	shalt  }
0x7f: {  	_ =	shalt  }
0x80: {  	_ =	shalt  }
0x81: {  	_ =	shalt  }
0x82: {  	_ =	shalt  }
0x83: {  	_ =	shalt  }
0x84: {  	_ =	shalt  }
0x85: {  	_ =	shalt  }
0x86: {  	_ =	shalt  }
0x87: {  	_ =	shalt  }
.Lfunc_end0:
.L_simem_size_0:
called_computation.1_lowered:
.L_overlay_start_0:
0x88: {  	s2 =	sld [smem:$0x3FD9]  }
0x89: {  	s3 =	sld [smem:$0x3FFE];
	_ =	sdelay $0x1  }
0x8a: {  	s1 =	srdreg.scid  }
0x8b: {  	s0 =	sand.u32 $0x1, s1  }
0x8c: {  	s16 =	sshll.u32 s0, $0xA;
	s2 =	sadd.s32 s3, s2  }
0x8d: {  	s2 =	sadd.s32 s2, s16  }
0x8e: {  	[smem:$0x3F98] =	sst s2  }
0x8f: {  	_ = 	snop  }
0x90: {  	(tm) =	ssettm $0x1  }
0x91: {  	s17 =	sld [smem:$0x3FFB];
	_ =	sdelay $0x3  }
0x92: {  	_ =	strace s17  }
0x93: {  	s2 =	sld [smem:$0x3FFC];
	_ =	sdelay $0x3  }
0x94: {  	_ =	strace s2  }
0x95: {  	s2 =	sld [smem:$0x3FFD];
	_ =	sdelay $0x3  }
0x96: {  	_ =	strace s2  }
0x97: {  	_ =	strace $0x8FFFFFFF  }
0x98: {  	s18 =	sld [smem:$0x3FDB];
	_ =	sdelay $0x1  }
0x99: {  	s19 =	simm.s32 $_scs_section_size  }
0x9a: {  	s4 =	simm.s32 $_size__tile_overlayer_lowered;
	s5 =	simm.s32 $_tile_overlayer_lowered  }
0x9b: {  	s22 =	simm.s32 $0x1BFF;
	s21 =	sshll.u32 s5, $0x1;
	s2 =	sadd.s32 s19, s18  }
0x9c: {  	s6 =	simm.s32 $0x0;
	s20 =	sshll.u32 s4, $0x1;
	s4 =	sadd.s32 s21, s2  }
0x9d: {  	[timem:s6], [sflag:s22] =	dma.local [hbm:s4], s20  }
0x9e: {  	_ =	swait.ge [sflag:s22], s20  }
0x9f: {  	s3 =	ssub.s32 $0x0, s20;
	[sflag:s22] =	ssyncset.done $0x0  }
0xa0: {  	[sflag:s22] =	ssyncadd.s32 s3;
	_ =	sdelay $0x1  }
0xa1: {  	s23 =	simm.s32 $0x1B8B  }
0xa2: {  	_ =	swait.ge [sflag:s23], $0x1  }
0xa3: {  	[sflag:s23] =	ssyncset.done $0x0  }
0xa4: {  	s25 =	simm.s32 $0x1B8E;
	s24 =	sld [smem:$0x3FFE];
	[sflag:s23] =	ssyncadd.s32 $0xFFFFFFFF  }
0xa5: {  	s26 =	simm.s32 $execute0_lowered;
	[smem:$0x3FD2] =	sst s25  }
0xa6: {  	s4 =	sshll.u32 s26, $0x1;
	_ =	strace $0x80000049;
	[dreg:$0x1] =	wrdreg $0xFFFFFFFF  }
0xa7: {  	s28 =	simm.s32 $_size_execute0_lowered;
	s2 =	sadd.s32 s2, s4;
	[dreg:$0x0] =	wrdreg $0x0  }
0xa8: {  	s4 =	sshll.u32 s28, $0x1;
	[dreg:$0x2] =	wrdreg s2  }
0xa9: {  	[dreg:$0x3] =	wrdreg s4  }
0xaa: {  	[dreg:$0x4] =	wrdreg $0xC0  }
0xab: {  	_ =	task [dreg:s6], $0x5FFFF  }
0xac: {  	[dreg:$0x1] =	wrdreg $0xFFFFFFFF  }
0xad: {  	[dreg:$0x0] =	wrdreg $0x60  }
0xae: {  	[dreg:$0x2] =	wrdreg s24  }
0xaf: {  	[dreg:$0x3] =	wrdreg $0x29000  }
0xb0: {  	[dreg:$0x4] =	wrdreg $0x9  }
0xb1: {  	_ =	task.clear_ibuf [dreg:s6], $0x5FFFF;
	_ =	strace $0x90000049  }
0xb2: {  	s29 =	simm.s32 $0x9;
	_ =	strace $0x8000004B  }
0xb3: {  	_ =	swait.ge [sflag:s29], $0x1  }
0xb4: {  	[sflag:s29] =	ssyncadd.s32 $0xFFFFFFFF  }
0xb5: {  	_ =	strace $0x9000004B  }
0xb6: {  	_ =	sfence  }
0xb7: {  	s30 =	sld [smem:$0x0];
	_ =	sdelay $0x2  }
0xb8: {  	s31 =	sshll.u32 s1, $0xD;
	s1 =	sshrl.u32 s1, $0x2  }
0xb9: {  	s3 =	sand.u32 $0x4000, s31;
	s1 =	sadd.s32 s1, s30  }
0xba: {  	s0 =	sor.u32 s3, s0;
	s1 =	sshll.u32 s1, $0x11  }
0xbb: {  	s0 =	sor.u32 s1, s0  }
0xbc: {  	s0 =	sadd.s32 $0x8F2B, s0  }
0xbd: {  	[sflag:s0] =	ssyncadd.remote.s32 $0x1  }
0xbe: {  	_ =	sfence.sel $0xFFFF  }
0xbf: {  	[dreg:$0x0] =	wrdreg $0xFFFFFFFF;
	(pc) =	sbr.abs _section_cstart, $3  }
0xc0: {  	[dreg:$0x1] =	wrdreg $0xFFFFFFFF  }
0xc1: {  	_ =	task.clear_ibuf [dreg:s6], $0x2FFFF;
	_ =	strace $0x9FFFFFFF  }
0xc2: {  	(tm) =	ssettm $0x7FFFFFFF  }
0xc3: {  	_ =	shalt  }
tec
execute0_lowered:
.L_overlay_start_1:
0x0: {  	(tag) =	ssettag $0x1  }
0x1: {  	s5 =	rddreg [dreg:$0x0]  }
0x2: {  	s0 =	srdreg.scid;
	s2 =	rddreg [dreg:$0x1]  }
0x3: {  	s1 =	rddreg [dreg:$0x2];
	s3 =	simm.s32 $0x0;
	s6 =	sand.u32 $0x1, s0  }
0x4: {  	s13 =	simm.s32 $0x80;
	s0 =	stileid.u32;
	s4 =	smul.u32 $0x27100, s6  }
0x5: {  	s14 =	simm.s32 $0x50;
	s15 =	simm.s32 $0x100;
	s7 =	smul.u32 $0x2710, s0  }
0x6: {  	s16 =	simm.s32 $0x1;
	[smem:$0x7FF] =	sst s3;
	s26 =	smul.u32 $0x14000, s0  }
0x7: {  	s17 =	simm.s32 $0x0;
	_ =	strace $0x8000004A;
	s9 =	smul.u32 $0x140000, s6  }
0x8: {  	s6 =	ssub.s32 $0x2, s6;
	s29 =	smul.u32 $0x50000, s0;
	s31 =	sshll.u32 s0, $0x6  }
0x9: {  	s11 =	sshrl.u32 s6, $0x1;
	s4 =	sadd.s32 s7, s4;
	s28 =	sshrl.u32 s26, $0x3  }
0xa: {  	s7 =	sadd.s32 s26, s9;
	s11 =	ssub.s32 s6, s11;
	s30 =	sshrl.u32 s29, $0x2  }
0xb: {  	s6 =	sor.u32 $0x1C02, s31;
	s8 =	sshrl.u32 s4, $0x3;
	s4 =	sadd.s32 $0x20000, s5  }
0xc: {  	s7 =	sshrl.u32 s7, $0x3;
	s10 =	sadd.s32 s8, s5;
	s8 =	sadd.s32 s28, s5  }
0xd: {  	s12 =	sadd.s32 s30, s2;
	s7 =	sadd.s32 s7, s5;
	s5 =	sadd.s32 $0x47200, s8  }
0xe: {  	s7 =	sadd.s32 $0x6F200, s7;
	s8 =	smax.u32 s11, $0x1;
	s9 =	sadd.s32 $0xC400, s10  }
0xf: {  	s10 =	sadd.s32 $0x16200, s10;
	s11 =	sshrl.u32 s12, $0x3;
	s12 =	simm.s32 $0x2  }
.LBB2_1:
0x10: {  	[spmem:s11], [sflag:s6] =	dma.local [hbm:s5], $0x2800  }
0x11: {  	_ =	swait.ge [sflag:s12], $0x2800  }
0x12: {  	[sflag:s12] =	ssyncset.done $0x0  }
0x13: {  	[sflag:s12] =	ssyncadd.s32 $0xFFFFD800  }
0x14: {  	s18 =	sadd.s32 $0x0, s10;
	[bflag:$0x0] =	sbarrier.arrive $0xFFFF  }
0x15: {  	[tilespmem:s3], [sflag:$0x2] =	stream.linear.gather [hbm4b:s18+s3], $0x50, $0x38;
	[tilespmem:$0x16900] =	vst v63  }
0x16: {  	_ =	swait.ge [sflag:s12], $0x50  }
0x17: {  	[sflag:s12] =	ssyncset.done $0x0  }
0x18: {  	s31 =	sadd.s32 $0x0, s9;
	[sflag:s12] =	ssyncadd.s32 $0xFFFFFFB0  }
0x19: {  	[tilespmem:s13], [sflag:$0x2] =	stream.linear.gather [hbm4b:s31+s3], $0x50, $0x38;
	[tilespmem:$0x16900] =	vst v63  }
0x1a: {  	_ =	swait.ge [sflag:s12], $0x50  }
0x1b: {  	[sflag:s12] =	ssyncset.done $0x0  }
0x1c: {  	[sflag:s12] =	ssyncadd.s32 $0xFFFFFFB0  }
0x1d: {  	[tilespmem:s15], [sflag:$0x1] =	stream.indirect.gather [hbm4b:s4+s14], $0x80, s3, s14, $0xb8;
	[tilespmem:$0x16900] =	vst v63  }
0x1e: {  	_ =	swait.ge [sflag:s16], $0x2800  }
0x1f: {  	[sflag:s16] =	ssyncset.done $0x0  }
0x20: {  	[sflag:s16] =	ssyncadd.s32 $0xFFFFD800  }
0x21: {  	[spmem:s2] =	stream.indirect.scatter.add.f32 [tilespmem:s15], [sflag:$0x2], $0x80, s13, s14, $0xb8;
	[tilespmem:$0x16900] =	vst v63  }
0x22: {  	_ =	swait.ge [sflag:s12], $0x2800  }
0x23: {  	s19 =	simm.s32 $0x14;
	s18 =	simm.s32 $0xA;
	[sflag:s12] =	ssyncset.done $0x0  }
.LBB2_2:
0x24: {  	s20 =	sadd.s32 s18, s10  }
0x25: {  	[sflag:s12] =	ssyncadd.s32 $0xFFFFD800;
	s21 =	smov.u32 s19;
	s22 =	sadd.s32 $0xA, s19  }
0x26: {  	[tilespmem:s3], [sflag:$0x2] =	stream.linear.gather [hbm4b:s20+s3], $0x50, $0x38;
	[tilespmem:$0x16900] =	vst v63  }
0x27: {  	p0 =	sne.s32 s19, $0x4D8;
	_ =	swait.ge [sflag:s12], $0x50  }
0x28: {  	[sflag:s12] =	ssyncset.done $0x0  }
0x29: {  	s19 =	sadd.s32 s18, s9;
	s18 =	smov.u32 s21;
	[sflag:s12] =	ssyncadd.s32 $0xFFFFFFB0  }
0x2a: {  	[tilespmem:s13], [sflag:$0x2] =	stream.linear.gather [hbm4b:s19+s3], $0x50, $0x38;
	[tilespmem:$0x16900] =	vst v63  }
0x2b: {  	_ =	swait.ge [sflag:s12], $0x50  }
0x2c: {  	[sflag:s12] =	ssyncset.done $0x0  }
0x2d: {  	[sflag:s12] =	ssyncadd.s32 $0xFFFFFFB0  }
0x2e: {  	[tilespmem:s15], [sflag:$0x1] =	stream.indirect.gather [hbm4b:s4+s14], $0x80, s3, s14, $0xb8;
	[tilespmem:$0x16900] =	vst v63  }
0x2f: {  	_ =	swait.ge [sflag:s16], $0x2800  }
.Ltmp0:
0x30: {  	[sflag:s16] =	ssyncset.done $0x0;
	(pc) =	sbr.rel @p0 .LBB2_2-.Ltmp0, $4  }
0x31: {  	[sflag:s16] =	ssyncadd.s32 $0xFFFFD800  }
0x32: {  	[spmem:s2] =	stream.indirect.scatter.add.f32 [tilespmem:s15], [sflag:$0x2], $0x80, s13, s14, $0xb8;
	[tilespmem:$0x16900] =	vst v63  }
0x33: {  	_ =	swait.ge [sflag:s12], $0x2800  }
0x34: {  	s19 =	smov.u32 s22;
	[sflag:s12] =	ssyncset.done $0x0  }
0x35: {  	s19 =	sadd.s32 s18, s10;
	[sflag:s12] =	ssyncadd.s32 $0xFFFFD800  }
0x36: {  	[tilespmem:s3], [sflag:$0x2] =	stream.linear.gather [hbm4b:s19+s3], $0x50, $0x38;
	[tilespmem:$0x16900] =	vst v63  }
0x37: {  	_ =	swait.ge [sflag:s12], $0x50  }
0x38: {  	[sflag:s12] =	ssyncset.done $0x0  }
0x39: {  	s31 =	sadd.s32 s18, s9;
	[sflag:s12] =	ssyncadd.s32 $0xFFFFFFB0  }
0x3a: {  	[tilespmem:s13], [sflag:$0x2] =	stream.linear.gather [hbm4b:s31+s3], $0x50, $0x38;
	[tilespmem:$0x16900] =	vst v63  }
0x3b: {  	_ =	swait.ge [sflag:s12], $0x50  }
0x3c: {  	[sflag:s12] =	ssyncset.done $0x0  }
0x3d: {  	[sflag:s12] =	ssyncadd.s32 $0xFFFFFFB0  }
0x3e: {  	[tilespmem:s15], [sflag:$0x1] =	stream.indirect.gather [hbm4b:s4+s14], $0x80, s3, s14, $0xb8;
	[tilespmem:$0x16900] =	vst v63  }
0x3f: {  	_ =	swait.ge [sflag:s16], $0x2800  }
0x40: {  	[sflag:s16] =	ssyncset.done $0x0  }
0x41: {  	[sflag:s16] =	ssyncadd.s32 $0xFFFFD800  }
0x42: {  	[spmem:s2] =	stream.indirect.scatter.add.f32 [tilespmem:s15], [sflag:$0x2], $0x80, s13, s14, $0xb8;
	[tilespmem:$0x16900] =	vst v63  }
0x43: {  	_ =	swait.ge [sflag:s12], $0x2800  }
0x44: {  	s17 =	sadd.s32 $0x1, s17;
	[sflag:s12] =	ssyncset.done $0x0  }
0x45: {  	p0 =	sne.s32 s17, s8;
	[sflag:s12] =	ssyncadd.s32 $0xFFFFD800  }
.Ltmp1:
0x46: {  	[bflag:$0x0] =	sbarrier.arrive $0xFFFF;
	(pc) =	sbr.rel @p0 .LBB2_1-.Ltmp1, $4  }
0x47: {  	[hbm:s7], [sflag:s6] =	dma.local [spmem:s11], $0x2800  }
0x48: {  	_ =	swait.ge [sflag:s12], $0x2800  }
0x49: {  	[sflag:s12] =	ssyncset.done $0x0  }
0x4a: {  	[sflag:s12] =	ssyncadd.s32 $0xFFFFD800  }
0x4b: {  	_ =	sfence.sel $0x180000  }
0x4c: {  	[bflag:$0x0] =	sbarrier.arrive $0xFFFF  }
0x4d: {  	p0 =	sne.s32 s0, $0x0;
	_ =	strace $0x9000004A  }
0x4e: {  	s0 =	sadd.s32 @!p0 $0x100000, s1;
	[bflag:$0x2] =	sbarrier.arrive $0xFFFF  }
0x4f: {  	[sflag:s0] =	ssyncadd.tile.s32 @!p0 $0x1;
	_ =	shalt  }
.Lfunc_end2:
_tile_overlayer_lowered:
.L_overlay_start_2:
0x50: {  	(tag) =	ssettag $0x2  }
0x51: {  	s0 =	rddreg [dreg:$0x0];
	s2 =	stileid.u32  }
0x52: {  	s1 =	rddreg [dreg:$0x1];
	p0 =	sne.s32 s2, $0x0  }
0x53: {  	s3 =	rddreg [dreg:$0x2];
	[bflag:$0x3] =	sbarrier.arrive $0xFFFF;
	s2 =	simm.s32 @!p0 $0x1C02  }
0x54: {  	[timem:s3], [sflag:s2] =	dma.local @!p0 [hbm:s0], s1  }
0x55: {  	s0 =	simm.s32 @!p0 $0x2  }
0x56: {  	_ =	swait.ge @!p0 [sflag:s0], s1  }
0x57: {  	s1 =	ssub.s32 @!p0 $0x0, s1;
	[sflag:s0] =	ssyncset.done @!p0 $0x0  }
0x58: {  	[sflag:s0] =	ssyncadd.s32 @!p0 s1  }
0x59: {  	[bflag:$0x3] =	sbarrier.arrive $0xFFFF  }
0x5a: {  	_ =	shalt  }

// kernel: kernel.24.cloned.1.call-start
scs
__scs_entry_jumppad:
0x0: {  	(pc) =	sbr.rel $0x88, $3  }
0x1: {  	(tag) =	ssettag $0x0;
	lr =	simm.s32 $0x1  }
0x2: {  	[smem:$0x3F71] =	sst lr;
	_ =	strace $0xD0000000  }
0x3: {  	_ = 	snop  }
0x4: {  	_ = 	snop  }
0x5: {  	_ = 	snop  }
0x6: {  	_ = 	snop  }
0x7: {  	_ = 	snop  }
__scs_overlays_trampoline_lowered:
0x8: {  	[smem:$0x3F80] =	sst s0  }
0x9: {  	[smem:$0x3F81] =	sst s1  }
0xa: {  	[smem:$0x3F82] =	sst s2  }
0xb: {  	[smem:$0x3F83] =	sst s3  }
0xc: {  	[smem:$0x3F84] =	sst s4  }
0xd: {  	[smem:$0x3F85] =	sst s5  }
0xe: {  	[smem:$0x3F86] =	sst s6  }
0xf: {  	[smem:$0x3F87] =	sst s7  }
0x10: {  	[smem:$0x3F88] =	sst s8  }
0x11: {  	[smem:$0x3F89] =	sst s9;
	s0 =	simm.s32 @!p0 $0x0  }
0x12: {  	s1 =	sld [smem:$0x3F6F];
	s0 =	simm.s32 @p0 $0x1  }
0x13: {  	[smem:$0x3F8A] =	sst s0;
	s0 =	simm.s32 @!p1 $0x0  }
0x14: {  	s2 =	sld [smem:$0x3F6E];
	s0 =	simm.s32 @p1 $0x1  }
0x15: {  	[smem:$0x3F8B] =	sst s0;
	s0 =	simm.s32 @!p2 $0x0  }
0x16: {  	s3 =	sld [smem:$0x3FDB];
	s0 =	simm.s32 @p2 $0x1  }
0x17: {  	s4 =	simm.s32 $0x1BF5;
	[smem:$0x3F8D] =	sst s0  }
0x18: {  	s0 =	sld [smem:$0x3F70];
	_ =	swait.ge [sflag:s4], $0x0  }
0x19: {  	s7 =	sld [smem:$0x3F71]  }
0x1a: {  	s8 =	sadd.s32 $0xFFFFE003, lr  }
0x1b: {  	s9 =	sadd.s32 $0xFFFFFEF7, lr;
	s5 =	simm.s32 $0xFFFFFFFF;
	p2 =	slt.u32 s8, $0xFFFFF086  }
0x1c: {  	p1 =	slt.u32 s9, $0xF7A;
	s5 =	simm.s32 @!p2 $0x0  }
0x1d: {  	s5 =	simm.s32 @p1 $0x1;
	p0 =	seq.s32 s7, s2  }
0x1e: {  	s7 =	smul.u32 @!p0 $0xF7A, s2;
	p2 =	seq.s32 @!p0 s5, $0x0  }
0x1f: {  	s9 =	smul.u32 $0xF7A, s1;
	s8 =	simm.s32 @!p0 $0x1BF5;
	p2 =	por !p2, p0  }
0x20: {  	[sflag:s8] =	ssyncset.s32 @!p0 $0xFFFFF086;
	s6 =	sadd.s32 @!p0 s3, s7;
	s7 =	simm.s32 @!p0 $0x108  }
0x21: {  	s3 =	sadd.s32 s3, s9;
	s6 =	sadd.s32 @!p0 $0x88, s6;
	s7 =	simm.s32 @p2 $0x1082  }
0x22: {  	[simem:s7], [sflag:s8] =	dma.local @!p0 [hbm:s6], $0xF7A  }
0x23: {  	s9 =	sor.u32 $0xD0000000, s2;
	s6 =	simm.s32 $0x108;
	_ =	swait.ge @!p0 [sflag:s8], $0x0  }
0x24: {  	s3 =	sadd.s32 $0x88, s3;
	s6 =	simm.s32 @!p1 $0x1082;
	[sflag:s4] =	ssyncset.s32 $0xFFFFF086  }
0x25: {  	[simem:s6], [sflag:s4] =	dma.local [hbm:s3], $0xF7A  }
0x26: {  	[smem:$0x3F71] =	sst s1;
	(tag) =	ssettag s2;
	_ =	strace s9  }
0x27: {  	s1 =	sld [smem:$0x3F81]  }
0x28: {  	s2 =	sld [smem:$0x3F82]  }
0x29: {  	s4 =	sld [smem:$0x3F84]  }
0x2a: {  	p0 =	seq.s32 s5, $0x0;
	s5 =	sld [smem:$0x3F85]  }
0x2b: {  	s6 =	sld [smem:$0x3F86]  }
0x2c: {  	s7 =	sld [smem:$0x3F87]  }
0x2d: {  	s3 =	simm.s32 $0x108;
	s8 =	sld [smem:$0x3F88]  }
0x2e: {  	s3 =	simm.s32 @!p0 $0x1082;
	s9 =	sld [smem:$0x3F89]  }
0x2f: {  	lr =	sadd.s32 s0, s3;
	s0 =	sld [smem:$0x3F80]  }
0x30: {  	s3 =	sld [smem:$0x3F83]  }
0x31: {  	[smem:$0x3F8C] =	sst s10  }
0x32: {  	s10 =	sld [smem:$0x3F8A];
	_ =	sdelay $0x3  }
0x33: {  	p0 =	seq.s32 s10, $0x1;
	s10 =	sld [smem:$0x3F8C];
	_ =	sdelay $0x3  }
0x34: {  	[smem:$0x3F8C] =	sst s10  }
0x35: {  	s10 =	sld [smem:$0x3F8B];
	_ =	sdelay $0x3  }
0x36: {  	p1 =	seq.s32 s10, $0x1;
	s10 =	sld [smem:$0x3F8C];
	_ =	sdelay $0x3  }
0x37: {  	[smem:$0x3F8C] =	sst s10  }
0x38: {  	s10 =	sld [smem:$0x3F8D]  }
0x39: {  	_ = 	snop;
	(pc) =	sbr.ind lr, $3  }
0x3a: {  	_ = 	snop  }
0x3b: {  	_ = 	snop  }
0x3c: {  	p2 =	seq.s32 s10, $0x1;
	s10 =	sld [smem:$0x3F8C]  }
0x3d: {  	_ =	shalt  }
0x3e: {  	_ =	shalt  }
0x3f: {  	_ =	shalt  }
0x40: {  	_ =	shalt  }
0x41: {  	_ =	shalt  }
0x42: {  	_ =	shalt  }
0x43: {  	_ =	shalt  }
0x44: {  	_ =	shalt  }
0x45: {  	_ =	shalt  }
0x46: {  	_ =	shalt  }
0x47: {  	_ =	shalt  }
0x48: {  	_ =	shalt  }
0x49: {  	_ =	shalt  }
0x4a: {  	_ =	shalt  }
0x4b: {  	_ =	shalt  }
0x4c: {  	_ =	shalt  }
0x4d: {  	_ =	shalt  }
0x4e: {  	_ =	shalt  }
0x4f: {  	_ =	shalt  }
0x50: {  	_ =	shalt  }
0x51: {  	_ =	shalt  }
0x52: {  	_ =	shalt  }
0x53: {  	_ =	shalt  }
0x54: {  	_ =	shalt  }
0x55: {  	_ =	shalt  }
0x56: {  	_ =	shalt  }
0x57: {  	_ =	shalt  }
0x58: {  	_ =	shalt  }
0x59: {  	_ =	shalt  }
0x5a: {  	_ =	shalt  }
0x5b: {  	_ =	shalt  }
0x5c: {  	_ =	shalt  }
0x5d: {  	_ =	shalt  }
0x5e: {  	_ =	shalt  }
0x5f: {  	_ =	shalt  }
0x60: {  	_ =	shalt  }
0x61: {  	_ =	shalt  }
0x62: {  	_ =	shalt  }
0x63: {  	_ =	shalt  }
0x64: {  	_ =	shalt  }
0x65: {  	_ =	shalt  }
0x66: {  	_ =	shalt  }
0x67: {  	_ =	shalt  }
0x68: {  	_ =	shalt  }
0x69: {  	_ =	shalt  }
0x6a: {  	_ =	shalt  }
0x6b: {  	_ =	shalt  }
0x6c: {  	_ =	shalt  }
0x6d: {  	_ =	shalt  }
0x6e: {  	_ =	shalt  }
0x6f: {  	_ =	shalt  }
0x70: {  	_ =	shalt  }
0x71: {  	_ =	shalt  }
0x72: {  	_ =	shalt  }
0x73: {  	_ =	shalt  }
0x74: {  	_ =	shalt  }
0x75: {  	_ =	shalt  }
0x76: {  	_ =	shalt  }
0x77: {  	_ =	shalt  }
0x78: {  	_ =	shalt  }
0x79: {  	_ =	shalt  }
0x7a: {  	_ =	shalt  }
0x7b: {  	_ =	shalt  }
0x7c: {  	_ =	shalt  }
0x7d: {  	_ =	shalt  }
0x7e: {  	_ =	shalt  }
0x7f: {  	_ =	shalt  }
0x80: {  	_ =	shalt  }
0x81: {  	_ =	shalt  }
0x82: {  	_ =	shalt  }
0x83: {  	_ =	shalt  }
0x84: {  	_ =	shalt  }
0x85: {  	_ =	shalt  }
0x86: {  	_ =	shalt  }
0x87: {  	_ =	shalt  }
.Lfunc_end0:
.L_simem_size_0:
called_computation.2_lowered:
.L_overlay_start_0:
0x88: {  	s2 =	sld [smem:$0x3FD9]  }
0x89: {  	s3 =	sld [smem:$0x3FFE];
	_ =	sdelay $0x1  }
0x8a: {  	s1 =	srdreg.scid  }
0x8b: {  	s0 =	sand.u32 $0x1, s1  }
0x8c: {  	s16 =	sshll.u32 s0, $0xA;
	s2 =	sadd.s32 s3, s2  }
0x8d: {  	s2 =	sadd.s32 s2, s16  }
0x8e: {  	[smem:$0x3F98] =	sst s2  }
0x8f: {  	_ = 	snop  }
0x90: {  	(tm) =	ssettm $0x1  }
0x91: {  	s17 =	sld [smem:$0x3FFB];
	_ =	sdelay $0x3  }
0x92: {  	_ =	strace s17  }
0x93: {  	s2 =	sld [smem:$0x3FFC];
	_ =	sdelay $0x3  }
0x94: {  	_ =	strace s2  }
0x95: {  	s2 =	sld [smem:$0x3FFD];
	_ =	sdelay $0x3  }
0x96: {  	_ =	strace s2  }
0x97: {  	_ =	strace $0x8FFFFFFF  }
0x98: {  	s18 =	sld [smem:$0x3FDB];
	_ =	sdelay $0x1  }
0x99: {  	s19 =	simm.s32 $_scs_section_size  }
0x9a: {  	s4 =	simm.s32 $_size__tile_overlayer_lowered;
	s5 =	simm.s32 $_tile_overlayer_lowered  }
0x9b: {  	s22 =	simm.s32 $0x1BFF;
	s21 =	sshll.u32 s5, $0x1;
	s2 =	sadd.s32 s19, s18  }
0x9c: {  	s6 =	simm.s32 $0x0;
	s20 =	sshll.u32 s4, $0x1;
	s4 =	sadd.s32 s21, s2  }
0x9d: {  	[timem:s6], [sflag:s22] =	dma.local [hbm:s4], s20  }
0x9e: {  	_ =	swait.ge [sflag:s22], s20  }
0x9f: {  	s3 =	ssub.s32 $0x0, s20;
	[sflag:s22] =	ssyncset.done $0x0  }
0xa0: {  	[sflag:s22] =	ssyncadd.s32 s3;
	_ =	sdelay $0x1  }
0xa1: {  	s23 =	simm.s32 $0x1B8B  }
0xa2: {  	_ =	swait.ge [sflag:s23], $0x1  }
0xa3: {  	[sflag:s23] =	ssyncset.done $0x0  }
0xa4: {  	s25 =	simm.s32 $0x1B8E;
	s24 =	sld [smem:$0x3FFE];
	[sflag:s23] =	ssyncadd.s32 $0xFFFFFFFF  }
0xa5: {  	s26 =	simm.s32 $execute0_lowered;
	[smem:$0x3FD2] =	sst s25  }
0xa6: {  	s4 =	sshll.u32 s26, $0x1;
	_ =	strace $0x8000004C;
	[dreg:$0x1] =	wrdreg $0xFFFFFFFF  }
0xa7: {  	s28 =	simm.s32 $_size_execute0_lowered;
	s2 =	sadd.s32 s2, s4;
	[dreg:$0x0] =	wrdreg $0x0  }
0xa8: {  	s4 =	sshll.u32 s28, $0x1;
	[dreg:$0x2] =	wrdreg s2  }
0xa9: {  	[dreg:$0x3] =	wrdreg s4  }
0xaa: {  	[dreg:$0x4] =	wrdreg $0xC0  }
0xab: {  	_ =	task [dreg:s6], $0x5FFFF  }
0xac: {  	[dreg:$0x1] =	wrdreg $0xFFFFFFFF  }
0xad: {  	[dreg:$0x0] =	wrdreg $0x60  }
0xae: {  	[dreg:$0x2] =	wrdreg s24  }
0xaf: {  	[dreg:$0x3] =	wrdreg $0x29000  }
0xb0: {  	[dreg:$0x4] =	wrdreg $0x9  }
0xb1: {  	_ =	task.clear_ibuf [dreg:s6], $0x5FFFF;
	_ =	strace $0x9000004C  }
0xb2: {  	s29 =	simm.s32 $0x9;
	_ =	strace $0x8000004E  }
0xb3: {  	_ =	swait.ge [sflag:s29], $0x1  }
0xb4: {  	[sflag:s29] =	ssyncadd.s32 $0xFFFFFFFF  }
0xb5: {  	_ =	strace $0x9000004E  }
0xb6: {  	_ =	sfence  }
0xb7: {  	s30 =	sld [smem:$0x0];
	_ =	sdelay $0x2  }
0xb8: {  	s31 =	sshll.u32 s1, $0xD;
	s1 =	sshrl.u32 s1, $0x2  }
0xb9: {  	s3 =	sand.u32 $0x4000, s31;
	s1 =	sadd.s32 s1, s30  }
0xba: {  	s0 =	sor.u32 s3, s0;
	s1 =	sshll.u32 s1, $0x11  }
0xbb: {  	s0 =	sor.u32 s1, s0  }
0xbc: {  	s0 =	sadd.s32 $0x8F2B, s0  }
0xbd: {  	[sflag:s0] =	ssyncadd.remote.s32 $0x1  }
0xbe: {  	_ =	sfence.sel $0xFFFF  }
0xbf: {  	[dreg:$0x0] =	wrdreg $0xFFFFFFFF;
	(pc) =	sbr.abs _section_cstart, $3  }
0xc0: {  	[dreg:$0x1] =	wrdreg $0xFFFFFFFF  }
0xc1: {  	_ =	task.clear_ibuf [dreg:s6], $0x2FFFF;
	_ =	strace $0x9FFFFFFF  }
0xc2: {  	(tm) =	ssettm $0x7FFFFFFF  }
0xc3: {  	_ =	shalt  }
tec
execute0_lowered:
.L_overlay_start_1:
0x0: {  	(tag) =	ssettag $0x1  }
0x1: {  	s5 =	rddreg [dreg:$0x0]  }
0x2: {  	s0 =	srdreg.scid;
	s2 =	rddreg [dreg:$0x1]  }
0x3: {  	s1 =	rddreg [dreg:$0x2];
	s3 =	simm.s32 $0x0;
	s6 =	sand.u32 $0x1, s0  }
0x4: {  	s13 =	simm.s32 $0x80;
	s0 =	stileid.u32;
	s4 =	smul.u32 $0x27100, s6  }
0x5: {  	s14 =	simm.s32 $0x50;
	s15 =	simm.s32 $0x100;
	s7 =	smul.u32 $0x2710, s0  }
0x6: {  	s16 =	simm.s32 $0x1;
	[smem:$0x7FF] =	sst s3;
	s26 =	smul.u32 $0x14000, s0  }
0x7: {  	s17 =	simm.s32 $0x0;
	_ =	strace $0x8000004D;
	s9 =	smul.u32 $0x140000, s6  }
0x8: {  	s6 =	ssub.s32 $0x2, s6;
	s29 =	smul.u32 $0x50000, s0;
	s31 =	sshll.u32 s0, $0x6  }
0x9: {  	s11 =	sshrl.u32 s6, $0x1;
	s4 =	sadd.s32 s7, s4;
	s28 =	sshrl.u32 s26, $0x3  }
0xa: {  	s7 =	sadd.s32 s26, s9;
	s11 =	ssub.s32 s6, s11;
	s30 =	sshrl.u32 s29, $0x2  }
0xb: {  	s6 =	sor.u32 $0x1C02, s31;
	s8 =	sshrl.u32 s4, $0x3;
	s4 =	sadd.s32 $0x20000, s5  }
0xc: {  	s7 =	sshrl.u32 s7, $0x3;
	s10 =	sadd.s32 s8, s5;
	s8 =	sadd.s32 s28, s5  }
0xd: {  	s12 =	sadd.s32 s30, s2;
	s7 =	sadd.s32 s7, s5;
	s5 =	sadd.s32 $0x47200, s8  }
0xe: {  	s7 =	sadd.s32 $0x6F200, s7;
	s8 =	smax.u32 s11, $0x1;
	s9 =	sadd.s32 $0xC400, s10  }
0xf: {  	s10 =	sadd.s32 $0x16200, s10;
	s11 =	sshrl.u32 s12, $0x3;
	s12 =	simm.s32 $0x2  }
.LBB2_1:
0x10: {  	[spmem:s11], [sflag:s6] =	dma.local [hbm:s5], $0x2800  }
0x11: {  	_ =	swait.ge [sflag:s12], $0x2800  }
0x12: {  	[sflag:s12] =	ssyncset.done $0x0  }
0x13: {  	[sflag:s12] =	ssyncadd.s32 $0xFFFFD800  }
0x14: {  	s18 =	sadd.s32 $0x0, s10;
	[bflag:$0x0] =	sbarrier.arrive $0xFFFF  }
0x15: {  	[tilespmem:s3], [sflag:$0x2] =	stream.linear.gather [hbm4b:s18+s3], $0x50, $0x38;
	[tilespmem:$0x16900] =	vst v63  }
0x16: {  	_ =	swait.ge [sflag:s12], $0x50  }
0x17: {  	[sflag:s12] =	ssyncset.done $0x0  }
0x18: {  	s31 =	sadd.s32 $0x0, s9;
	[sflag:s12] =	ssyncadd.s32 $0xFFFFFFB0  }
0x19: {  	[tilespmem:s13], [sflag:$0x2] =	stream.linear.gather [hbm4b:s31+s3], $0x50, $0x38;
	[tilespmem:$0x16900] =	vst v63  }
0x1a: {  	_ =	swait.ge [sflag:s12], $0x50  }
0x1b: {  	[sflag:s12] =	ssyncset.done $0x0  }
0x1c: {  	[sflag:s12] =	ssyncadd.s32 $0xFFFFFFB0  }
0x1d: {  	[tilespmem:s15], [sflag:$0x1] =	stream.indirect.gather [hbm4b:s4+s14], $0x80, s3, s14, $0xb8;
	[tilespmem:$0x16900] =	vst v63  }
0x1e: {  	_ =	swait.ge [sflag:s16], $0x2800  }
0x1f: {  	[sflag:s16] =	ssyncset.done $0x0  }
0x20: {  	[sflag:s16] =	ssyncadd.s32 $0xFFFFD800  }
0x21: {  	[spmem:s2] =	stream.indirect.scatter.add.f32 [tilespmem:s15], [sflag:$0x2], $0x80, s13, s14, $0xb8;
	[tilespmem:$0x16900] =	vst v63  }
0x22: {  	_ =	swait.ge [sflag:s12], $0x2800  }
0x23: {  	s19 =	simm.s32 $0x14;
	s18 =	simm.s32 $0xA;
	[sflag:s12] =	ssyncset.done $0x0  }
.LBB2_2:
0x24: {  	s20 =	sadd.s32 s18, s10  }
0x25: {  	[sflag:s12] =	ssyncadd.s32 $0xFFFFD800;
	s21 =	smov.u32 s19;
	s22 =	sadd.s32 $0xA, s19  }
0x26: {  	[tilespmem:s3], [sflag:$0x2] =	stream.linear.gather [hbm4b:s20+s3], $0x50, $0x38;
	[tilespmem:$0x16900] =	vst v63  }
0x27: {  	p0 =	sne.s32 s19, $0x4D8;
	_ =	swait.ge [sflag:s12], $0x50  }
0x28: {  	[sflag:s12] =	ssyncset.done $0x0  }
0x29: {  	s19 =	sadd.s32 s18, s9;
	s18 =	smov.u32 s21;
	[sflag:s12] =	ssyncadd.s32 $0xFFFFFFB0  }
0x2a: {  	[tilespmem:s13], [sflag:$0x2] =	stream.linear.gather [hbm4b:s19+s3], $0x50, $0x38;
	[tilespmem:$0x16900] =	vst v63  }
0x2b: {  	_ =	swait.ge [sflag:s12], $0x50  }
0x2c: {  	[sflag:s12] =	ssyncset.done $0x0  }
0x2d: {  	[sflag:s12] =	ssyncadd.s32 $0xFFFFFFB0  }
0x2e: {  	[tilespmem:s15], [sflag:$0x1] =	stream.indirect.gather [hbm4b:s4+s14], $0x80, s3, s14, $0xb8;
	[tilespmem:$0x16900] =	vst v63  }
0x2f: {  	_ =	swait.ge [sflag:s16], $0x2800  }
.Ltmp0:
0x30: {  	[sflag:s16] =	ssyncset.done $0x0;
	(pc) =	sbr.rel @p0 .LBB2_2-.Ltmp0, $4  }
0x31: {  	[sflag:s16] =	ssyncadd.s32 $0xFFFFD800  }
0x32: {  	[spmem:s2] =	stream.indirect.scatter.add.f32 [tilespmem:s15], [sflag:$0x2], $0x80, s13, s14, $0xb8;
	[tilespmem:$0x16900] =	vst v63  }
0x33: {  	_ =	swait.ge [sflag:s12], $0x2800  }
0x34: {  	s19 =	smov.u32 s22;
	[sflag:s12] =	ssyncset.done $0x0  }
0x35: {  	s19 =	sadd.s32 s18, s10;
	[sflag:s12] =	ssyncadd.s32 $0xFFFFD800  }
0x36: {  	[tilespmem:s3], [sflag:$0x2] =	stream.linear.gather [hbm4b:s19+s3], $0x50, $0x38;
	[tilespmem:$0x16900] =	vst v63  }
0x37: {  	_ =	swait.ge [sflag:s12], $0x50  }
0x38: {  	[sflag:s12] =	ssyncset.done $0x0  }
0x39: {  	s31 =	sadd.s32 s18, s9;
	[sflag:s12] =	ssyncadd.s32 $0xFFFFFFB0  }
0x3a: {  	[tilespmem:s13], [sflag:$0x2] =	stream.linear.gather [hbm4b:s31+s3], $0x50, $0x38;
	[tilespmem:$0x16900] =	vst v63  }
0x3b: {  	_ =	swait.ge [sflag:s12], $0x50  }
0x3c: {  	[sflag:s12] =	ssyncset.done $0x0  }
0x3d: {  	[sflag:s12] =	ssyncadd.s32 $0xFFFFFFB0  }
0x3e: {  	[tilespmem:s15], [sflag:$0x1] =	stream.indirect.gather [hbm4b:s4+s14], $0x80, s3, s14, $0xb8;
	[tilespmem:$0x16900] =	vst v63  }
0x3f: {  	_ =	swait.ge [sflag:s16], $0x2800  }
0x40: {  	[sflag:s16] =	ssyncset.done $0x0  }
0x41: {  	[sflag:s16] =	ssyncadd.s32 $0xFFFFD800  }
0x42: {  	[spmem:s2] =	stream.indirect.scatter.add.f32 [tilespmem:s15], [sflag:$0x2], $0x80, s13, s14, $0xb8;
	[tilespmem:$0x16900] =	vst v63  }
0x43: {  	_ =	swait.ge [sflag:s12], $0x2800  }
0x44: {  	s17 =	sadd.s32 $0x1, s17;
	[sflag:s12] =	ssyncset.done $0x0  }
0x45: {  	p0 =	sne.s32 s17, s8;
	[sflag:s12] =	ssyncadd.s32 $0xFFFFD800  }
.Ltmp1:
0x46: {  	[bflag:$0x0] =	sbarrier.arrive $0xFFFF;
	(pc) =	sbr.rel @p0 .LBB2_1-.Ltmp1, $4  }
0x47: {  	[hbm:s7], [sflag:s6] =	dma.local [spmem:s11], $0x2800  }
0x48: {  	_ =	swait.ge [sflag:s12], $0x2800  }
0x49: {  	[sflag:s12] =	ssyncset.done $0x0  }
0x4a: {  	[sflag:s12] =	ssyncadd.s32 $0xFFFFD800  }
0x4b: {  	_ =	sfence.sel $0x180000  }
0x4c: {  	[bflag:$0x0] =	sbarrier.arrive $0xFFFF  }
0x4d: {  	p0 =	sne.s32 s0, $0x0;
	_ =	strace $0x9000004D  }
0x4e: {  	s0 =	sadd.s32 @!p0 $0x100000, s1;
	[bflag:$0x2] =	sbarrier.arrive $0xFFFF  }
0x4f: {  	[sflag:s0] =	ssyncadd.tile.s32 @!p0 $0x1;
	_ =	shalt  }
.Lfunc_end2:
_tile_overlayer_lowered:
.L_overlay_start_2:
0x50: {  	(tag) =	ssettag $0x2  }
0x51: {  	s0 =	rddreg [dreg:$0x0];
	s2 =	stileid.u32  }
0x52: {  	s1 =	rddreg [dreg:$0x1];
	p0 =	sne.s32 s2, $0x0  }
0x53: {  	s3 =	rddreg [dreg:$0x2];
	[bflag:$0x3] =	sbarrier.arrive $0xFFFF;
	s2 =	simm.s32 @!p0 $0x1C02  }
0x54: {  	[timem:s3], [sflag:s2] =	dma.local @!p0 [hbm:s0], s1  }
0x55: {  	s0 =	simm.s32 @!p0 $0x2  }
0x56: {  	_ =	swait.ge @!p0 [sflag:s0], s1  }
0x57: {  	s1 =	ssub.s32 @!p0 $0x0, s1;
	[sflag:s0] =	ssyncset.done @!p0 $0x0  }
0x58: {  	[sflag:s0] =	ssyncadd.s32 @!p0 s1  }
0x59: {  	[bflag:$0x3] =	sbarrier.arrive $0xFFFF  }
0x5a: {  	_ =	shalt  }

// kernel: kernel.27.cloned.1.call-start
scs
__scs_entry_jumppad:
0x0: {  	(pc) =	sbr.rel $0x88, $3  }
0x1: {  	(tag) =	ssettag $0x0;
	lr =	simm.s32 $0x1  }
0x2: {  	[smem:$0x3F71] =	sst lr;
	_ =	strace $0xD0000000  }
0x3: {  	_ = 	snop  }
0x4: {  	_ = 	snop  }
0x5: {  	_ = 	snop  }
0x6: {  	_ = 	snop  }
0x7: {  	_ = 	snop  }
__scs_overlays_trampoline_lowered:
0x8: {  	[smem:$0x3F80] =	sst s0  }
0x9: {  	[smem:$0x3F81] =	sst s1  }
0xa: {  	[smem:$0x3F82] =	sst s2  }
0xb: {  	[smem:$0x3F83] =	sst s3  }
0xc: {  	[smem:$0x3F84] =	sst s4  }
0xd: {  	[smem:$0x3F85] =	sst s5  }
0xe: {  	[smem:$0x3F86] =	sst s6  }
0xf: {  	[smem:$0x3F87] =	sst s7  }
0x10: {  	[smem:$0x3F88] =	sst s8  }
0x11: {  	[smem:$0x3F89] =	sst s9;
	s0 =	simm.s32 @!p0 $0x0  }
0x12: {  	s1 =	sld [smem:$0x3F6F];
	s0 =	simm.s32 @p0 $0x1  }
0x13: {  	[smem:$0x3F8A] =	sst s0;
	s0 =	simm.s32 @!p1 $0x0  }
0x14: {  	s2 =	sld [smem:$0x3F6E];
	s0 =	simm.s32 @p1 $0x1  }
0x15: {  	[smem:$0x3F8B] =	sst s0;
	s0 =	simm.s32 @!p2 $0x0  }
0x16: {  	s3 =	sld [smem:$0x3FDB];
	s0 =	simm.s32 @p2 $0x1  }
0x17: {  	s4 =	simm.s32 $0x1BF5;
	[smem:$0x3F8D] =	sst s0  }
0x18: {  	s0 =	sld [smem:$0x3F70];
	_ =	swait.ge [sflag:s4], $0x0  }
0x19: {  	s7 =	sld [smem:$0x3F71]  }
0x1a: {  	s8 =	sadd.s32 $0xFFFFE003, lr  }
0x1b: {  	s9 =	sadd.s32 $0xFFFFFEF7, lr;
	s5 =	simm.s32 $0xFFFFFFFF;
	p2 =	slt.u32 s8, $0xFFFFF086  }
0x1c: {  	p1 =	slt.u32 s9, $0xF7A;
	s5 =	simm.s32 @!p2 $0x0  }
0x1d: {  	s5 =	simm.s32 @p1 $0x1;
	p0 =	seq.s32 s7, s2  }
0x1e: {  	s7 =	smul.u32 @!p0 $0xF7A, s2;
	p2 =	seq.s32 @!p0 s5, $0x0  }
0x1f: {  	s9 =	smul.u32 $0xF7A, s1;
	s8 =	simm.s32 @!p0 $0x1BF5;
	p2 =	por !p2, p0  }
0x20: {  	[sflag:s8] =	ssyncset.s32 @!p0 $0xFFFFF086;
	s6 =	sadd.s32 @!p0 s3, s7;
	s7 =	simm.s32 @!p0 $0x108  }
0x21: {  	s3 =	sadd.s32 s3, s9;
	s6 =	sadd.s32 @!p0 $0x88, s6;
	s7 =	simm.s32 @p2 $0x1082  }
0x22: {  	[simem:s7], [sflag:s8] =	dma.local @!p0 [hbm:s6], $0xF7A  }
0x23: {  	s9 =	sor.u32 $0xD0000000, s2;
	s6 =	simm.s32 $0x108;
	_ =	swait.ge @!p0 [sflag:s8], $0x0  }
0x24: {  	s3 =	sadd.s32 $0x88, s3;
	s6 =	simm.s32 @!p1 $0x1082;
	[sflag:s4] =	ssyncset.s32 $0xFFFFF086  }
0x25: {  	[simem:s6], [sflag:s4] =	dma.local [hbm:s3], $0xF7A  }
0x26: {  	[smem:$0x3F71] =	sst s1;
	(tag) =	ssettag s2;
	_ =	strace s9  }
0x27: {  	s1 =	sld [smem:$0x3F81]  }
0x28: {  	s2 =	sld [smem:$0x3F82]  }
0x29: {  	s4 =	sld [smem:$0x3F84]  }
0x2a: {  	p0 =	seq.s32 s5, $0x0;
	s5 =	sld [smem:$0x3F85]  }
0x2b: {  	s6 =	sld [smem:$0x3F86]  }
0x2c: {  	s7 =	sld [smem:$0x3F87]  }
0x2d: {  	s3 =	simm.s32 $0x108;
	s8 =	sld [smem:$0x3F88]  }
0x2e: {  	s3 =	simm.s32 @!p0 $0x1082;
	s9 =	sld [smem:$0x3F89]  }
0x2f: {  	lr =	sadd.s32 s0, s3;
	s0 =	sld [smem:$0x3F80]  }
0x30: {  	s3 =	sld [smem:$0x3F83]  }
0x31: {  	[smem:$0x3F8C] =	sst s10  }
0x32: {  	s10 =	sld [smem:$0x3F8A];
	_ =	sdelay $0x3  }
0x33: {  	p0 =	seq.s32 s10, $0x1;
	s10 =	sld [smem:$0x3F8C];
	_ =	sdelay $0x3  }
0x34: {  	[smem:$0x3F8C] =	sst s10  }
0x35: {  	s10 =	sld [smem:$0x3F8B];
	_ =	sdelay $0x3  }
0x36: {  	p1 =	seq.s32 s10, $0x1;
	s10 =	sld [smem:$0x3F8C];
	_ =	sdelay $0x3  }
0x37: {  	[smem:$0x3F8C] =	sst s10  }
0x38: {  	s10 =	sld [smem:$0x3F8D]  }
0x39: {  	_ = 	snop;
	(pc) =	sbr.ind lr, $3  }
0x3a: {  	_ = 	snop  }
0x3b: {  	_ = 	snop  }
0x3c: {  	p2 =	seq.s32 s10, $0x1;
	s10 =	sld [smem:$0x3F8C]  }
0x3d: {  	_ =	shalt  }
0x3e: {  	_ =	shalt  }
0x3f: {  	_ =	shalt  }
0x40: {  	_ =	shalt  }
0x41: {  	_ =	shalt  }
0x42: {  	_ =	shalt  }
0x43: {  	_ =	shalt  }
0x44: {  	_ =	shalt  }
0x45: {  	_ =	shalt  }
0x46: {  	_ =	shalt  }
0x47: {  	_ =	shalt  }
0x48: {  	_ =	shalt  }
0x49: {  	_ =	shalt  }
0x4a: {  	_ =	shalt  }
0x4b: {  	_ =	shalt  }
0x4c: {  	_ =	shalt  }
0x4d: {  	_ =	shalt  }
0x4e: {  	_ =	shalt  }
0x4f: {  	_ =	shalt  }
0x50: {  	_ =	shalt  }
0x51: {  	_ =	shalt  }
0x52: {  	_ =	shalt  }
0x53: {  	_ =	shalt  }
0x54: {  	_ =	shalt  }
0x55: {  	_ =	shalt  }
0x56: {  	_ =	shalt  }
0x57: {  	_ =	shalt  }
0x58: {  	_ =	shalt  }
0x59: {  	_ =	shalt  }
0x5a: {  	_ =	shalt  }
0x5b: {  	_ =	shalt  }
0x5c: {  	_ =	shalt  }
0x5d: {  	_ =	shalt  }
0x5e: {  	_ =	shalt  }
0x5f: {  	_ =	shalt  }
0x60: {  	_ =	shalt  }
0x61: {  	_ =	shalt  }
0x62: {  	_ =	shalt  }
0x63: {  	_ =	shalt  }
0x64: {  	_ =	shalt  }
0x65: {  	_ =	shalt  }
0x66: {  	_ =	shalt  }
0x67: {  	_ =	shalt  }
0x68: {  	_ =	shalt  }
0x69: {  	_ =	shalt  }
0x6a: {  	_ =	shalt  }
0x6b: {  	_ =	shalt  }
0x6c: {  	_ =	shalt  }
0x6d: {  	_ =	shalt  }
0x6e: {  	_ =	shalt  }
0x6f: {  	_ =	shalt  }
0x70: {  	_ =	shalt  }
0x71: {  	_ =	shalt  }
0x72: {  	_ =	shalt  }
0x73: {  	_ =	shalt  }
0x74: {  	_ =	shalt  }
0x75: {  	_ =	shalt  }
0x76: {  	_ =	shalt  }
0x77: {  	_ =	shalt  }
0x78: {  	_ =	shalt  }
0x79: {  	_ =	shalt  }
0x7a: {  	_ =	shalt  }
0x7b: {  	_ =	shalt  }
0x7c: {  	_ =	shalt  }
0x7d: {  	_ =	shalt  }
0x7e: {  	_ =	shalt  }
0x7f: {  	_ =	shalt  }
0x80: {  	_ =	shalt  }
0x81: {  	_ =	shalt  }
0x82: {  	_ =	shalt  }
0x83: {  	_ =	shalt  }
0x84: {  	_ =	shalt  }
0x85: {  	_ =	shalt  }
0x86: {  	_ =	shalt  }
0x87: {  	_ =	shalt  }
.Lfunc_end0:
.L_simem_size_0:
called_computation.3_lowered:
.L_overlay_start_0:
0x88: {  	s2 =	sld [smem:$0x3FD9]  }
0x89: {  	s3 =	sld [smem:$0x3FFE];
	_ =	sdelay $0x1  }
0x8a: {  	s1 =	srdreg.scid  }
0x8b: {  	s0 =	sand.u32 $0x1, s1  }
0x8c: {  	s16 =	sshll.u32 s0, $0xA;
	s2 =	sadd.s32 s3, s2  }
0x8d: {  	s2 =	sadd.s32 s2, s16  }
0x8e: {  	[smem:$0x3F98] =	sst s2  }
0x8f: {  	_ = 	snop  }
0x90: {  	(tm) =	ssettm $0x1  }
0x91: {  	s17 =	sld [smem:$0x3FFB];
	_ =	sdelay $0x3  }
0x92: {  	_ =	strace s17  }
0x93: {  	s2 =	sld [smem:$0x3FFC];
	_ =	sdelay $0x3  }
0x94: {  	_ =	strace s2  }
0x95: {  	s2 =	sld [smem:$0x3FFD];
	_ =	sdelay $0x3  }
0x96: {  	_ =	strace s2  }
0x97: {  	_ =	strace $0x8FFFFFFF  }
0x98: {  	s18 =	sld [smem:$0x3FDB];
	_ =	sdelay $0x1  }
0x99: {  	s19 =	simm.s32 $_scs_section_size  }
0x9a: {  	s4 =	simm.s32 $_size__tile_overlayer_lowered;
	s5 =	simm.s32 $_tile_overlayer_lowered  }
0x9b: {  	s22 =	simm.s32 $0x1BFF;
	s21 =	sshll.u32 s5, $0x1;
	s2 =	sadd.s32 s19, s18  }
0x9c: {  	s6 =	simm.s32 $0x0;
	s20 =	sshll.u32 s4, $0x1;
	s4 =	sadd.s32 s21, s2  }
0x9d: {  	[timem:s6], [sflag:s22] =	dma.local [hbm:s4], s20  }
0x9e: {  	_ =	swait.ge [sflag:s22], s20  }
0x9f: {  	s3 =	ssub.s32 $0x0, s20;
	[sflag:s22] =	ssyncset.done $0x0  }
0xa0: {  	[sflag:s22] =	ssyncadd.s32 s3;
	_ =	sdelay $0x1  }
0xa1: {  	s23 =	simm.s32 $0x1B8B  }
0xa2: {  	_ =	swait.ge [sflag:s23], $0x1  }
0xa3: {  	[sflag:s23] =	ssyncset.done $0x0  }
0xa4: {  	s25 =	simm.s32 $0x1B8E;
	s24 =	sld [smem:$0x3FFE];
	[sflag:s23] =	ssyncadd.s32 $0xFFFFFFFF  }
0xa5: {  	s26 =	simm.s32 $execute0_lowered;
	[smem:$0x3FD2] =	sst s25  }
0xa6: {  	s4 =	sshll.u32 s26, $0x1;
	_ =	strace $0x8000004F;
	[dreg:$0x1] =	wrdreg $0xFFFFFFFF  }
0xa7: {  	s28 =	simm.s32 $_size_execute0_lowered;
	s2 =	sadd.s32 s2, s4;
	[dreg:$0x0] =	wrdreg $0x0  }
0xa8: {  	s4 =	sshll.u32 s28, $0x1;
	[dreg:$0x2] =	wrdreg s2  }
0xa9: {  	[dreg:$0x3] =	wrdreg s4  }
0xaa: {  	[dreg:$0x4] =	wrdreg $0xC0  }
0xab: {  	_ =	task [dreg:s6], $0x5FFFF  }
0xac: {  	[dreg:$0x1] =	wrdreg $0xFFFFFFFF  }
0xad: {  	[dreg:$0x0] =	wrdreg $0x60  }
0xae: {  	[dreg:$0x2] =	wrdreg s24  }
0xaf: {  	[dreg:$0x3] =	wrdreg $0x29000  }
0xb0: {  	[dreg:$0x4] =	wrdreg $0x9  }
0xb1: {  	_ =	task.clear_ibuf [dreg:s6], $0x5FFFF;
	_ =	strace $0x9000004F  }
0xb2: {  	s29 =	simm.s32 $0x9;
	_ =	strace $0x80000051  }
0xb3: {  	_ =	swait.ge [sflag:s29], $0x1  }
0xb4: {  	[sflag:s29] =	ssyncadd.s32 $0xFFFFFFFF  }
0xb5: {  	_ =	strace $0x90000051  }
0xb6: {  	_ =	sfence  }
0xb7: {  	s30 =	sld [smem:$0x0];
	_ =	sdelay $0x2  }
0xb8: {  	s31 =	sshll.u32 s1, $0xD;
	s1 =	sshrl.u32 s1, $0x2  }
0xb9: {  	s3 =	sand.u32 $0x4000, s31;
	s1 =	sadd.s32 s1, s30  }
0xba: {  	s0 =	sor.u32 s3, s0;
	s1 =	sshll.u32 s1, $0x11  }
0xbb: {  	s0 =	sor.u32 s1, s0  }
0xbc: {  	s0 =	sadd.s32 $0x8F2B, s0  }
0xbd: {  	[sflag:s0] =	ssyncadd.remote.s32 $0x1  }
0xbe: {  	_ =	sfence.sel $0xFFFF  }
0xbf: {  	[dreg:$0x0] =	wrdreg $0xFFFFFFFF;
	(pc) =	sbr.abs _section_cstart, $3  }
0xc0: {  	[dreg:$0x1] =	wrdreg $0xFFFFFFFF  }
0xc1: {  	_ =	task.clear_ibuf [dreg:s6], $0x2FFFF;
	_ =	strace $0x9FFFFFFF  }
0xc2: {  	(tm) =	ssettm $0x7FFFFFFF  }
0xc3: {  	_ =	shalt  }
tec
execute0_lowered:
.L_overlay_start_1:
0x0: {  	(tag) =	ssettag $0x1  }
0x1: {  	s5 =	rddreg [dreg:$0x0]  }
0x2: {  	s0 =	srdreg.scid;
	s2 =	rddreg [dreg:$0x1]  }
0x3: {  	s1 =	rddreg [dreg:$0x2];
	s3 =	simm.s32 $0x0;
	s6 =	sand.u32 $0x1, s0  }
0x4: {  	s13 =	simm.s32 $0x80;
	s0 =	stileid.u32;
	s4 =	smul.u32 $0x27100, s6  }
0x5: {  	s14 =	simm.s32 $0x50;
	s15 =	simm.s32 $0x100;
	s7 =	smul.u32 $0x2710, s0  }
0x6: {  	s16 =	simm.s32 $0x1;
	[smem:$0x7FF] =	sst s3;
	s26 =	smul.u32 $0x14000, s0  }
0x7: {  	s17 =	simm.s32 $0x0;
	_ =	strace $0x80000050;
	s9 =	smul.u32 $0x140000, s6  }
0x8: {  	s6 =	ssub.s32 $0x2, s6;
	s29 =	smul.u32 $0x50000, s0;
	s31 =	sshll.u32 s0, $0x6  }
0x9: {  	s11 =	sshrl.u32 s6, $0x1;
	s4 =	sadd.s32 s7, s4;
	s28 =	sshrl.u32 s26, $0x3  }
0xa: {  	s7 =	sadd.s32 s26, s9;
	s11 =	ssub.s32 s6, s11;
	s30 =	sshrl.u32 s29, $0x2  }
0xb: {  	s6 =	sor.u32 $0x1C02, s31;
	s8 =	sshrl.u32 s4, $0x3;
	s4 =	sadd.s32 $0x20000, s5  }
0xc: {  	s7 =	sshrl.u32 s7, $0x3;
	s10 =	sadd.s32 s8, s5;
	s8 =	sadd.s32 s28, s5  }
0xd: {  	s12 =	sadd.s32 s30, s2;
	s7 =	sadd.s32 s7, s5;
	s5 =	sadd.s32 $0x47200, s8  }
0xe: {  	s7 =	sadd.s32 $0x6F200, s7;
	s8 =	smax.u32 s11, $0x1;
	s9 =	sadd.s32 $0xC400, s10  }
0xf: {  	s10 =	sadd.s32 $0x16200, s10;
	s11 =	sshrl.u32 s12, $0x3;
	s12 =	simm.s32 $0x2  }
.LBB2_1:
0x10: {  	[spmem:s11], [sflag:s6] =	dma.local [hbm:s5], $0x2800  }
0x11: {  	_ =	swait.ge [sflag:s12], $0x2800  }
0x12: {  	[sflag:s12] =	ssyncset.done $0x0  }
0x13: {  	[sflag:s12] =	ssyncadd.s32 $0xFFFFD800  }
0x14: {  	s18 =	sadd.s32 $0x0, s10;
	[bflag:$0x0] =	sbarrier.arrive $0xFFFF  }
0x15: {  	[tilespmem:s3], [sflag:$0x2] =	stream.linear.gather [hbm4b:s18+s3], $0x50, $0x38;
	[tilespmem:$0x16900] =	vst v63  }
0x16: {  	_ =	swait.ge [sflag:s12], $0x50  }
0x17: {  	[sflag:s12] =	ssyncset.done $0x0  }
0x18: {  	s31 =	sadd.s32 $0x0, s9;
	[sflag:s12] =	ssyncadd.s32 $0xFFFFFFB0  }
0x19: {  	[tilespmem:s13], [sflag:$0x2] =	stream.linear.gather [hbm4b:s31+s3], $0x50, $0x38;
	[tilespmem:$0x16900] =	vst v63  }
0x1a: {  	_ =	swait.ge [sflag:s12], $0x50  }
0x1b: {  	[sflag:s12] =	ssyncset.done $0x0  }
0x1c: {  	[sflag:s12] =	ssyncadd.s32 $0xFFFFFFB0  }
0x1d: {  	[tilespmem:s15], [sflag:$0x1] =	stream.indirect.gather [hbm4b:s4+s14], $0x80, s3, s14, $0xb8;
	[tilespmem:$0x16900] =	vst v63  }
0x1e: {  	_ =	swait.ge [sflag:s16], $0x2800  }
0x1f: {  	[sflag:s16] =	ssyncset.done $0x0  }
0x20: {  	[sflag:s16] =	ssyncadd.s32 $0xFFFFD800  }
0x21: {  	[spmem:s2] =	stream.indirect.scatter.add.f32 [tilespmem:s15], [sflag:$0x2], $0x80, s13, s14, $0xb8;
	[tilespmem:$0x16900] =	vst v63  }
0x22: {  	_ =	swait.ge [sflag:s12], $0x2800  }
0x23: {  	s19 =	simm.s32 $0x14;
	s18 =	simm.s32 $0xA;
	[sflag:s12] =	ssyncset.done $0x0  }
.LBB2_2:
0x24: {  	s20 =	sadd.s32 s18, s10  }
0x25: {  	[sflag:s12] =	ssyncadd.s32 $0xFFFFD800;
	s21 =	smov.u32 s19;
	s22 =	sadd.s32 $0xA, s19  }
0x26: {  	[tilespmem:s3], [sflag:$0x2] =	stream.linear.gather [hbm4b:s20+s3], $0x50, $0x38;
	[tilespmem:$0x16900] =	vst v63  }
0x27: {  	p0 =	sne.s32 s19, $0x4D8;
	_ =	swait.ge [sflag:s12], $0x50  }
0x28: {  	[sflag:s12] =	ssyncset.done $0x0  }
0x29: {  	s19 =	sadd.s32 s18, s9;
	s18 =	smov.u32 s21;
	[sflag:s12] =	ssyncadd.s32 $0xFFFFFFB0  }
0x2a: {  	[tilespmem:s13], [sflag:$0x2] =	stream.linear.gather [hbm4b:s19+s3], $0x50, $0x38;
	[tilespmem:$0x16900] =	vst v63  }
0x2b: {  	_ =	swait.ge [sflag:s12], $0x50  }
0x2c: {  	[sflag:s12] =	ssyncset.done $0x0  }
0x2d: {  	[sflag:s12] =	ssyncadd.s32 $0xFFFFFFB0  }
0x2e: {  	[tilespmem:s15], [sflag:$0x1] =	stream.indirect.gather [hbm4b:s4+s14], $0x80, s3, s14, $0xb8;
	[tilespmem:$0x16900] =	vst v63  }
0x2f: {  	_ =	swait.ge [sflag:s16], $0x2800  }
.Ltmp0:
0x30: {  	[sflag:s16] =	ssyncset.done $0x0;
	(pc) =	sbr.rel @p0 .LBB2_2-.Ltmp0, $4  }
0x31: {  	[sflag:s16] =	ssyncadd.s32 $0xFFFFD800  }
0x32: {  	[spmem:s2] =	stream.indirect.scatter.add.f32 [tilespmem:s15], [sflag:$0x2], $0x80, s13, s14, $0xb8;
	[tilespmem:$0x16900] =	vst v63  }
0x33: {  	_ =	swait.ge [sflag:s12], $0x2800  }
0x34: {  	s19 =	smov.u32 s22;
	[sflag:s12] =	ssyncset.done $0x0  }
0x35: {  	s19 =	sadd.s32 s18, s10;
	[sflag:s12] =	ssyncadd.s32 $0xFFFFD800  }
0x36: {  	[tilespmem:s3], [sflag:$0x2] =	stream.linear.gather [hbm4b:s19+s3], $0x50, $0x38;
	[tilespmem:$0x16900] =	vst v63  }
0x37: {  	_ =	swait.ge [sflag:s12], $0x50  }
0x38: {  	[sflag:s12] =	ssyncset.done $0x0  }
0x39: {  	s31 =	sadd.s32 s18, s9;
	[sflag:s12] =	ssyncadd.s32 $0xFFFFFFB0  }
0x3a: {  	[tilespmem:s13], [sflag:$0x2] =	stream.linear.gather [hbm4b:s31+s3], $0x50, $0x38;
	[tilespmem:$0x16900] =	vst v63  }
0x3b: {  	_ =	swait.ge [sflag:s12], $0x50  }
0x3c: {  	[sflag:s12] =	ssyncset.done $0x0  }
0x3d: {  	[sflag:s12] =	ssyncadd.s32 $0xFFFFFFB0  }
0x3e: {  	[tilespmem:s15], [sflag:$0x1] =	stream.indirect.gather [hbm4b:s4+s14], $0x80, s3, s14, $0xb8;
	[tilespmem:$0x16900] =	vst v63  }
0x3f: {  	_ =	swait.ge [sflag:s16], $0x2800  }
0x40: {  	[sflag:s16] =	ssyncset.done $0x0  }
0x41: {  	[sflag:s16] =	ssyncadd.s32 $0xFFFFD800  }
0x42: {  	[spmem:s2] =	stream.indirect.scatter.add.f32 [tilespmem:s15], [sflag:$0x2], $0x80, s13, s14, $0xb8;
	[tilespmem:$0x16900] =	vst v63  }
0x43: {  	_ =	swait.ge [sflag:s12], $0x2800  }
0x44: {  	s17 =	sadd.s32 $0x1, s17;
	[sflag:s12] =	ssyncset.done $0x0  }
0x45: {  	p0 =	sne.s32 s17, s8;
	[sflag:s12] =	ssyncadd.s32 $0xFFFFD800  }
.Ltmp1:
0x46: {  	[bflag:$0x0] =	sbarrier.arrive $0xFFFF;
	(pc) =	sbr.rel @p0 .LBB2_1-.Ltmp1, $4  }
0x47: {  	[hbm:s7], [sflag:s6] =	dma.local [spmem:s11], $0x2800  }
0x48: {  	_ =	swait.ge [sflag:s12], $0x2800  }
0x49: {  	[sflag:s12] =	ssyncset.done $0x0  }
0x4a: {  	[sflag:s12] =	ssyncadd.s32 $0xFFFFD800  }
0x4b: {  	_ =	sfence.sel $0x180000  }
0x4c: {  	[bflag:$0x0] =	sbarrier.arrive $0xFFFF  }
0x4d: {  	p0 =	sne.s32 s0, $0x0;
	_ =	strace $0x90000050  }
0x4e: {  	s0 =	sadd.s32 @!p0 $0x100000, s1;
	[bflag:$0x2] =	sbarrier.arrive $0xFFFF  }
0x4f: {  	[sflag:s0] =	ssyncadd.tile.s32 @!p0 $0x1;
	_ =	shalt  }
.Lfunc_end2:
_tile_overlayer_lowered:
.L_overlay_start_2:
0x50: {  	(tag) =	ssettag $0x2  }
0x51: {  	s0 =	rddreg [dreg:$0x0];
	s2 =	stileid.u32  }
0x52: {  	s1 =	rddreg [dreg:$0x1];
	p0 =	sne.s32 s2, $0x0  }
0x53: {  	s3 =	rddreg [dreg:$0x2];
	[bflag:$0x3] =	sbarrier.arrive $0xFFFF;
	s2 =	simm.s32 @!p0 $0x1C02  }
0x54: {  	[timem:s3], [sflag:s2] =	dma.local @!p0 [hbm:s0], s1  }
0x55: {  	s0 =	simm.s32 @!p0 $0x2  }
0x56: {  	_ =	swait.ge @!p0 [sflag:s0], s1  }
0x57: {  	s1 =	ssub.s32 @!p0 $0x0, s1;
	[sflag:s0] =	ssyncset.done @!p0 $0x0  }
0x58: {  	[sflag:s0] =	ssyncadd.s32 @!p0 s1  }
0x59: {  	[bflag:$0x3] =	sbarrier.arrive $0xFFFF  }
0x5a: {  	_ =	shalt  }

// kernel: kernel.30.cloned.1.call-start
scs
__scs_entry_jumppad:
0x0: {  	(pc) =	sbr.rel $0x88, $3  }
0x1: {  	(tag) =	ssettag $0x0;
	lr =	simm.s32 $0x1  }
0x2: {  	[smem:$0x3F71] =	sst lr;
	_ =	strace $0xD0000000  }
0x3: {  	_ = 	snop  }
0x4: {  	_ = 	snop  }
0x5: {  	_ = 	snop  }
0x6: {  	_ = 	snop  }
0x7: {  	_ = 	snop  }
__scs_overlays_trampoline_lowered:
0x8: {  	[smem:$0x3F80] =	sst s0  }
0x9: {  	[smem:$0x3F81] =	sst s1  }
0xa: {  	[smem:$0x3F82] =	sst s2  }
0xb: {  	[smem:$0x3F83] =	sst s3  }
0xc: {  	[smem:$0x3F84] =	sst s4  }
0xd: {  	[smem:$0x3F85] =	sst s5  }
0xe: {  	[smem:$0x3F86] =	sst s6  }
0xf: {  	[smem:$0x3F87] =	sst s7  }
0x10: {  	[smem:$0x3F88] =	sst s8  }
0x11: {  	[smem:$0x3F89] =	sst s9;
	s0 =	simm.s32 @!p0 $0x0  }
0x12: {  	s1 =	sld [smem:$0x3F6F];
	s0 =	simm.s32 @p0 $0x1  }
0x13: {  	[smem:$0x3F8A] =	sst s0;
	s0 =	simm.s32 @!p1 $0x0  }
0x14: {  	s2 =	sld [smem:$0x3F6E];
	s0 =	simm.s32 @p1 $0x1  }
0x15: {  	[smem:$0x3F8B] =	sst s0;
	s0 =	simm.s32 @!p2 $0x0  }
0x16: {  	s3 =	sld [smem:$0x3FDB];
	s0 =	simm.s32 @p2 $0x1  }
0x17: {  	s4 =	simm.s32 $0x1BF5;
	[smem:$0x3F8D] =	sst s0  }
0x18: {  	s0 =	sld [smem:$0x3F70];
	_ =	swait.ge [sflag:s4], $0x0  }
0x19: {  	s7 =	sld [smem:$0x3F71]  }
0x1a: {  	s8 =	sadd.s32 $0xFFFFE003, lr  }
0x1b: {  	s9 =	sadd.s32 $0xFFFFFEF7, lr;
	s5 =	simm.s32 $0xFFFFFFFF;
	p2 =	slt.u32 s8, $0xFFFFF086  }
0x1c: {  	p1 =	slt.u32 s9, $0xF7A;
	s5 =	simm.s32 @!p2 $0x0  }
0x1d: {  	s5 =	simm.s32 @p1 $0x1;
	p0 =	seq.s32 s7, s2  }
0x1e: {  	s7 =	smul.u32 @!p0 $0xF7A, s2;
	p2 =	seq.s32 @!p0 s5, $0x0  }
0x1f: {  	s9 =	smul.u32 $0xF7A, s1;
	s8 =	simm.s32 @!p0 $0x1BF5;
	p2 =	por !p2, p0  }
0x20: {  	[sflag:s8] =	ssyncset.s32 @!p0 $0xFFFFF086;
	s6 =	sadd.s32 @!p0 s3, s7;
	s7 =	simm.s32 @!p0 $0x108  }
0x21: {  	s3 =	sadd.s32 s3, s9;
	s6 =	sadd.s32 @!p0 $0x88, s6;
	s7 =	simm.s32 @p2 $0x1082  }
0x22: {  	[simem:s7], [sflag:s8] =	dma.local @!p0 [hbm:s6], $0xF7A  }
0x23: {  	s9 =	sor.u32 $0xD0000000, s2;
	s6 =	simm.s32 $0x108;
	_ =	swait.ge @!p0 [sflag:s8], $0x0  }
0x24: {  	s3 =	sadd.s32 $0x88, s3;
	s6 =	simm.s32 @!p1 $0x1082;
	[sflag:s4] =	ssyncset.s32 $0xFFFFF086  }
0x25: {  	[simem:s6], [sflag:s4] =	dma.local [hbm:s3], $0xF7A  }
0x26: {  	[smem:$0x3F71] =	sst s1;
	(tag) =	ssettag s2;
	_ =	strace s9  }
0x27: {  	s1 =	sld [smem:$0x3F81]  }
0x28: {  	s2 =	sld [smem:$0x3F82]  }
0x29: {  	s4 =	sld [smem:$0x3F84]  }
0x2a: {  	p0 =	seq.s32 s5, $0x0;
	s5 =	sld [smem:$0x3F85]  }
0x2b: {  	s6 =	sld [smem:$0x3F86]  }
0x2c: {  	s7 =	sld [smem:$0x3F87]  }
0x2d: {  	s3 =	simm.s32 $0x108;
	s8 =	sld [smem:$0x3F88]  }
0x2e: {  	s3 =	simm.s32 @!p0 $0x1082;
	s9 =	sld [smem:$0x3F89]  }
0x2f: {  	lr =	sadd.s32 s0, s3;
	s0 =	sld [smem:$0x3F80]  }
0x30: {  	s3 =	sld [smem:$0x3F83]  }
0x31: {  	[smem:$0x3F8C] =	sst s10  }
0x32: {  	s10 =	sld [smem:$0x3F8A];
	_ =	sdelay $0x3  }
0x33: {  	p0 =	seq.s32 s10, $0x1;
	s10 =	sld [smem:$0x3F8C];
	_ =	sdelay $0x3  }
0x34: {  	[smem:$0x3F8C] =	sst s10  }
0x35: {  	s10 =	sld [smem:$0x3F8B];
	_ =	sdelay $0x3  }
0x36: {  	p1 =	seq.s32 s10, $0x1;
	s10 =	sld [smem:$0x3F8C];
	_ =	sdelay $0x3  }
0x37: {  	[smem:$0x3F8C] =	sst s10  }
0x38: {  	s10 =	sld [smem:$0x3F8D]  }
0x39: {  	_ = 	snop;
	(pc) =	sbr.ind lr, $3  }
0x3a: {  	_ = 	snop  }
0x3b: {  	_ = 	snop  }
0x3c: {  	p2 =	seq.s32 s10, $0x1;
	s10 =	sld [smem:$0x3F8C]  }
0x3d: {  	_ =	shalt  }
0x3e: {  	_ =	shalt  }
0x3f: {  	_ =	shalt  }
0x40: {  	_ =	shalt  }
0x41: {  	_ =	shalt  }
0x42: {  	_ =	shalt  }
0x43: {  	_ =	shalt  }
0x44: {  	_ =	shalt  }
0x45: {  	_ =	shalt  }
0x46: {  	_ =	shalt  }
0x47: {  	_ =	shalt  }
0x48: {  	_ =	shalt  }
0x49: {  	_ =	shalt  }
0x4a: {  	_ =	shalt  }
0x4b: {  	_ =	shalt  }
0x4c: {  	_ =	shalt  }
0x4d: {  	_ =	shalt  }
0x4e: {  	_ =	shalt  }
0x4f: {  	_ =	shalt  }
0x50: {  	_ =	shalt  }
0x51: {  	_ =	shalt  }
0x52: {  	_ =	shalt  }
0x53: {  	_ =	shalt  }
0x54: {  	_ =	shalt  }
0x55: {  	_ =	shalt  }
0x56: {  	_ =	shalt  }
0x57: {  	_ =	shalt  }
0x58: {  	_ =	shalt  }
0x59: {  	_ =	shalt  }
0x5a: {  	_ =	shalt  }
0x5b: {  	_ =	shalt  }
0x5c: {  	_ =	shalt  }
0x5d: {  	_ =	shalt  }
0x5e: {  	_ =	shalt  }
0x5f: {  	_ =	shalt  }
0x60: {  	_ =	shalt  }
0x61: {  	_ =	shalt  }
0x62: {  	_ =	shalt  }
0x63: {  	_ =	shalt  }
0x64: {  	_ =	shalt  }
0x65: {  	_ =	shalt  }
0x66: {  	_ =	shalt  }
0x67: {  	_ =	shalt  }
0x68: {  	_ =	shalt  }
0x69: {  	_ =	shalt  }
0x6a: {  	_ =	shalt  }
0x6b: {  	_ =	shalt  }
0x6c: {  	_ =	shalt  }
0x6d: {  	_ =	shalt  }
0x6e: {  	_ =	shalt  }
0x6f: {  	_ =	shalt  }
0x70: {  	_ =	shalt  }
0x71: {  	_ =	shalt  }
0x72: {  	_ =	shalt  }
0x73: {  	_ =	shalt  }
0x74: {  	_ =	shalt  }
0x75: {  	_ =	shalt  }
0x76: {  	_ =	shalt  }
0x77: {  	_ =	shalt  }
0x78: {  	_ =	shalt  }
0x79: {  	_ =	shalt  }
0x7a: {  	_ =	shalt  }
0x7b: {  	_ =	shalt  }
0x7c: {  	_ =	shalt  }
0x7d: {  	_ =	shalt  }
0x7e: {  	_ =	shalt  }
0x7f: {  	_ =	shalt  }
0x80: {  	_ =	shalt  }
0x81: {  	_ =	shalt  }
0x82: {  	_ =	shalt  }
0x83: {  	_ =	shalt  }
0x84: {  	_ =	shalt  }
0x85: {  	_ =	shalt  }
0x86: {  	_ =	shalt  }
0x87: {  	_ =	shalt  }
.Lfunc_end0:
.L_simem_size_0:
called_computation.4_lowered:
.L_overlay_start_0:
0x88: {  	s2 =	sld [smem:$0x3FD9]  }
0x89: {  	s3 =	sld [smem:$0x3FFE];
	_ =	sdelay $0x1  }
0x8a: {  	s1 =	srdreg.scid  }
0x8b: {  	s0 =	sand.u32 $0x1, s1  }
0x8c: {  	s16 =	sshll.u32 s0, $0xA;
	s2 =	sadd.s32 s3, s2  }
0x8d: {  	s2 =	sadd.s32 s2, s16  }
0x8e: {  	[smem:$0x3F98] =	sst s2  }
0x8f: {  	_ = 	snop  }
0x90: {  	(tm) =	ssettm $0x1  }
0x91: {  	s17 =	sld [smem:$0x3FFB];
	_ =	sdelay $0x3  }
0x92: {  	_ =	strace s17  }
0x93: {  	s2 =	sld [smem:$0x3FFC];
	_ =	sdelay $0x3  }
0x94: {  	_ =	strace s2  }
0x95: {  	s2 =	sld [smem:$0x3FFD];
	_ =	sdelay $0x3  }
0x96: {  	_ =	strace s2  }
0x97: {  	_ =	strace $0x8FFFFFFF  }
0x98: {  	s18 =	sld [smem:$0x3FDB];
	_ =	sdelay $0x1  }
0x99: {  	s19 =	simm.s32 $_scs_section_size  }
0x9a: {  	s4 =	simm.s32 $_size__tile_overlayer_lowered;
	s5 =	simm.s32 $_tile_overlayer_lowered  }
0x9b: {  	s22 =	simm.s32 $0x1BFF;
	s21 =	sshll.u32 s5, $0x1;
	s2 =	sadd.s32 s19, s18  }
0x9c: {  	s6 =	simm.s32 $0x0;
	s20 =	sshll.u32 s4, $0x1;
	s4 =	sadd.s32 s21, s2  }
0x9d: {  	[timem:s6], [sflag:s22] =	dma.local [hbm:s4], s20  }
0x9e: {  	_ =	swait.ge [sflag:s22], s20  }
0x9f: {  	s3 =	ssub.s32 $0x0, s20;
	[sflag:s22] =	ssyncset.done $0x0  }
0xa0: {  	[sflag:s22] =	ssyncadd.s32 s3;
	_ =	sdelay $0x1  }
0xa1: {  	s23 =	simm.s32 $0x1B8B  }
0xa2: {  	_ =	swait.ge [sflag:s23], $0x1  }
0xa3: {  	[sflag:s23] =	ssyncset.done $0x0  }
0xa4: {  	s25 =	simm.s32 $0x1B8E;
	s24 =	sld [smem:$0x3FFE];
	[sflag:s23] =	ssyncadd.s32 $0xFFFFFFFF  }
0xa5: {  	s26 =	simm.s32 $execute0_lowered;
	[smem:$0x3FD2] =	sst s25  }
0xa6: {  	s4 =	sshll.u32 s26, $0x1;
	_ =	strace $0x80000052;
	[dreg:$0x1] =	wrdreg $0xFFFFFFFF  }
0xa7: {  	s28 =	simm.s32 $_size_execute0_lowered;
	s2 =	sadd.s32 s2, s4;
	[dreg:$0x0] =	wrdreg $0x0  }
0xa8: {  	s4 =	sshll.u32 s28, $0x1;
	[dreg:$0x2] =	wrdreg s2  }
0xa9: {  	[dreg:$0x3] =	wrdreg s4  }
0xaa: {  	[dreg:$0x4] =	wrdreg $0xC0  }
0xab: {  	_ =	task [dreg:s6], $0x5FFFF  }
0xac: {  	[dreg:$0x1] =	wrdreg $0xFFFFFFFF  }
0xad: {  	[dreg:$0x0] =	wrdreg $0x60  }
0xae: {  	[dreg:$0x2] =	wrdreg s24  }
0xaf: {  	[dreg:$0x3] =	wrdreg $0x29000  }
0xb0: {  	[dreg:$0x4] =	wrdreg $0x9  }
0xb1: {  	_ =	task.clear_ibuf [dreg:s6], $0x5FFFF;
	_ =	strace $0x90000052  }
0xb2: {  	s29 =	simm.s32 $0x9;
	_ =	strace $0x80000054  }
0xb3: {  	_ =	swait.ge [sflag:s29], $0x1  }
0xb4: {  	[sflag:s29] =	ssyncadd.s32 $0xFFFFFFFF  }
0xb5: {  	_ =	strace $0x90000054  }
0xb6: {  	_ =	sfence  }
0xb7: {  	s30 =	sld [smem:$0x0];
	_ =	sdelay $0x2  }
0xb8: {  	s31 =	sshll.u32 s1, $0xD;
	s1 =	sshrl.u32 s1, $0x2  }
0xb9: {  	s3 =	sand.u32 $0x4000, s31;
	s1 =	sadd.s32 s1, s30  }
0xba: {  	s0 =	sor.u32 s3, s0;
	s1 =	sshll.u32 s1, $0x11  }
0xbb: {  	s0 =	sor.u32 s1, s0  }
0xbc: {  	s0 =	sadd.s32 $0x8F2B, s0  }
0xbd: {  	[sflag:s0] =	ssyncadd.remote.s32 $0x1  }
0xbe: {  	_ =	sfence.sel $0xFFFF  }
0xbf: {  	[dreg:$0x0] =	wrdreg $0xFFFFFFFF;
	(pc) =	sbr.abs _section_cstart, $3  }
0xc0: {  	[dreg:$0x1] =	wrdreg $0xFFFFFFFF  }
0xc1: {  	_ =	task.clear_ibuf [dreg:s6], $0x2FFFF;
	_ =	strace $0x9FFFFFFF  }
0xc2: {  	(tm) =	ssettm $0x7FFFFFFF  }
0xc3: {  	_ =	shalt  }
tec
execute0_lowered:
.L_overlay_start_1:
0x0: {  	(tag) =	ssettag $0x1  }
0x1: {  	s5 =	rddreg [dreg:$0x0]  }
0x2: {  	s0 =	srdreg.scid;
	s2 =	rddreg [dreg:$0x1]  }
0x3: {  	s1 =	rddreg [dreg:$0x2];
	s3 =	simm.s32 $0x0;
	s6 =	sand.u32 $0x1, s0  }
0x4: {  	s13 =	simm.s32 $0x80;
	s0 =	stileid.u32;
	s4 =	smul.u32 $0x27100, s6  }
0x5: {  	s14 =	simm.s32 $0x50;
	s15 =	simm.s32 $0x100;
	s7 =	smul.u32 $0x2710, s0  }
0x6: {  	s16 =	simm.s32 $0x1;
	[smem:$0x7FF] =	sst s3;
	s26 =	smul.u32 $0x14000, s0  }
0x7: {  	s17 =	simm.s32 $0x0;
	_ =	strace $0x80000053;
	s9 =	smul.u32 $0x140000, s6  }
0x8: {  	s6 =	ssub.s32 $0x2, s6;
	s29 =	smul.u32 $0x50000, s0;
	s31 =	sshll.u32 s0, $0x6  }
0x9: {  	s11 =	sshrl.u32 s6, $0x1;
	s4 =	sadd.s32 s7, s4;
	s28 =	sshrl.u32 s26, $0x3  }
0xa: {  	s7 =	sadd.s32 s26, s9;
	s11 =	ssub.s32 s6, s11;
	s30 =	sshrl.u32 s29, $0x2  }
0xb: {  	s6 =	sor.u32 $0x1C02, s31;
	s8 =	sshrl.u32 s4, $0x3;
	s4 =	sadd.s32 $0x20000, s5  }
0xc: {  	s7 =	sshrl.u32 s7, $0x3;
	s10 =	sadd.s32 s8, s5;
	s8 =	sadd.s32 s28, s5  }
0xd: {  	s12 =	sadd.s32 s30, s2;
	s7 =	sadd.s32 s7, s5;
	s5 =	sadd.s32 $0x47200, s8  }
0xe: {  	s7 =	sadd.s32 $0x6F200, s7;
	s8 =	smax.u32 s11, $0x1;
	s9 =	sadd.s32 $0xC400, s10  }
0xf: {  	s10 =	sadd.s32 $0x16200, s10;
	s11 =	sshrl.u32 s12, $0x3;
	s12 =	simm.s32 $0x2  }
.LBB2_1:
0x10: {  	[spmem:s11], [sflag:s6] =	dma.local [hbm:s5], $0x2800  }
0x11: {  	_ =	swait.ge [sflag:s12], $0x2800  }
0x12: {  	[sflag:s12] =	ssyncset.done $0x0  }
0x13: {  	[sflag:s12] =	ssyncadd.s32 $0xFFFFD800  }
0x14: {  	s18 =	sadd.s32 $0x0, s10;
	[bflag:$0x0] =	sbarrier.arrive $0xFFFF  }
0x15: {  	[tilespmem:s3], [sflag:$0x2] =	stream.linear.gather [hbm4b:s18+s3], $0x50, $0x38;
	[tilespmem:$0x16900] =	vst v63  }
0x16: {  	_ =	swait.ge [sflag:s12], $0x50  }
0x17: {  	[sflag:s12] =	ssyncset.done $0x0  }
0x18: {  	s31 =	sadd.s32 $0x0, s9;
	[sflag:s12] =	ssyncadd.s32 $0xFFFFFFB0  }
0x19: {  	[tilespmem:s13], [sflag:$0x2] =	stream.linear.gather [hbm4b:s31+s3], $0x50, $0x38;
	[tilespmem:$0x16900] =	vst v63  }
0x1a: {  	_ =	swait.ge [sflag:s12], $0x50  }
0x1b: {  	[sflag:s12] =	ssyncset.done $0x0  }
0x1c: {  	[sflag:s12] =	ssyncadd.s32 $0xFFFFFFB0  }
0x1d: {  	[tilespmem:s15], [sflag:$0x1] =	stream.indirect.gather [hbm4b:s4+s14], $0x80, s3, s14, $0xb8;
	[tilespmem:$0x16900] =	vst v63  }
0x1e: {  	_ =	swait.ge [sflag:s16], $0x2800  }
0x1f: {  	[sflag:s16] =	ssyncset.done $0x0  }
0x20: {  	[sflag:s16] =	ssyncadd.s32 $0xFFFFD800  }
0x21: {  	[spmem:s2] =	stream.indirect.scatter.add.f32 [tilespmem:s15], [sflag:$0x2], $0x80, s13, s14, $0xb8;
	[tilespmem:$0x16900] =	vst v63  }
0x22: {  	_ =	swait.ge [sflag:s12], $0x2800  }
0x23: {  	s19 =	simm.s32 $0x14;
	s18 =	simm.s32 $0xA;
	[sflag:s12] =	ssyncset.done $0x0  }
.LBB2_2:
0x24: {  	s20 =	sadd.s32 s18, s10  }
0x25: {  	[sflag:s12] =	ssyncadd.s32 $0xFFFFD800;
	s21 =	smov.u32 s19;
	s22 =	sadd.s32 $0xA, s19  }
0x26: {  	[tilespmem:s3], [sflag:$0x2] =	stream.linear.gather [hbm4b:s20+s3], $0x50, $0x38;
	[tilespmem:$0x16900] =	vst v63  }
0x27: {  	p0 =	sne.s32 s19, $0x4D8;
	_ =	swait.ge [sflag:s12], $0x50  }
0x28: {  	[sflag:s12] =	ssyncset.done $0x0  }
0x29: {  	s19 =	sadd.s32 s18, s9;
	s18 =	smov.u32 s21;
	[sflag:s12] =	ssyncadd.s32 $0xFFFFFFB0  }
0x2a: {  	[tilespmem:s13], [sflag:$0x2] =	stream.linear.gather [hbm4b:s19+s3], $0x50, $0x38;
	[tilespmem:$0x16900] =	vst v63  }
0x2b: {  	_ =	swait.ge [sflag:s12], $0x50  }
0x2c: {  	[sflag:s12] =	ssyncset.done $0x0  }
0x2d: {  	[sflag:s12] =	ssyncadd.s32 $0xFFFFFFB0  }
0x2e: {  	[tilespmem:s15], [sflag:$0x1] =	stream.indirect.gather [hbm4b:s4+s14], $0x80, s3, s14, $0xb8;
	[tilespmem:$0x16900] =	vst v63  }
0x2f: {  	_ =	swait.ge [sflag:s16], $0x2800  }
.Ltmp0:
0x30: {  	[sflag:s16] =	ssyncset.done $0x0;
	(pc) =	sbr.rel @p0 .LBB2_2-.Ltmp0, $4  }
0x31: {  	[sflag:s16] =	ssyncadd.s32 $0xFFFFD800  }
0x32: {  	[spmem:s2] =	stream.indirect.scatter.add.f32 [tilespmem:s15], [sflag:$0x2], $0x80, s13, s14, $0xb8;
	[tilespmem:$0x16900] =	vst v63  }
0x33: {  	_ =	swait.ge [sflag:s12], $0x2800  }
0x34: {  	s19 =	smov.u32 s22;
	[sflag:s12] =	ssyncset.done $0x0  }
0x35: {  	s19 =	sadd.s32 s18, s10;
	[sflag:s12] =	ssyncadd.s32 $0xFFFFD800  }
0x36: {  	[tilespmem:s3], [sflag:$0x2] =	stream.linear.gather [hbm4b:s19+s3], $0x50, $0x38;
	[tilespmem:$0x16900] =	vst v63  }
0x37: {  	_ =	swait.ge [sflag:s12], $0x50  }
0x38: {  	[sflag:s12] =	ssyncset.done $0x0  }
0x39: {  	s31 =	sadd.s32 s18, s9;
	[sflag:s12] =	ssyncadd.s32 $0xFFFFFFB0  }
0x3a: {  	[tilespmem:s13], [sflag:$0x2] =	stream.linear.gather [hbm4b:s31+s3], $0x50, $0x38;
	[tilespmem:$0x16900] =	vst v63  }
0x3b: {  	_ =	swait.ge [sflag:s12], $0x50  }
0x3c: {  	[sflag:s12] =	ssyncset.done $0x0  }
0x3d: {  	[sflag:s12] =	ssyncadd.s32 $0xFFFFFFB0  }
0x3e: {  	[tilespmem:s15], [sflag:$0x1] =	stream.indirect.gather [hbm4b:s4+s14], $0x80, s3, s14, $0xb8;
	[tilespmem:$0x16900] =	vst v63  }
0x3f: {  	_ =	swait.ge [sflag:s16], $0x2800  }
0x40: {  	[sflag:s16] =	ssyncset.done $0x0  }
0x41: {  	[sflag:s16] =	ssyncadd.s32 $0xFFFFD800  }
0x42: {  	[spmem:s2] =	stream.indirect.scatter.add.f32 [tilespmem:s15], [sflag:$0x2], $0x80, s13, s14, $0xb8;
	[tilespmem:$0x16900] =	vst v63  }
0x43: {  	_ =	swait.ge [sflag:s12], $0x2800  }
0x44: {  	s17 =	sadd.s32 $0x1, s17;
	[sflag:s12] =	ssyncset.done $0x0  }
0x45: {  	p0 =	sne.s32 s17, s8;
	[sflag:s12] =	ssyncadd.s32 $0xFFFFD800  }
.Ltmp1:
0x46: {  	[bflag:$0x0] =	sbarrier.arrive $0xFFFF;
	(pc) =	sbr.rel @p0 .LBB2_1-.Ltmp1, $4  }
0x47: {  	[hbm:s7], [sflag:s6] =	dma.local [spmem:s11], $0x2800  }
0x48: {  	_ =	swait.ge [sflag:s12], $0x2800  }
0x49: {  	[sflag:s12] =	ssyncset.done $0x0  }
0x4a: {  	[sflag:s12] =	ssyncadd.s32 $0xFFFFD800  }
0x4b: {  	_ =	sfence.sel $0x180000  }
0x4c: {  	[bflag:$0x0] =	sbarrier.arrive $0xFFFF  }
0x4d: {  	p0 =	sne.s32 s0, $0x0;
	_ =	strace $0x90000053  }
0x4e: {  	s0 =	sadd.s32 @!p0 $0x100000, s1;
	[bflag:$0x2] =	sbarrier.arrive $0xFFFF  }
0x4f: {  	[sflag:s0] =	ssyncadd.tile.s32 @!p0 $0x1;
	_ =	shalt  }
.Lfunc_end2:
_tile_overlayer_lowered:
.L_overlay_start_2:
0x50: {  	(tag) =	ssettag $0x2  }
0x51: {  	s0 =	rddreg [dreg:$0x0];
	s2 =	stileid.u32  }
0x52: {  	s1 =	rddreg [dreg:$0x1];
	p0 =	sne.s32 s2, $0x0  }
0x53: {  	s3 =	rddreg [dreg:$0x2];
	[bflag:$0x3] =	sbarrier.arrive $0xFFFF;
	s2 =	simm.s32 @!p0 $0x1C02  }
0x54: {  	[timem:s3], [sflag:s2] =	dma.local @!p0 [hbm:s0], s1  }
0x55: {  	s0 =	simm.s32 @!p0 $0x2  }
0x56: {  	_ =	swait.ge @!p0 [sflag:s0], s1  }
0x57: {  	s1 =	ssub.s32 @!p0 $0x0, s1;
	[sflag:s0] =	ssyncset.done @!p0 $0x0  }
0x58: {  	[sflag:s0] =	ssyncadd.s32 @!p0 s1  }
0x59: {  	[bflag:$0x3] =	sbarrier.arrive $0xFFFF  }
0x5a: {  	_ =	shalt  }

// kernel: kernel.33.cloned.1.call-start
scs
__scs_entry_jumppad:
0x0: {  	(pc) =	sbr.rel $0x88, $3  }
0x1: {  	(tag) =	ssettag $0x0;
	lr =	simm.s32 $0x1  }
0x2: {  	[smem:$0x3F71] =	sst lr;
	_ =	strace $0xD0000000  }
0x3: {  	_ = 	snop  }
0x4: {  	_ = 	snop  }
0x5: {  	_ = 	snop  }
0x6: {  	_ = 	snop  }
0x7: {  	_ = 	snop  }
__scs_overlays_trampoline_lowered:
0x8: {  	[smem:$0x3F80] =	sst s0  }
0x9: {  	[smem:$0x3F81] =	sst s1  }
0xa: {  	[smem:$0x3F82] =	sst s2  }
0xb: {  	[smem:$0x3F83] =	sst s3  }
0xc: {  	[smem:$0x3F84] =	sst s4  }
0xd: {  	[smem:$0x3F85] =	sst s5  }
0xe: {  	[smem:$0x3F86] =	sst s6  }
0xf: {  	[smem:$0x3F87] =	sst s7  }
0x10: {  	[smem:$0x3F88] =	sst s8  }
0x11: {  	[smem:$0x3F89] =	sst s9;
	s0 =	simm.s32 @!p0 $0x0  }
0x12: {  	s1 =	sld [smem:$0x3F6F];
	s0 =	simm.s32 @p0 $0x1  }
0x13: {  	[smem:$0x3F8A] =	sst s0;
	s0 =	simm.s32 @!p1 $0x0  }
0x14: {  	s2 =	sld [smem:$0x3F6E];
	s0 =	simm.s32 @p1 $0x1  }
0x15: {  	[smem:$0x3F8B] =	sst s0;
	s0 =	simm.s32 @!p2 $0x0  }
0x16: {  	s3 =	sld [smem:$0x3FDB];
	s0 =	simm.s32 @p2 $0x1  }
0x17: {  	s4 =	simm.s32 $0x1BF5;
	[smem:$0x3F8D] =	sst s0  }
0x18: {  	s0 =	sld [smem:$0x3F70];
	_ =	swait.ge [sflag:s4], $0x0  }
0x19: {  	s7 =	sld [smem:$0x3F71]  }
0x1a: {  	s8 =	sadd.s32 $0xFFFFE003, lr  }
0x1b: {  	s9 =	sadd.s32 $0xFFFFFEF7, lr;
	s5 =	simm.s32 $0xFFFFFFFF;
	p2 =	slt.u32 s8, $0xFFFFF086  }
0x1c: {  	p1 =	slt.u32 s9, $0xF7A;
	s5 =	simm.s32 @!p2 $0x0  }
0x1d: {  	s5 =	simm.s32 @p1 $0x1;
	p0 =	seq.s32 s7, s2  }
0x1e: {  	s7 =	smul.u32 @!p0 $0xF7A, s2;
	p2 =	seq.s32 @!p0 s5, $0x0  }
0x1f: {  	s9 =	smul.u32 $0xF7A, s1;
	s8 =	simm.s32 @!p0 $0x1BF5;
	p2 =	por !p2, p0  }
0x20: {  	[sflag:s8] =	ssyncset.s32 @!p0 $0xFFFFF086;
	s6 =	sadd.s32 @!p0 s3, s7;
	s7 =	simm.s32 @!p0 $0x108  }
0x21: {  	s3 =	sadd.s32 s3, s9;
	s6 =	sadd.s32 @!p0 $0x88, s6;
	s7 =	simm.s32 @p2 $0x1082  }
0x22: {  	[simem:s7], [sflag:s8] =	dma.local @!p0 [hbm:s6], $0xF7A  }
0x23: {  	s9 =	sor.u32 $0xD0000000, s2;
	s6 =	simm.s32 $0x108;
	_ =	swait.ge @!p0 [sflag:s8], $0x0  }
0x24: {  	s3 =	sadd.s32 $0x88, s3;
	s6 =	simm.s32 @!p1 $0x1082;
	[sflag:s4] =	ssyncset.s32 $0xFFFFF086  }
0x25: {  	[simem:s6], [sflag:s4] =	dma.local [hbm:s3], $0xF7A  }
0x26: {  	[smem:$0x3F71] =	sst s1;
	(tag) =	ssettag s2;
	_ =	strace s9  }
0x27: {  	s1 =	sld [smem:$0x3F81]  }
0x28: {  	s2 =	sld [smem:$0x3F82]  }
0x29: {  	s4 =	sld [smem:$0x3F84]  }
0x2a: {  	p0 =	seq.s32 s5, $0x0;
	s5 =	sld [smem:$0x3F85]  }
0x2b: {  	s6 =	sld [smem:$0x3F86]  }
0x2c: {  	s7 =	sld [smem:$0x3F87]  }
0x2d: {  	s3 =	simm.s32 $0x108;
	s8 =	sld [smem:$0x3F88]  }
0x2e: {  	s3 =	simm.s32 @!p0 $0x1082;
	s9 =	sld [smem:$0x3F89]  }
0x2f: {  	lr =	sadd.s32 s0, s3;
	s0 =	sld [smem:$0x3F80]  }
0x30: {  	s3 =	sld [smem:$0x3F83]  }
0x31: {  	[smem:$0x3F8C] =	sst s10  }
0x32: {  	s10 =	sld [smem:$0x3F8A];
	_ =	sdelay $0x3  }
0x33: {  	p0 =	seq.s32 s10, $0x1;
	s10 =	sld [smem:$0x3F8C];
	_ =	sdelay $0x3  }
0x34: {  	[smem:$0x3F8C] =	sst s10  }
0x35: {  	s10 =	sld [smem:$0x3F8B];
	_ =	sdelay $0x3  }
0x36: {  	p1 =	seq.s32 s10, $0x1;
	s10 =	sld [smem:$0x3F8C];
	_ =	sdelay $0x3  }
0x37: {  	[smem:$0x3F8C] =	sst s10  }
0x38: {  	s10 =	sld [smem:$0x3F8D]  }
0x39: {  	_ = 	snop;
	(pc) =	sbr.ind lr, $3  }
0x3a: {  	_ = 	snop  }
0x3b: {  	_ = 	snop  }
0x3c: {  	p2 =	seq.s32 s10, $0x1;
	s10 =	sld [smem:$0x3F8C]  }
0x3d: {  	_ =	shalt  }
0x3e: {  	_ =	shalt  }
0x3f: {  	_ =	shalt  }
0x40: {  	_ =	shalt  }
0x41: {  	_ =	shalt  }
0x42: {  	_ =	shalt  }
0x43: {  	_ =	shalt  }
0x44: {  	_ =	shalt  }
0x45: {  	_ =	shalt  }
0x46: {  	_ =	shalt  }
0x47: {  	_ =	shalt  }
0x48: {  	_ =	shalt  }
0x49: {  	_ =	shalt  }
0x4a: {  	_ =	shalt  }
0x4b: {  	_ =	shalt  }
0x4c: {  	_ =	shalt  }
0x4d: {  	_ =	shalt  }
0x4e: {  	_ =	shalt  }
0x4f: {  	_ =	shalt  }
0x50: {  	_ =	shalt  }
0x51: {  	_ =	shalt  }
0x52: {  	_ =	shalt  }
0x53: {  	_ =	shalt  }
0x54: {  	_ =	shalt  }
0x55: {  	_ =	shalt  }
0x56: {  	_ =	shalt  }
0x57: {  	_ =	shalt  }
0x58: {  	_ =	shalt  }
0x59: {  	_ =	shalt  }
0x5a: {  	_ =	shalt  }
0x5b: {  	_ =	shalt  }
0x5c: {  	_ =	shalt  }
0x5d: {  	_ =	shalt  }
0x5e: {  	_ =	shalt  }
0x5f: {  	_ =	shalt  }
0x60: {  	_ =	shalt  }
0x61: {  	_ =	shalt  }
0x62: {  	_ =	shalt  }
0x63: {  	_ =	shalt  }
0x64: {  	_ =	shalt  }
0x65: {  	_ =	shalt  }
0x66: {  	_ =	shalt  }
0x67: {  	_ =	shalt  }
0x68: {  	_ =	shalt  }
0x69: {  	_ =	shalt  }
0x6a: {  	_ =	shalt  }
0x6b: {  	_ =	shalt  }
0x6c: {  	_ =	shalt  }
0x6d: {  	_ =	shalt  }
0x6e: {  	_ =	shalt  }
0x6f: {  	_ =	shalt  }
0x70: {  	_ =	shalt  }
0x71: {  	_ =	shalt  }
0x72: {  	_ =	shalt  }
0x73: {  	_ =	shalt  }
0x74: {  	_ =	shalt  }
0x75: {  	_ =	shalt  }
0x76: {  	_ =	shalt  }
0x77: {  	_ =	shalt  }
0x78: {  	_ =	shalt  }
0x79: {  	_ =	shalt  }
0x7a: {  	_ =	shalt  }
0x7b: {  	_ =	shalt  }
0x7c: {  	_ =	shalt  }
0x7d: {  	_ =	shalt  }
0x7e: {  	_ =	shalt  }
0x7f: {  	_ =	shalt  }
0x80: {  	_ =	shalt  }
0x81: {  	_ =	shalt  }
0x82: {  	_ =	shalt  }
0x83: {  	_ =	shalt  }
0x84: {  	_ =	shalt  }
0x85: {  	_ =	shalt  }
0x86: {  	_ =	shalt  }
0x87: {  	_ =	shalt  }
.Lfunc_end0:
.L_simem_size_0:
called_computation.5_lowered:
.L_overlay_start_0:
0x88: {  	s2 =	sld [smem:$0x3FD9]  }
0x89: {  	s3 =	sld [smem:$0x3FFE];
	_ =	sdelay $0x1  }
0x8a: {  	s1 =	srdreg.scid  }
0x8b: {  	s0 =	sand.u32 $0x1, s1  }
0x8c: {  	s16 =	sshll.u32 s0, $0xA;
	s2 =	sadd.s32 s3, s2  }
0x8d: {  	s2 =	sadd.s32 s2, s16  }
0x8e: {  	[smem:$0x3F98] =	sst s2  }
0x8f: {  	_ = 	snop  }
0x90: {  	(tm) =	ssettm $0x1  }
0x91: {  	s17 =	sld [smem:$0x3FFB];
	_ =	sdelay $0x3  }
0x92: {  	_ =	strace s17  }
0x93: {  	s2 =	sld [smem:$0x3FFC];
	_ =	sdelay $0x3  }
0x94: {  	_ =	strace s2  }
0x95: {  	s2 =	sld [smem:$0x3FFD];
	_ =	sdelay $0x3  }
0x96: {  	_ =	strace s2  }
0x97: {  	_ =	strace $0x8FFFFFFF  }
0x98: {  	s18 =	sld [smem:$0x3FDB];
	_ =	sdelay $0x1  }
0x99: {  	s19 =	simm.s32 $_scs_section_size  }
0x9a: {  	s4 =	simm.s32 $_size__tile_overlayer_lowered;
	s5 =	simm.s32 $_tile_overlayer_lowered  }
0x9b: {  	s22 =	simm.s32 $0x1BFF;
	s21 =	sshll.u32 s5, $0x1;
	s2 =	sadd.s32 s19, s18  }
0x9c: {  	s6 =	simm.s32 $0x0;
	s20 =	sshll.u32 s4, $0x1;
	s4 =	sadd.s32 s21, s2  }
0x9d: {  	[timem:s6], [sflag:s22] =	dma.local [hbm:s4], s20  }
0x9e: {  	_ =	swait.ge [sflag:s22], s20  }
0x9f: {  	s3 =	ssub.s32 $0x0, s20;
	[sflag:s22] =	ssyncset.done $0x0  }
0xa0: {  	[sflag:s22] =	ssyncadd.s32 s3;
	_ =	sdelay $0x1  }
0xa1: {  	s23 =	simm.s32 $0x1B8B  }
0xa2: {  	_ =	swait.ge [sflag:s23], $0x1  }
0xa3: {  	[sflag:s23] =	ssyncset.done $0x0  }
0xa4: {  	s25 =	simm.s32 $0x1B8E;
	s24 =	sld [smem:$0x3FFE];
	[sflag:s23] =	ssyncadd.s32 $0xFFFFFFFF  }
0xa5: {  	s26 =	simm.s32 $execute0_lowered;
	[smem:$0x3FD2] =	sst s25  }
0xa6: {  	s4 =	sshll.u32 s26, $0x1;
	_ =	strace $0x80000055;
	[dreg:$0x1] =	wrdreg $0xFFFFFFFF  }
0xa7: {  	s28 =	simm.s32 $_size_execute0_lowered;
	s2 =	sadd.s32 s2, s4;
	[dreg:$0x0] =	wrdreg $0x0  }
0xa8: {  	s4 =	sshll.u32 s28, $0x1;
	[dreg:$0x2] =	wrdreg s2  }
0xa9: {  	[dreg:$0x3] =	wrdreg s4  }
0xaa: {  	[dreg:$0x4] =	wrdreg $0xC0  }
0xab: {  	_ =	task [dreg:s6], $0x5FFFF  }
0xac: {  	[dreg:$0x1] =	wrdreg $0xFFFFFFFF  }
0xad: {  	[dreg:$0x0] =	wrdreg $0x60  }
0xae: {  	[dreg:$0x2] =	wrdreg s24  }
0xaf: {  	[dreg:$0x3] =	wrdreg $0x29000  }
0xb0: {  	[dreg:$0x4] =	wrdreg $0x9  }
0xb1: {  	_ =	task.clear_ibuf [dreg:s6], $0x5FFFF;
	_ =	strace $0x90000055  }
0xb2: {  	s29 =	simm.s32 $0x9;
	_ =	strace $0x80000057  }
0xb3: {  	_ =	swait.ge [sflag:s29], $0x1  }
0xb4: {  	[sflag:s29] =	ssyncadd.s32 $0xFFFFFFFF  }
0xb5: {  	_ =	strace $0x90000057  }
0xb6: {  	_ =	sfence  }
0xb7: {  	s30 =	sld [smem:$0x0];
	_ =	sdelay $0x2  }
0xb8: {  	s31 =	sshll.u32 s1, $0xD;
	s1 =	sshrl.u32 s1, $0x2  }
0xb9: {  	s3 =	sand.u32 $0x4000, s31;
	s1 =	sadd.s32 s1, s30  }
0xba: {  	s0 =	sor.u32 s3, s0;
	s1 =	sshll.u32 s1, $0x11  }
0xbb: {  	s0 =	sor.u32 s1, s0  }
0xbc: {  	s0 =	sadd.s32 $0x8F2B, s0  }
0xbd: {  	[sflag:s0] =	ssyncadd.remote.s32 $0x1  }
0xbe: {  	_ =	sfence.sel $0xFFFF  }
0xbf: {  	[dreg:$0x0] =	wrdreg $0xFFFFFFFF;
	(pc) =	sbr.abs _section_cstart, $3  }
0xc0: {  	[dreg:$0x1] =	wrdreg $0xFFFFFFFF  }
0xc1: {  	_ =	task.clear_ibuf [dreg:s6], $0x2FFFF;
	_ =	strace $0x9FFFFFFF  }
0xc2: {  	(tm) =	ssettm $0x7FFFFFFF  }
0xc3: {  	_ =	shalt  }
tec
execute0_lowered:
.L_overlay_start_1:
0x0: {  	(tag) =	ssettag $0x1  }
0x1: {  	s5 =	rddreg [dreg:$0x0]  }
0x2: {  	s0 =	srdreg.scid;
	s2 =	rddreg [dreg:$0x1]  }
0x3: {  	s1 =	rddreg [dreg:$0x2];
	s3 =	simm.s32 $0x0;
	s6 =	sand.u32 $0x1, s0  }
0x4: {  	s13 =	simm.s32 $0x80;
	s0 =	stileid.u32;
	s4 =	smul.u32 $0x27100, s6  }
0x5: {  	s14 =	simm.s32 $0x50;
	s15 =	simm.s32 $0x100;
	s7 =	smul.u32 $0x2710, s0  }
0x6: {  	s16 =	simm.s32 $0x1;
	[smem:$0x7FF] =	sst s3;
	s26 =	smul.u32 $0x14000, s0  }
0x7: {  	s17 =	simm.s32 $0x0;
	_ =	strace $0x80000056;
	s9 =	smul.u32 $0x140000, s6  }
0x8: {  	s6 =	ssub.s32 $0x2, s6;
	s29 =	smul.u32 $0x50000, s0;
	s31 =	sshll.u32 s0, $0x6  }
0x9: {  	s11 =	sshrl.u32 s6, $0x1;
	s4 =	sadd.s32 s7, s4;
	s28 =	sshrl.u32 s26, $0x3  }
0xa: {  	s7 =	sadd.s32 s26, s9;
	s11 =	ssub.s32 s6, s11;
	s30 =	sshrl.u32 s29, $0x2  }
0xb: {  	s6 =	sor.u32 $0x1C02, s31;
	s8 =	sshrl.u32 s4, $0x3;
	s4 =	sadd.s32 $0x20000, s5  }
0xc: {  	s7 =	sshrl.u32 s7, $0x3;
	s10 =	sadd.s32 s8, s5;
	s8 =	sadd.s32 s28, s5  }
0xd: {  	s12 =	sadd.s32 s30, s2;
	s7 =	sadd.s32 s7, s5;
	s5 =	sadd.s32 $0x47200, s8  }
0xe: {  	s7 =	sadd.s32 $0x6F200, s7;
	s8 =	smax.u32 s11, $0x1;
	s9 =	sadd.s32 $0xC400, s10  }
0xf: {  	s10 =	sadd.s32 $0x16200, s10;
	s11 =	sshrl.u32 s12, $0x3;
	s12 =	simm.s32 $0x2  }
.LBB2_1:
0x10: {  	[spmem:s11], [sflag:s6] =	dma.local [hbm:s5], $0x2800  }
0x11: {  	_ =	swait.ge [sflag:s12], $0x2800  }
0x12: {  	[sflag:s12] =	ssyncset.done $0x0  }
0x13: {  	[sflag:s12] =	ssyncadd.s32 $0xFFFFD800  }
0x14: {  	s18 =	sadd.s32 $0x0, s10;
	[bflag:$0x0] =	sbarrier.arrive $0xFFFF  }
0x15: {  	[tilespmem:s3], [sflag:$0x2] =	stream.linear.gather [hbm4b:s18+s3], $0x50, $0x38;
	[tilespmem:$0x16900] =	vst v63  }
0x16: {  	_ =	swait.ge [sflag:s12], $0x50  }
0x17: {  	[sflag:s12] =	ssyncset.done $0x0  }
0x18: {  	s31 =	sadd.s32 $0x0, s9;
	[sflag:s12] =	ssyncadd.s32 $0xFFFFFFB0  }
0x19: {  	[tilespmem:s13], [sflag:$0x2] =	stream.linear.gather [hbm4b:s31+s3], $0x50, $0x38;
	[tilespmem:$0x16900] =	vst v63  }
0x1a: {  	_ =	swait.ge [sflag:s12], $0x50  }
0x1b: {  	[sflag:s12] =	ssyncset.done $0x0  }
0x1c: {  	[sflag:s12] =	ssyncadd.s32 $0xFFFFFFB0  }
0x1d: {  	[tilespmem:s15], [sflag:$0x1] =	stream.indirect.gather [hbm4b:s4+s14], $0x80, s3, s14, $0xb8;
	[tilespmem:$0x16900] =	vst v63  }
0x1e: {  	_ =	swait.ge [sflag:s16], $0x2800  }
0x1f: {  	[sflag:s16] =	ssyncset.done $0x0  }
0x20: {  	[sflag:s16] =	ssyncadd.s32 $0xFFFFD800  }
0x21: {  	[spmem:s2] =	stream.indirect.scatter.add.f32 [tilespmem:s15], [sflag:$0x2], $0x80, s13, s14, $0xb8;
	[tilespmem:$0x16900] =	vst v63  }
0x22: {  	_ =	swait.ge [sflag:s12], $0x2800  }
0x23: {  	s19 =	simm.s32 $0x14;
	s18 =	simm.s32 $0xA;
	[sflag:s12] =	ssyncset.done $0x0  }
.LBB2_2:
0x24: {  	s20 =	sadd.s32 s18, s10  }
0x25: {  	[sflag:s12] =	ssyncadd.s32 $0xFFFFD800;
	s21 =	smov.u32 s19;
	s22 =	sadd.s32 $0xA, s19  }
0x26: {  	[tilespmem:s3], [sflag:$0x2] =	stream.linear.gather [hbm4b:s20+s3], $0x50, $0x38;
	[tilespmem:$0x16900] =	vst v63  }
0x27: {  	p0 =	sne.s32 s19, $0x4D8;
	_ =	swait.ge [sflag:s12], $0x50  }
0x28: {  	[sflag:s12] =	ssyncset.done $0x0  }
0x29: {  	s19 =	sadd.s32 s18, s9;
	s18 =	smov.u32 s21;
	[sflag:s12] =	ssyncadd.s32 $0xFFFFFFB0  }
0x2a: {  	[tilespmem:s13], [sflag:$0x2] =	stream.linear.gather [hbm4b:s19+s3], $0x50, $0x38;
	[tilespmem:$0x16900] =	vst v63  }
0x2b: {  	_ =	swait.ge [sflag:s12], $0x50  }
0x2c: {  	[sflag:s12] =	ssyncset.done $0x0  }
0x2d: {  	[sflag:s12] =	ssyncadd.s32 $0xFFFFFFB0  }
0x2e: {  	[tilespmem:s15], [sflag:$0x1] =	stream.indirect.gather [hbm4b:s4+s14], $0x80, s3, s14, $0xb8;
	[tilespmem:$0x16900] =	vst v63  }
0x2f: {  	_ =	swait.ge [sflag:s16], $0x2800  }
.Ltmp0:
0x30: {  	[sflag:s16] =	ssyncset.done $0x0;
	(pc) =	sbr.rel @p0 .LBB2_2-.Ltmp0, $4  }
0x31: {  	[sflag:s16] =	ssyncadd.s32 $0xFFFFD800  }
0x32: {  	[spmem:s2] =	stream.indirect.scatter.add.f32 [tilespmem:s15], [sflag:$0x2], $0x80, s13, s14, $0xb8;
	[tilespmem:$0x16900] =	vst v63  }
0x33: {  	_ =	swait.ge [sflag:s12], $0x2800  }
0x34: {  	s19 =	smov.u32 s22;
	[sflag:s12] =	ssyncset.done $0x0  }
0x35: {  	s19 =	sadd.s32 s18, s10;
	[sflag:s12] =	ssyncadd.s32 $0xFFFFD800  }
0x36: {  	[tilespmem:s3], [sflag:$0x2] =	stream.linear.gather [hbm4b:s19+s3], $0x50, $0x38;
	[tilespmem:$0x16900] =	vst v63  }
0x37: {  	_ =	swait.ge [sflag:s12], $0x50  }
0x38: {  	[sflag:s12] =	ssyncset.done $0x0  }
0x39: {  	s31 =	sadd.s32 s18, s9;
	[sflag:s12] =	ssyncadd.s32 $0xFFFFFFB0  }
0x3a: {  	[tilespmem:s13], [sflag:$0x2] =	stream.linear.gather [hbm4b:s31+s3], $0x50, $0x38;
	[tilespmem:$0x16900] =	vst v63  }
0x3b: {  	_ =	swait.ge [sflag:s12], $0x50  }
0x3c: {  	[sflag:s12] =	ssyncset.done $0x0  }
0x3d: {  	[sflag:s12] =	ssyncadd.s32 $0xFFFFFFB0  }
0x3e: {  	[tilespmem:s15], [sflag:$0x1] =	stream.indirect.gather [hbm4b:s4+s14], $0x80, s3, s14, $0xb8;
	[tilespmem:$0x16900] =	vst v63  }
0x3f: {  	_ =	swait.ge [sflag:s16], $0x2800  }
0x40: {  	[sflag:s16] =	ssyncset.done $0x0  }
0x41: {  	[sflag:s16] =	ssyncadd.s32 $0xFFFFD800  }
0x42: {  	[spmem:s2] =	stream.indirect.scatter.add.f32 [tilespmem:s15], [sflag:$0x2], $0x80, s13, s14, $0xb8;
	[tilespmem:$0x16900] =	vst v63  }
0x43: {  	_ =	swait.ge [sflag:s12], $0x2800  }
0x44: {  	s17 =	sadd.s32 $0x1, s17;
	[sflag:s12] =	ssyncset.done $0x0  }
0x45: {  	p0 =	sne.s32 s17, s8;
	[sflag:s12] =	ssyncadd.s32 $0xFFFFD800  }
.Ltmp1:
0x46: {  	[bflag:$0x0] =	sbarrier.arrive $0xFFFF;
	(pc) =	sbr.rel @p0 .LBB2_1-.Ltmp1, $4  }
0x47: {  	[hbm:s7], [sflag:s6] =	dma.local [spmem:s11], $0x2800  }
0x48: {  	_ =	swait.ge [sflag:s12], $0x2800  }
0x49: {  	[sflag:s12] =	ssyncset.done $0x0  }
0x4a: {  	[sflag:s12] =	ssyncadd.s32 $0xFFFFD800  }
0x4b: {  	_ =	sfence.sel $0x180000  }
0x4c: {  	[bflag:$0x0] =	sbarrier.arrive $0xFFFF  }
0x4d: {  	p0 =	sne.s32 s0, $0x0;
	_ =	strace $0x90000056  }
0x4e: {  	s0 =	sadd.s32 @!p0 $0x100000, s1;
	[bflag:$0x2] =	sbarrier.arrive $0xFFFF  }
0x4f: {  	[sflag:s0] =	ssyncadd.tile.s32 @!p0 $0x1;
	_ =	shalt  }
.Lfunc_end2:
_tile_overlayer_lowered:
.L_overlay_start_2:
0x50: {  	(tag) =	ssettag $0x2  }
0x51: {  	s0 =	rddreg [dreg:$0x0];
	s2 =	stileid.u32  }
0x52: {  	s1 =	rddreg [dreg:$0x1];
	p0 =	sne.s32 s2, $0x0  }
0x53: {  	s3 =	rddreg [dreg:$0x2];
	[bflag:$0x3] =	sbarrier.arrive $0xFFFF;
	s2 =	simm.s32 @!p0 $0x1C02  }
0x54: {  	[timem:s3], [sflag:s2] =	dma.local @!p0 [hbm:s0], s1  }
0x55: {  	s0 =	simm.s32 @!p0 $0x2  }
0x56: {  	_ =	swait.ge @!p0 [sflag:s0], s1  }
0x57: {  	s1 =	ssub.s32 @!p0 $0x0, s1;
	[sflag:s0] =	ssyncset.done @!p0 $0x0  }
0x58: {  	[sflag:s0] =	ssyncadd.s32 @!p0 s1  }
0x59: {  	[bflag:$0x3] =	sbarrier.arrive $0xFFFF  }
0x5a: {  	_ =	shalt  }

// kernel: kernel.36.cloned.1.call-start
scs
__scs_entry_jumppad:
0x0: {  	(pc) =	sbr.rel $0x88, $3  }
0x1: {  	(tag) =	ssettag $0x0;
	lr =	simm.s32 $0x1  }
0x2: {  	[smem:$0x3F71] =	sst lr;
	_ =	strace $0xD0000000  }
0x3: {  	_ = 	snop  }
0x4: {  	_ = 	snop  }
0x5: {  	_ = 	snop  }
0x6: {  	_ = 	snop  }
0x7: {  	_ = 	snop  }
__scs_overlays_trampoline_lowered:
0x8: {  	[smem:$0x3F80] =	sst s0  }
0x9: {  	[smem:$0x3F81] =	sst s1  }
0xa: {  	[smem:$0x3F82] =	sst s2  }
0xb: {  	[smem:$0x3F83] =	sst s3  }
0xc: {  	[smem:$0x3F84] =	sst s4  }
0xd: {  	[smem:$0x3F85] =	sst s5  }
0xe: {  	[smem:$0x3F86] =	sst s6  }
0xf: {  	[smem:$0x3F87] =	sst s7  }
0x10: {  	[smem:$0x3F88] =	sst s8  }
0x11: {  	[smem:$0x3F89] =	sst s9;
	s0 =	simm.s32 @!p0 $0x0  }
0x12: {  	s1 =	sld [smem:$0x3F6F];
	s0 =	simm.s32 @p0 $0x1  }
0x13: {  	[smem:$0x3F8A] =	sst s0;
	s0 =	simm.s32 @!p1 $0x0  }
0x14: {  	s2 =	sld [smem:$0x3F6E];
	s0 =	simm.s32 @p1 $0x1  }
0x15: {  	[smem:$0x3F8B] =	sst s0;
	s0 =	simm.s32 @!p2 $0x0  }
0x16: {  	s3 =	sld [smem:$0x3FDB];
	s0 =	simm.s32 @p2 $0x1  }
0x17: {  	s4 =	simm.s32 $0x1BF5;
	[smem:$0x3F8D] =	sst s0  }
0x18: {  	s0 =	sld [smem:$0x3F70];
	_ =	swait.ge [sflag:s4], $0x0  }
0x19: {  	s7 =	sld [smem:$0x3F71]  }
0x1a: {  	s8 =	sadd.s32 $0xFFFFE003, lr  }
0x1b: {  	s9 =	sadd.s32 $0xFFFFFEF7, lr;
	s5 =	simm.s32 $0xFFFFFFFF;
	p2 =	slt.u32 s8, $0xFFFFF086  }
0x1c: {  	p1 =	slt.u32 s9, $0xF7A;
	s5 =	simm.s32 @!p2 $0x0  }
0x1d: {  	s5 =	simm.s32 @p1 $0x1;
	p0 =	seq.s32 s7, s2  }
0x1e: {  	s7 =	smul.u32 @!p0 $0xF7A, s2;
	p2 =	seq.s32 @!p0 s5, $0x0  }
0x1f: {  	s9 =	smul.u32 $0xF7A, s1;
	s8 =	simm.s32 @!p0 $0x1BF5;
	p2 =	por !p2, p0  }
0x20: {  	[sflag:s8] =	ssyncset.s32 @!p0 $0xFFFFF086;
	s6 =	sadd.s32 @!p0 s3, s7;
	s7 =	simm.s32 @!p0 $0x108  }
0x21: {  	s3 =	sadd.s32 s3, s9;
	s6 =	sadd.s32 @!p0 $0x88, s6;
	s7 =	simm.s32 @p2 $0x1082  }
0x22: {  	[simem:s7], [sflag:s8] =	dma.local @!p0 [hbm:s6], $0xF7A  }
0x23: {  	s9 =	sor.u32 $0xD0000000, s2;
	s6 =	simm.s32 $0x108;
	_ =	swait.ge @!p0 [sflag:s8], $0x0  }
0x24: {  	s3 =	sadd.s32 $0x88, s3;
	s6 =	simm.s32 @!p1 $0x1082;
	[sflag:s4] =	ssyncset.s32 $0xFFFFF086  }
0x25: {  	[simem:s6], [sflag:s4] =	dma.local [hbm:s3], $0xF7A  }
0x26: {  	[smem:$0x3F71] =	sst s1;
	(tag) =	ssettag s2;
	_ =	strace s9  }
0x27: {  	s1 =	sld [smem:$0x3F81]  }
0x28: {  	s2 =	sld [smem:$0x3F82]  }
0x29: {  	s4 =	sld [smem:$0x3F84]  }
0x2a: {  	p0 =	seq.s32 s5, $0x0;
	s5 =	sld [smem:$0x3F85]  }
0x2b: {  	s6 =	sld [smem:$0x3F86]  }
0x2c: {  	s7 =	sld [smem:$0x3F87]  }
0x2d: {  	s3 =	simm.s32 $0x108;
	s8 =	sld [smem:$0x3F88]  }
0x2e: {  	s3 =	simm.s32 @!p0 $0x1082;
	s9 =	sld [smem:$0x3F89]  }
0x2f: {  	lr =	sadd.s32 s0, s3;
	s0 =	sld [smem:$0x3F80]  }
0x30: {  	s3 =	sld [smem:$0x3F83]  }
0x31: {  	[smem:$0x3F8C] =	sst s10  }
0x32: {  	s10 =	sld [smem:$0x3F8A];
	_ =	sdelay $0x3  }
0x33: {  	p0 =	seq.s32 s10, $0x1;
	s10 =	sld [smem:$0x3F8C];
	_ =	sdelay $0x3  }
0x34: {  	[smem:$0x3F8C] =	sst s10  }
0x35: {  	s10 =	sld [smem:$0x3F8B];
	_ =	sdelay $0x3  }
0x36: {  	p1 =	seq.s32 s10, $0x1;
	s10 =	sld [smem:$0x3F8C];
	_ =	sdelay $0x3  }
0x37: {  	[smem:$0x3F8C] =	sst s10  }
0x38: {  	s10 =	sld [smem:$0x3F8D]  }
0x39: {  	_ = 	snop;
	(pc) =	sbr.ind lr, $3  }
0x3a: {  	_ = 	snop  }
0x3b: {  	_ = 	snop  }
0x3c: {  	p2 =	seq.s32 s10, $0x1;
	s10 =	sld [smem:$0x3F8C]  }
0x3d: {  	_ =	shalt  }
0x3e: {  	_ =	shalt  }
0x3f: {  	_ =	shalt  }
0x40: {  	_ =	shalt  }
0x41: {  	_ =	shalt  }
0x42: {  	_ =	shalt  }
0x43: {  	_ =	shalt  }
0x44: {  	_ =	shalt  }
0x45: {  	_ =	shalt  }
0x46: {  	_ =	shalt  }
0x47: {  	_ =	shalt  }
0x48: {  	_ =	shalt  }
0x49: {  	_ =	shalt  }
0x4a: {  	_ =	shalt  }
0x4b: {  	_ =	shalt  }
0x4c: {  	_ =	shalt  }
0x4d: {  	_ =	shalt  }
0x4e: {  	_ =	shalt  }
0x4f: {  	_ =	shalt  }
0x50: {  	_ =	shalt  }
0x51: {  	_ =	shalt  }
0x52: {  	_ =	shalt  }
0x53: {  	_ =	shalt  }
0x54: {  	_ =	shalt  }
0x55: {  	_ =	shalt  }
0x56: {  	_ =	shalt  }
0x57: {  	_ =	shalt  }
0x58: {  	_ =	shalt  }
0x59: {  	_ =	shalt  }
0x5a: {  	_ =	shalt  }
0x5b: {  	_ =	shalt  }
0x5c: {  	_ =	shalt  }
0x5d: {  	_ =	shalt  }
0x5e: {  	_ =	shalt  }
0x5f: {  	_ =	shalt  }
0x60: {  	_ =	shalt  }
0x61: {  	_ =	shalt  }
0x62: {  	_ =	shalt  }
0x63: {  	_ =	shalt  }
0x64: {  	_ =	shalt  }
0x65: {  	_ =	shalt  }
0x66: {  	_ =	shalt  }
0x67: {  	_ =	shalt  }
0x68: {  	_ =	shalt  }
0x69: {  	_ =	shalt  }
0x6a: {  	_ =	shalt  }
0x6b: {  	_ =	shalt  }
0x6c: {  	_ =	shalt  }
0x6d: {  	_ =	shalt  }
0x6e: {  	_ =	shalt  }
0x6f: {  	_ =	shalt  }
0x70: {  	_ =	shalt  }
0x71: {  	_ =	shalt  }
0x72: {  	_ =	shalt  }
0x73: {  	_ =	shalt  }
0x74: {  	_ =	shalt  }
0x75: {  	_ =	shalt  }
0x76: {  	_ =	shalt  }
0x77: {  	_ =	shalt  }
0x78: {  	_ =	shalt  }
0x79: {  	_ =	shalt  }
0x7a: {  	_ =	shalt  }
0x7b: {  	_ =	shalt  }
0x7c: {  	_ =	shalt  }
0x7d: {  	_ =	shalt  }
0x7e: {  	_ =	shalt  }
0x7f: {  	_ =	shalt  }
0x80: {  	_ =	shalt  }
0x81: {  	_ =	shalt  }
0x82: {  	_ =	shalt  }
0x83: {  	_ =	shalt  }
0x84: {  	_ =	shalt  }
0x85: {  	_ =	shalt  }
0x86: {  	_ =	shalt  }
0x87: {  	_ =	shalt  }
.Lfunc_end0:
.L_simem_size_0:
called_computation.6_lowered:
.L_overlay_start_0:
0x88: {  	s2 =	sld [smem:$0x3FD9]  }
0x89: {  	s3 =	sld [smem:$0x3FFE];
	_ =	sdelay $0x1  }
0x8a: {  	s1 =	srdreg.scid  }
0x8b: {  	s0 =	sand.u32 $0x1, s1  }
0x8c: {  	s16 =	sshll.u32 s0, $0xA;
	s2 =	sadd.s32 s3, s2  }
0x8d: {  	s2 =	sadd.s32 s2, s16  }
0x8e: {  	[smem:$0x3F98] =	sst s2  }
0x8f: {  	_ = 	snop  }
0x90: {  	(tm) =	ssettm $0x1  }
0x91: {  	s17 =	sld [smem:$0x3FFB];
	_ =	sdelay $0x3  }
0x92: {  	_ =	strace s17  }
0x93: {  	s2 =	sld [smem:$0x3FFC];
	_ =	sdelay $0x3  }
0x94: {  	_ =	strace s2  }
0x95: {  	s2 =	sld [smem:$0x3FFD];
	_ =	sdelay $0x3  }
0x96: {  	_ =	strace s2  }
0x97: {  	_ =	strace $0x8FFFFFFF  }
0x98: {  	s18 =	sld [smem:$0x3FDB];
	_ =	sdelay $0x1  }
0x99: {  	s19 =	simm.s32 $_scs_section_size  }
0x9a: {  	s4 =	simm.s32 $_size__tile_overlayer_lowered;
	s5 =	simm.s32 $_tile_overlayer_lowered  }
0x9b: {  	s22 =	simm.s32 $0x1BFF;
	s21 =	sshll.u32 s5, $0x1;
	s2 =	sadd.s32 s19, s18  }
0x9c: {  	s6 =	simm.s32 $0x0;
	s20 =	sshll.u32 s4, $0x1;
	s4 =	sadd.s32 s21, s2  }
0x9d: {  	[timem:s6], [sflag:s22] =	dma.local [hbm:s4], s20  }
0x9e: {  	_ =	swait.ge [sflag:s22], s20  }
0x9f: {  	s3 =	ssub.s32 $0x0, s20;
	[sflag:s22] =	ssyncset.done $0x0  }
0xa0: {  	[sflag:s22] =	ssyncadd.s32 s3;
	_ =	sdelay $0x1  }
0xa1: {  	s23 =	simm.s32 $0x1B8B  }
0xa2: {  	_ =	swait.ge [sflag:s23], $0x1  }
0xa3: {  	[sflag:s23] =	ssyncset.done $0x0  }
0xa4: {  	s25 =	simm.s32 $0x1B8E;
	s24 =	sld [smem:$0x3FFE];
	[sflag:s23] =	ssyncadd.s32 $0xFFFFFFFF  }
0xa5: {  	s26 =	simm.s32 $execute0_lowered;
	[smem:$0x3FD2] =	sst s25  }
0xa6: {  	s4 =	sshll.u32 s26, $0x1;
	_ =	strace $0x80000058;
	[dreg:$0x1] =	wrdreg $0xFFFFFFFF  }
0xa7: {  	s28 =	simm.s32 $_size_execute0_lowered;
	s2 =	sadd.s32 s2, s4;
	[dreg:$0x0] =	wrdreg $0x0  }
0xa8: {  	s4 =	sshll.u32 s28, $0x1;
	[dreg:$0x2] =	wrdreg s2  }
0xa9: {  	[dreg:$0x3] =	wrdreg s4  }
0xaa: {  	[dreg:$0x4] =	wrdreg $0xC0  }
0xab: {  	_ =	task [dreg:s6], $0x5FFFF  }
0xac: {  	[dreg:$0x1] =	wrdreg $0xFFFFFFFF  }
0xad: {  	[dreg:$0x0] =	wrdreg $0x60  }
0xae: {  	[dreg:$0x2] =	wrdreg s24  }
0xaf: {  	[dreg:$0x3] =	wrdreg $0x29000  }
0xb0: {  	[dreg:$0x4] =	wrdreg $0x9  }
0xb1: {  	_ =	task.clear_ibuf [dreg:s6], $0x5FFFF;
	_ =	strace $0x90000058  }
0xb2: {  	s29 =	simm.s32 $0x9;
	_ =	strace $0x8000005A  }
0xb3: {  	_ =	swait.ge [sflag:s29], $0x1  }
0xb4: {  	[sflag:s29] =	ssyncadd.s32 $0xFFFFFFFF  }
0xb5: {  	_ =	strace $0x9000005A  }
0xb6: {  	_ =	sfence  }
0xb7: {  	s30 =	sld [smem:$0x0];
	_ =	sdelay $0x2  }
0xb8: {  	s31 =	sshll.u32 s1, $0xD;
	s1 =	sshrl.u32 s1, $0x2  }
0xb9: {  	s3 =	sand.u32 $0x4000, s31;
	s1 =	sadd.s32 s1, s30  }
0xba: {  	s0 =	sor.u32 s3, s0;
	s1 =	sshll.u32 s1, $0x11  }
0xbb: {  	s0 =	sor.u32 s1, s0  }
0xbc: {  	s0 =	sadd.s32 $0x8F2B, s0  }
0xbd: {  	[sflag:s0] =	ssyncadd.remote.s32 $0x1  }
0xbe: {  	_ =	sfence.sel $0xFFFF  }
0xbf: {  	[dreg:$0x0] =	wrdreg $0xFFFFFFFF;
	(pc) =	sbr.abs _section_cstart, $3  }
0xc0: {  	[dreg:$0x1] =	wrdreg $0xFFFFFFFF  }
0xc1: {  	_ =	task.clear_ibuf [dreg:s6], $0x2FFFF;
	_ =	strace $0x9FFFFFFF  }
0xc2: {  	(tm) =	ssettm $0x7FFFFFFF  }
0xc3: {  	_ =	shalt  }
tec
execute0_lowered:
.L_overlay_start_1:
0x0: {  	(tag) =	ssettag $0x1  }
0x1: {  	s5 =	rddreg [dreg:$0x0]  }
0x2: {  	s0 =	srdreg.scid;
	s2 =	rddreg [dreg:$0x1]  }
0x3: {  	s1 =	rddreg [dreg:$0x2];
	s3 =	simm.s32 $0x0;
	s6 =	sand.u32 $0x1, s0  }
0x4: {  	s13 =	simm.s32 $0x80;
	s0 =	stileid.u32;
	s4 =	smul.u32 $0x27100, s6  }
0x5: {  	s14 =	simm.s32 $0x50;
	s15 =	simm.s32 $0x100;
	s7 =	smul.u32 $0x2710, s0  }
0x6: {  	s16 =	simm.s32 $0x1;
	[smem:$0x7FF] =	sst s3;
	s26 =	smul.u32 $0x14000, s0  }
0x7: {  	s17 =	simm.s32 $0x0;
	_ =	strace $0x80000059;
	s9 =	smul.u32 $0x140000, s6  }
0x8: {  	s6 =	ssub.s32 $0x2, s6;
	s29 =	smul.u32 $0x50000, s0;
	s31 =	sshll.u32 s0, $0x6  }
0x9: {  	s11 =	sshrl.u32 s6, $0x1;
	s4 =	sadd.s32 s7, s4;
	s28 =	sshrl.u32 s26, $0x3  }
0xa: {  	s7 =	sadd.s32 s26, s9;
	s11 =	ssub.s32 s6, s11;
	s30 =	sshrl.u32 s29, $0x2  }
0xb: {  	s6 =	sor.u32 $0x1C02, s31;
	s8 =	sshrl.u32 s4, $0x3;
	s4 =	sadd.s32 $0x20000, s5  }
0xc: {  	s7 =	sshrl.u32 s7, $0x3;
	s10 =	sadd.s32 s8, s5;
	s8 =	sadd.s32 s28, s5  }
0xd: {  	s12 =	sadd.s32 s30, s2;
	s7 =	sadd.s32 s7, s5;
	s5 =	sadd.s32 $0x47200, s8  }
0xe: {  	s7 =	sadd.s32 $0x6F200, s7;
	s8 =	smax.u32 s11, $0x1;
	s9 =	sadd.s32 $0xC400, s10  }
0xf: {  	s10 =	sadd.s32 $0x16200, s10;
	s11 =	sshrl.u32 s12, $0x3;
	s12 =	simm.s32 $0x2  }
.LBB2_1:
0x10: {  	[spmem:s11], [sflag:s6] =	dma.local [hbm:s5], $0x2800  }
0x11: {  	_ =	swait.ge [sflag:s12], $0x2800  }
0x12: {  	[sflag:s12] =	ssyncset.done $0x0  }
0x13: {  	[sflag:s12] =	ssyncadd.s32 $0xFFFFD800  }
0x14: {  	s18 =	sadd.s32 $0x0, s10;
	[bflag:$0x0] =	sbarrier.arrive $0xFFFF  }
0x15: {  	[tilespmem:s3], [sflag:$0x2] =	stream.linear.gather [hbm4b:s18+s3], $0x50, $0x38;
	[tilespmem:$0x16900] =	vst v63  }
0x16: {  	_ =	swait.ge [sflag:s12], $0x50  }
0x17: {  	[sflag:s12] =	ssyncset.done $0x0  }
0x18: {  	s31 =	sadd.s32 $0x0, s9;
	[sflag:s12] =	ssyncadd.s32 $0xFFFFFFB0  }
0x19: {  	[tilespmem:s13], [sflag:$0x2] =	stream.linear.gather [hbm4b:s31+s3], $0x50, $0x38;
	[tilespmem:$0x16900] =	vst v63  }
0x1a: {  	_ =	swait.ge [sflag:s12], $0x50  }
0x1b: {  	[sflag:s12] =	ssyncset.done $0x0  }
0x1c: {  	[sflag:s12] =	ssyncadd.s32 $0xFFFFFFB0  }
0x1d: {  	[tilespmem:s15], [sflag:$0x1] =	stream.indirect.gather [hbm4b:s4+s14], $0x80, s3, s14, $0xb8;
	[tilespmem:$0x16900] =	vst v63  }
0x1e: {  	_ =	swait.ge [sflag:s16], $0x2800  }
0x1f: {  	[sflag:s16] =	ssyncset.done $0x0  }
0x20: {  	[sflag:s16] =	ssyncadd.s32 $0xFFFFD800  }
0x21: {  	[spmem:s2] =	stream.indirect.scatter.add.f32 [tilespmem:s15], [sflag:$0x2], $0x80, s13, s14, $0xb8;
	[tilespmem:$0x16900] =	vst v63  }
0x22: {  	_ =	swait.ge [sflag:s12], $0x2800  }
0x23: {  	s19 =	simm.s32 $0x14;
	s18 =	simm.s32 $0xA;
	[sflag:s12] =	ssyncset.done $0x0  }
.LBB2_2:
0x24: {  	s20 =	sadd.s32 s18, s10  }
0x25: {  	[sflag:s12] =	ssyncadd.s32 $0xFFFFD800;
	s21 =	smov.u32 s19;
	s22 =	sadd.s32 $0xA, s19  }
0x26: {  	[tilespmem:s3], [sflag:$0x2] =	stream.linear.gather [hbm4b:s20+s3], $0x50, $0x38;
	[tilespmem:$0x16900] =	vst v63  }
0x27: {  	p0 =	sne.s32 s19, $0x4D8;
	_ =	swait.ge [sflag:s12], $0x50  }
0x28: {  	[sflag:s12] =	ssyncset.done $0x0  }
0x29: {  	s19 =	sadd.s32 s18, s9;
	s18 =	smov.u32 s21;
	[sflag:s12] =	ssyncadd.s32 $0xFFFFFFB0  }
0x2a: {  	[tilespmem:s13], [sflag:$0x2] =	stream.linear.gather [hbm4b:s19+s3], $0x50, $0x38;
	[tilespmem:$0x16900] =	vst v63  }
0x2b: {  	_ =	swait.ge [sflag:s12], $0x50  }
0x2c: {  	[sflag:s12] =	ssyncset.done $0x0  }
0x2d: {  	[sflag:s12] =	ssyncadd.s32 $0xFFFFFFB0  }
0x2e: {  	[tilespmem:s15], [sflag:$0x1] =	stream.indirect.gather [hbm4b:s4+s14], $0x80, s3, s14, $0xb8;
	[tilespmem:$0x16900] =	vst v63  }
0x2f: {  	_ =	swait.ge [sflag:s16], $0x2800  }
.Ltmp0:
0x30: {  	[sflag:s16] =	ssyncset.done $0x0;
	(pc) =	sbr.rel @p0 .LBB2_2-.Ltmp0, $4  }
0x31: {  	[sflag:s16] =	ssyncadd.s32 $0xFFFFD800  }
0x32: {  	[spmem:s2] =	stream.indirect.scatter.add.f32 [tilespmem:s15], [sflag:$0x2], $0x80, s13, s14, $0xb8;
	[tilespmem:$0x16900] =	vst v63  }
0x33: {  	_ =	swait.ge [sflag:s12], $0x2800  }
0x34: {  	s19 =	smov.u32 s22;
	[sflag:s12] =	ssyncset.done $0x0  }
0x35: {  	s19 =	sadd.s32 s18, s10;
	[sflag:s12] =	ssyncadd.s32 $0xFFFFD800  }
0x36: {  	[tilespmem:s3], [sflag:$0x2] =	stream.linear.gather [hbm4b:s19+s3], $0x50, $0x38;
	[tilespmem:$0x16900] =	vst v63  }
0x37: {  	_ =	swait.ge [sflag:s12], $0x50  }
0x38: {  	[sflag:s12] =	ssyncset.done $0x0  }
0x39: {  	s31 =	sadd.s32 s18, s9;
	[sflag:s12] =	ssyncadd.s32 $0xFFFFFFB0  }
0x3a: {  	[tilespmem:s13], [sflag:$0x2] =	stream.linear.gather [hbm4b:s31+s3], $0x50, $0x38;
	[tilespmem:$0x16900] =	vst v63  }
0x3b: {  	_ =	swait.ge [sflag:s12], $0x50  }
0x3c: {  	[sflag:s12] =	ssyncset.done $0x0  }
0x3d: {  	[sflag:s12] =	ssyncadd.s32 $0xFFFFFFB0  }
0x3e: {  	[tilespmem:s15], [sflag:$0x1] =	stream.indirect.gather [hbm4b:s4+s14], $0x80, s3, s14, $0xb8;
	[tilespmem:$0x16900] =	vst v63  }
0x3f: {  	_ =	swait.ge [sflag:s16], $0x2800  }
0x40: {  	[sflag:s16] =	ssyncset.done $0x0  }
0x41: {  	[sflag:s16] =	ssyncadd.s32 $0xFFFFD800  }
0x42: {  	[spmem:s2] =	stream.indirect.scatter.add.f32 [tilespmem:s15], [sflag:$0x2], $0x80, s13, s14, $0xb8;
	[tilespmem:$0x16900] =	vst v63  }
0x43: {  	_ =	swait.ge [sflag:s12], $0x2800  }
0x44: {  	s17 =	sadd.s32 $0x1, s17;
	[sflag:s12] =	ssyncset.done $0x0  }
0x45: {  	p0 =	sne.s32 s17, s8;
	[sflag:s12] =	ssyncadd.s32 $0xFFFFD800  }
.Ltmp1:
0x46: {  	[bflag:$0x0] =	sbarrier.arrive $0xFFFF;
	(pc) =	sbr.rel @p0 .LBB2_1-.Ltmp1, $4  }
0x47: {  	[hbm:s7], [sflag:s6] =	dma.local [spmem:s11], $0x2800  }
0x48: {  	_ =	swait.ge [sflag:s12], $0x2800  }
0x49: {  	[sflag:s12] =	ssyncset.done $0x0  }
0x4a: {  	[sflag:s12] =	ssyncadd.s32 $0xFFFFD800  }
0x4b: {  	_ =	sfence.sel $0x180000  }
0x4c: {  	[bflag:$0x0] =	sbarrier.arrive $0xFFFF  }
0x4d: {  	p0 =	sne.s32 s0, $0x0;
	_ =	strace $0x90000059  }
0x4e: {  	s0 =	sadd.s32 @!p0 $0x100000, s1;
	[bflag:$0x2] =	sbarrier.arrive $0xFFFF  }
0x4f: {  	[sflag:s0] =	ssyncadd.tile.s32 @!p0 $0x1;
	_ =	shalt  }
.Lfunc_end2:
_tile_overlayer_lowered:
.L_overlay_start_2:
0x50: {  	(tag) =	ssettag $0x2  }
0x51: {  	s0 =	rddreg [dreg:$0x0];
	s2 =	stileid.u32  }
0x52: {  	s1 =	rddreg [dreg:$0x1];
	p0 =	sne.s32 s2, $0x0  }
0x53: {  	s3 =	rddreg [dreg:$0x2];
	[bflag:$0x3] =	sbarrier.arrive $0xFFFF;
	s2 =	simm.s32 @!p0 $0x1C02  }
0x54: {  	[timem:s3], [sflag:s2] =	dma.local @!p0 [hbm:s0], s1  }
0x55: {  	s0 =	simm.s32 @!p0 $0x2  }
0x56: {  	_ =	swait.ge @!p0 [sflag:s0], s1  }
0x57: {  	s1 =	ssub.s32 @!p0 $0x0, s1;
	[sflag:s0] =	ssyncset.done @!p0 $0x0  }
0x58: {  	[sflag:s0] =	ssyncadd.s32 @!p0 s1  }
0x59: {  	[bflag:$0x3] =	sbarrier.arrive $0xFFFF  }
0x5a: {  	_ =	shalt  }

</sc_bundles>
